<compile_context>
chip_gen: v7x
topology: tpu7x:2x2x1
jax: 0.10.2.dev20260603
libtpu: 0.0.44.dev20260713+nightly
codegen_flags: <defaults>
</compile_context>

<pallas_src>
import functools

import jax
import jax.numpy as jnp
from jax import lax
from jax.experimental import pallas as pl
from jax.experimental.pallas import tpu as pltpu
from jax.experimental.pallas import tpu_sc as plsc

N = 10000
E = 320000
D = 128

NC = 2
NS = 16
NW = NC * NS
CHUNK = 125
CHUNKS = 80
E_TILE = CHUNK * CHUNKS
ROWS_SUB = 640
N_PAD = NS * ROWS_SUB
NBUF = 2
LOOK = 1
H = 2
CH = CHUNKS // H
DEG_RING = 4
assert CH % NBUF == 0 and 1 <= LOOK < NBUF

_MESH = plsc.VectorSubcoreMesh(core_axis_name="core", subcore_axis_name="subcore")



@functools.partial(
    pl.kernel,
    out_type=jax.ShapeDtypeStruct((NC, N_PAD, D), jnp.float32),
    mesh=_MESH,
    scratch_types=[
        pltpu.VMEM((CHUNKS, CHUNK), jnp.int32),
        pltpu.VMEM((CHUNK, D), jnp.float32),
        pltpu.VMEM_SHARED((N_PAD, D), jnp.float32),
    ] + [pltpu.SemaphoreType.DMA] * DEG_RING,
)
def _sc_degree(edges_hbm, ones_hbm, zeros_hbm, out_hbm, dst_v, ones_v, acc,
               *sems):
    c = lax.axis_index("core")
    s = lax.axis_index("subcore")
    wid = c * NS + s
    pltpu.sync_copy(zeros_hbm, acc.at[pl.ds(s * ROWS_SUB, ROWS_SUB)])
    pltpu.sync_copy(ones_hbm, ones_v)
    pltpu.sync_copy(edges_hbm.at[1, wid], dst_v)
    plsc.subcore_barrier()

    @pl.loop(0, CHUNKS, step=DEG_RING)
    def _(jo):
        for b in range(DEG_RING):
            j = jo + b

            @pl.when(jo > 0)
            def _():
                pltpu.make_async_copy(ones_v, acc.at[dst_v.at[j]],
                                      sems[b]).wait()

            pltpu.async_copy(ones_v, acc.at[dst_v.at[j]], sems[b], add=True)

    for b in range(DEG_RING):
        pltpu.make_async_copy(ones_v, acc.at[dst_v.at[b]], sems[b]).wait()

    plsc.subcore_barrier()
    pltpu.sync_copy(acc.at[pl.ds(s * ROWS_SUB, ROWS_SUB)],
                    out_hbm.at[c, pl.ds(s * ROWS_SUB, ROWS_SUB)])


@functools.partial(
    pl.kernel,
    out_type=jax.ShapeDtypeStruct((NC, N_PAD, D), jnp.float32),
    mesh=_MESH,
    scratch_types=[
        pltpu.VMEM((CH, CHUNK), jnp.int32),
        pltpu.VMEM((CH, CHUNK), jnp.int32),
        pltpu.VMEM((NBUF, CHUNK, D), jnp.float32),
        pltpu.VMEM_SHARED((N_PAD, D), jnp.float32),
    ] + [pltpu.SemaphoreType.DMA] * (2 * NBUF),
)
def _sc_aggregate(g_hbm, edges_hbm, zeros_hbm, out_hbm,
                  src_v, dst_v, rows_v, acc, *sems):
    gsem = sems[:NBUF]
    ssem = sems[NBUF:]
    c = lax.axis_index("core")
    s = lax.axis_index("subcore")
    wid = c * NS + s
    pltpu.sync_copy(zeros_hbm, acc.at[pl.ds(s * ROWS_SUB, ROWS_SUB)])
    plsc.subcore_barrier()

    for h in range(H):
        pltpu.sync_copy(edges_hbm.at[0, wid, pl.ds(h * CH, CH)], src_v)
        pltpu.sync_copy(edges_hbm.at[1, wid, pl.ds(h * CH, CH)], dst_v)
        for b in range(LOOK):
            pltpu.async_copy(g_hbm.at[src_v.at[b]], rows_v.at[b], gsem[b])

        @pl.loop(0, CH, step=NBUF)
        def _(jo):
            for b in range(NBUF):
                j = jo + b
                bl = (b + LOOK) % NBUF

                @pl.when(j >= NBUF - LOOK)
                def _():
                    pltpu.make_async_copy(rows_v.at[bl], acc.at[dst_v.at[j]],
                                          ssem[bl]).wait()

                jg = jnp.where(j + LOOK >= CH, 0, j + LOOK)
                pltpu.async_copy(g_hbm.at[src_v.at[jg]], rows_v.at[bl],
                                 gsem[bl])
                pltpu.make_async_copy(g_hbm.at[src_v.at[j]], rows_v.at[b],
                                      gsem[b]).wait()
                pltpu.async_copy(rows_v.at[b], acc.at[dst_v.at[j]], ssem[b],
                                 add=True)

        for t in range(CH + LOOK - NBUF, CH):
            pltpu.make_async_copy(rows_v.at[t % NBUF], acc.at[dst_v.at[0]],
                                  ssem[t % NBUF]).wait()
        for t in range(CH, CH + LOOK):
            pltpu.make_async_copy(g_hbm.at[src_v.at[0]], rows_v.at[t % NBUF],
                                  gsem[t % NBUF]).wait()

    plsc.subcore_barrier()
    pltpu.sync_copy(acc.at[pl.ds(s * ROWS_SUB, ROWS_SUB)],
                    out_hbm.at[c, pl.ds(s * ROWS_SUB, ROWS_SUB)])



def _dinv_from_counts(cnt_ref):
    s = (cnt_ref[0] + cnt_ref[1])[:, 0:1].astype(jnp.float32)
    return lax.rsqrt(1.0 + s)


def _tc_first(cnt_ref, x_ref, w_ref, g_ref):
    dinv = _dinv_from_counts(cnt_ref)
    h = jnp.dot(x_ref[...], w_ref[...], preferred_element_type=jnp.float32)
    g_ref[pl.ds(0, N)] = dinv[:N] * h
    g_ref[pl.ds(N, N_PAD - N)] = jnp.zeros((N_PAD - N, D), jnp.float32)


def _tc_mid(cnt_ref, a_ref, g_ref, b_ref, w_ref, g2_ref):
    dinv = _dinv_from_counts(cnt_ref)
    z = dinv * (a_ref[0] + a_ref[1] + g_ref[...]) + b_ref[...]
    z = jnp.maximum(z, 0.0)
    h = jnp.dot(z, w_ref[...], preferred_element_type=jnp.float32)
    g2_ref[...] = dinv * h


def _tc_last(cnt_ref, a_ref, g_ref, b_ref, out_ref):
    dinv = _dinv_from_counts(cnt_ref)
    out_ref[...] = dinv * (a_ref[0] + a_ref[1] + g_ref[...]) + b_ref[...]


def _call_tc(body, *args):
    return pl.pallas_call(
        body,
        out_shape=jax.ShapeDtypeStruct((N_PAD, D), jnp.float32),
    )(*args)



def kernel(x, edge_index, W1, b1, W2, b2):
    edges = edge_index.astype(jnp.int32).reshape(2, NW, CHUNKS, CHUNK)

    onesD = jnp.ones((CHUNK, D), jnp.float32)
    zerosD = jnp.zeros((ROWS_SUB, D), jnp.float32)
    b1r = b1.reshape(1, D)
    b2r = b2.reshape(1, D)

    cnt = _sc_degree(edges, onesD, zerosD)
    g1 = _call_tc(_tc_first, cnt, x, W1)
    a1 = _sc_aggregate(g1, edges, zerosD)
    g2 = _call_tc(_tc_mid, cnt, a1, g1, b1r, W2)
    a2 = _sc_aggregate(g2, edges, zerosD)
    out = _call_tc(_tc_last, cnt, a2, g2, b2r)
    return out[:N]

# --- scband reference (transcript-rebuilt; emitter-appended) ---
"""Pipeline reference for scband-graph-encoder-47493748359349 (READ-ONLY COPY).

The authoritative reference and input builder live on the scoring server;
editing this copy changes nothing except your own understanding.
"""

import jax, jax.numpy as jnp
import numpy as np

N_NODES = 10000
N_EDGES = 320000
D_IN = 128
D_HID = 128


def gcn_conv(x, edge_index, W, b):
    N = x.shape[0]
    src = edge_index[0]
    dst = edge_index[1]
    loop = jnp.arange(N, dtype=src.dtype)
    src = jnp.concatenate([src, loop])
    dst = jnp.concatenate([dst, loop])
    ew = jnp.ones(src.shape[0], dtype=x.dtype)
    deg = jnp.zeros((N,), dtype=x.dtype).at[dst].add(ew)
    dinv = jnp.where(deg > 0, deg ** -0.5, 0.0)
    norm = dinv[src] * dinv[dst]
    h = x @ W
    msg = norm[:, None] * jnp.take(h, src, axis=0)
    out = jnp.zeros((N, h.shape[1]), dtype=x.dtype).at[dst].add(msg)
    return out + b


def setup_inputs(seed: int = 0) -> dict:
    key = jax.random.key(seed)
    k_x, k_e, k_w1, k_w2 = jax.random.split(key, 4)
    x = jax.random.normal(k_x, (N_NODES, D_IN), dtype=jnp.float32)
    edge_index = jax.random.randint(k_e, (2, N_EDGES), 0, N_NODES, dtype=jnp.int64 if jax.config.jax_enable_x64 else jnp.int32)
    s1 = 1.0 / np.sqrt(D_IN)
    s2 = 1.0 / np.sqrt(D_HID)
    W1 = jax.random.uniform(k_w1, (D_IN, D_HID), dtype=jnp.float32, minval=-s1, maxval=s1)
    b1 = jnp.zeros((D_HID,), dtype=jnp.float32)
    W2 = jax.random.uniform(k_w2, (D_HID, D_HID), dtype=jnp.float32, minval=-s2, maxval=s2)
    b2 = jnp.zeros((D_HID,), dtype=jnp.float32)
    return {"x": x, "edge_index": edge_index, "W1": W1, "b1": b1, "W2": W2, "b2": b2}


def reference(x, edge_index, W1, b1, W2, b2):
    h = gcn_conv(x, edge_index, W1, b1)
    h = jax.nn.relu(h)
    # dropout is identity in eval mode
    out = gcn_conv(h, edge_index, W2, b2)
    return out

if __name__ == "__main__":
    import jax
    _d = setup_inputs()
    print(jax.jit(kernel)(*tuple(_d.values())))

</pallas_src>

<mosaic_0001>
#map = affine_map<(d0, d1) -> (0, 0, 0, 0)>
#map1 = affine_map<(d0, d1) -> (0, 0)>
#map2 = affine_map<(d0, d1) -> (0, 0, 0)>
module attributes {stable_mosaic.version = 14 : i64} {
  func.func @_sc_degree(%arg0: i32, %arg1: i32, %arg2: memref<2x32x80x125xi32, #tpu.memory_space<hbm>>, %arg3: memref<125x128xf32, #tpu.memory_space<hbm>>, %arg4: memref<640x128xf32, #tpu.memory_space<hbm>>, %arg5: memref<2x10240x128xf32, #tpu.memory_space<hbm>>, %arg6: memref<80x125xi32, #tpu.memory_space<vmem>>, %arg7: memref<125x128xf32, #tpu.memory_space<vmem>>, %arg8: memref<10240x128xf32, #tpu.memory_space<vmem_shared>>, %arg9: memref<!tpu.dma_semaphore, #tpu.memory_space<semaphore_mem>>, %arg10: memref<!tpu.dma_semaphore, #tpu.memory_space<semaphore_mem>>, %arg11: memref<!tpu.dma_semaphore, #tpu.memory_space<semaphore_mem>>, %arg12: memref<!tpu.dma_semaphore, #tpu.memory_space<semaphore_mem>>) attributes {dimension_semantics = [#tpu.dimension_semantics<core_parallel>, #tpu.dimension_semantics<subcore_parallel>], iteration_bounds = array<i64: 2, 16>, scalar_prefetch = 0 : i64, scratch_operands = 7 : i64, tpu.core_type = #tpu.core_type<sc_vector_subcore>, window_params = [{transform_indices = #map}, {transform_indices = #map1}, {transform_indices = #map1}, {transform_indices = #map2}]} {
    %mul3A = arith.constant 16 : i32
    %mul3A_0 = arith.muli %arg0, %mul3A : i32
    %add3A = arith.addi %mul3A_0, %arg1 : i32
    %mul3A_1 = arith.constant 640 : i32
    %mul3A_2 = arith.muli %arg1, %mul3A_1 : i32
    "tpu.region"() ({
      %run_scoped3A_39 = tpu.sem_alloc : memref<!tpu.dma_semaphore, #tpu.memory_space<semaphore_mem>>
      %dma_start3A = arith.constant 0 : i32
      %dma_start3A_40 = tpu.memref_slice %arg8[%mul3A_2, %dma_start3A] : memref<10240x128xf32, #tpu.memory_space<vmem_shared>> -> memref<640x128xf32, #tpu.memory_space<vmem_shared>>
      tpu.enqueue_dma source(%arg4 : memref<640x128xf32, #tpu.memory_space<hbm>>) target(%dma_start3A_40 : memref<640x128xf32, #tpu.memory_space<vmem_shared>>) target_semaphore(%run_scoped3A_39 : memref<!tpu.dma_semaphore, #tpu.memory_space<semaphore_mem>>)
      %dma_wait3A_41 = arith.constant 0 : i32
      %dma_wait3A_42 = tpu.memref_slice %arg8[%mul3A_2, %dma_wait3A_41] : memref<10240x128xf32, #tpu.memory_space<vmem_shared>> -> memref<640x128xf32, #tpu.memory_space<vmem_shared>>
      tpu.wait_dma2 semaphore(%run_scoped3A_39 : memref<!tpu.dma_semaphore, #tpu.memory_space<semaphore_mem>>) src(%arg4 : memref<640x128xf32, #tpu.memory_space<hbm>>) dst(%dma_wait3A_42 : memref<640x128xf32, #tpu.memory_space<vmem_shared>>)
      tpu.yield
    }) : () -> ()
    "tpu.region"() ({
      %run_scoped3A_39 = tpu.sem_alloc : memref<!tpu.dma_semaphore, #tpu.memory_space<semaphore_mem>>
      tpu.enqueue_dma source(%arg3 : memref<125x128xf32, #tpu.memory_space<hbm>>) target(%arg7 : memref<125x128xf32, #tpu.memory_space<vmem>>) target_semaphore(%run_scoped3A_39 : memref<!tpu.dma_semaphore, #tpu.memory_space<semaphore_mem>>)
      tpu.wait_dma2 semaphore(%run_scoped3A_39 : memref<!tpu.dma_semaphore, #tpu.memory_space<semaphore_mem>>) src(%arg3 : memref<125x128xf32, #tpu.memory_space<hbm>>) dst(%arg7 : memref<125x128xf32, #tpu.memory_space<vmem>>)
      tpu.yield
    }) : () -> ()
    %run_scoped3A = arith.constant 1 : i32
    "tpu.region"() ({
      %run_scoped3A_39 = tpu.sem_alloc : memref<!tpu.dma_semaphore, #tpu.memory_space<semaphore_mem>>
      %dma_start3A = arith.constant 0 : i32
      %dma_start3A_40 = arith.constant 0 : i32
      %dma_start3A_41 = tpu.memref_slice %arg2[%run_scoped3A, %add3A, %dma_start3A, %dma_start3A_40] : memref<2x32x80x125xi32, #tpu.memory_space<hbm>> -> memref<1x1x80x125xi32, #tpu.memory_space<hbm>>
      %dma_start3A_42 = tpu.memref_squeeze %dma_start3A_41 : memref<1x1x80x125xi32, #tpu.memory_space<hbm>> -> memref<80x125xi32, #tpu.memory_space<hbm>>
      %dma_start3A_43 = arith.constant 0 : i32
      %dma_start3A_44 = arith.constant 0 : i32
      %dma_start3A_45 = tpu.memref_slice %arg2[%run_scoped3A, %add3A, %dma_start3A_43, %dma_start3A_44] : memref<2x32x80x125xi32, #tpu.memory_space<hbm>> -> memref<1x1x80x125xi32, #tpu.memory_space<hbm>>
      %dma_start3A_46 = tpu.memref_squeeze %dma_start3A_45 : memref<1x1x80x125xi32, #tpu.memory_space<hbm>> -> memref<80x125xi32, #tpu.memory_space<hbm>>
      tpu.enqueue_dma source(%dma_start3A_46 : memref<80x125xi32, #tpu.memory_space<hbm>>) target(%arg6 : memref<80x125xi32, #tpu.memory_space<vmem>>) target_semaphore(%run_scoped3A_39 : memref<!tpu.dma_semaphore, #tpu.memory_space<semaphore_mem>>)
      %dma_wait3A_47 = arith.constant 0 : i32
      %dma_wait3A_48 = arith.constant 0 : i32
      %dma_wait3A_49 = tpu.memref_slice %arg2[%run_scoped3A, %add3A, %dma_wait3A_47, %dma_wait3A_48] : memref<2x32x80x125xi32, #tpu.memory_space<hbm>> -> memref<1x1x80x125xi32, #tpu.memory_space<hbm>>
      %dma_wait3A_50 = tpu.memref_squeeze %dma_wait3A_49 : memref<1x1x80x125xi32, #tpu.memory_space<hbm>> -> memref<80x125xi32, #tpu.memory_space<hbm>>
      %dma_wait3A_51 = arith.constant 0 : i32
      %dma_wait3A_52 = arith.constant 0 : i32
      %dma_wait3A_53 = tpu.memref_slice %arg2[%run_scoped3A, %add3A, %dma_wait3A_51, %dma_wait3A_52] : memref<2x32x80x125xi32, #tpu.memory_space<hbm>> -> memref<1x1x80x125xi32, #tpu.memory_space<hbm>>
      %dma_wait3A_54 = tpu.memref_squeeze %dma_wait3A_53 : memref<1x1x80x125xi32, #tpu.memory_space<hbm>> -> memref<80x125xi32, #tpu.memory_space<hbm>>
      tpu.wait_dma2 semaphore(%run_scoped3A_39 : memref<!tpu.dma_semaphore, #tpu.memory_space<semaphore_mem>>) src(%dma_wait3A_54 : memref<80x125xi32, #tpu.memory_space<hbm>>) dst(%arg6 : memref<80x125xi32, #tpu.memory_space<vmem>>)
      tpu.yield
    }) : () -> ()
    %barrier3A = arith.constant 0 : index
    tpu.barrier barrier_id(%barrier3A)
    %scan3A = arith.constant 0 : i32
    %scan3A_3 = arith.constant 20 : i32
    %scan3A_4 = arith.addi %scan3A, %scan3A_3 : i32
    %scan3A_5 = arith.constant 1 : i32
    scf.for %scan3A_39 = %scan3A to %scan3A_4 step %scan3A_5  : i32 {
      %mul3A_40 = arith.constant 4 : i32
      %mul3A_41 = arith.muli %scan3A_39, %mul3A_40 : i32
      %add3A_42 = arith.constant 0 : i32
      %add3A_43 = arith.addi %add3A_42, %mul3A_41 : i32
      %add3A_44 = arith.constant 0 : i32
      %add3A_45 = arith.addi %add3A_43, %add3A_44 : i32
      %gt3A = arith.constant 0 : i32
      %gt3A_46 = arith.cmpi sgt, %add3A_43, %gt3A : i32
      %convert_element_type3A = arith.extui %gt3A_46 : i1 to i32
      %cond3A = arith.constant 0 : i32
      %cond3A_47 = arith.cmpi ne, %convert_element_type3A, %cond3A : i32
      scf.if %cond3A_47 {
        %dma_wait3A_92 = arith.constant 0 : i32
        %dma_wait3A_93 = tpu.memref_slice %arg6[%add3A_45, %dma_wait3A_92] : memref<80x125xi32, #tpu.memory_space<vmem>> -> memref<1x125xi32, #tpu.memory_space<vmem>>
        %dma_wait3A_94 = tpu.memref_squeeze %dma_wait3A_93 : memref<1x125xi32, #tpu.memory_space<vmem>> -> memref<125xi32, #tpu.memory_space<vmem>>
        %dma_wait3A_95 = arith.constant 0 : i32
        %dma_wait3A_96 = arith.constant 0 : i32
        %dma_wait3A_97 = tpu.memref_slice %arg8[%dma_wait3A_95, %dma_wait3A_96] : memref<10240x128xf32, #tpu.memory_space<vmem_shared>> -> memref<10240x128xf32, #tpu.memory_space<vmem_shared>>
        tpu.wait_indirect_dma semaphore(%arg9 : memref<!tpu.dma_semaphore, #tpu.memory_space<semaphore_mem>>) src(%arg7 : memref<125x128xf32, #tpu.memory_space<vmem>>) dst(%dma_wait3A_97 : memref<10240x128xf32, #tpu.memory_space<vmem_shared>>)
      } else {
      }
      %dma_start3A = arith.constant 0 : i32
      %dma_start3A_48 = tpu.memref_slice %arg6[%add3A_45, %dma_start3A] : memref<80x125xi32, #tpu.memory_space<vmem>> -> memref<1x125xi32, #tpu.memory_space<vmem>>
      %dma_start3A_49 = tpu.memref_squeeze %dma_start3A_48 : memref<1x125xi32, #tpu.memory_space<vmem>> -> memref<125xi32, #tpu.memory_space<vmem>>
      %dma_start3A_50 = arith.constant 0 : i32
      %dma_start3A_51 = arith.constant 0 : i32
      %dma_start3A_52 = tpu.memref_slice %arg8[%dma_start3A_50, %dma_start3A_51] : memref<10240x128xf32, #tpu.memory_space<vmem_shared>> -> memref<10240x128xf32, #tpu.memory_space<vmem_shared>>
      tpu.enqueue_indirect_dma source(%arg7 : memref<125x128xf32, #tpu.memory_space<vmem>>) target(%dma_start3A_52 : memref<10240x128xf32, #tpu.memory_space<vmem_shared>>) offsets(%dma_start3A_49 : memref<125xi32, #tpu.memory_space<vmem>>) semaphore(%arg9 : memref<!tpu.dma_semaphore, #tpu.memory_space<semaphore_mem>>) {add = true}
      %add3A_53 = arith.constant 1 : i32
      %add3A_54 = arith.addi %add3A_43, %add3A_53 : i32
      %gt3A_55 = arith.constant 0 : i32
      %gt3A_56 = arith.cmpi sgt, %add3A_43, %gt3A_55 : i32
      %convert_element_type3A_57 = arith.extui %gt3A_56 : i1 to i32
      %cond3A_58 = arith.constant 0 : i32
      %cond3A_59 = arith.cmpi ne, %convert_element_type3A_57, %cond3A_58 : i32
      scf.if %cond3A_59 {
        %dma_wait3A_92 = arith.constant 0 : i32
        %dma_wait3A_93 = tpu.memref_slice %arg6[%add3A_54, %dma_wait3A_92] : memref<80x125xi32, #tpu.memory_space<vmem>> -> memref<1x125xi32, #tpu.memory_space<vmem>>
        %dma_wait3A_94 = tpu.memref_squeeze %dma_wait3A_93 : memref<1x125xi32, #tpu.memory_space<vmem>> -> memref<125xi32, #tpu.memory_space<vmem>>
        %dma_wait3A_95 = arith.constant 0 : i32
        %dma_wait3A_96 = arith.constant 0 : i32
        %dma_wait3A_97 = tpu.memref_slice %arg8[%dma_wait3A_95, %dma_wait3A_96] : memref<10240x128xf32, #tpu.memory_space<vmem_shared>> -> memref<10240x128xf32, #tpu.memory_space<vmem_shared>>
        tpu.wait_indirect_dma semaphore(%arg10 : memref<!tpu.dma_semaphore, #tpu.memory_space<semaphore_mem>>) src(%arg7 : memref<125x128xf32, #tpu.memory_space<vmem>>) dst(%dma_wait3A_97 : memref<10240x128xf32, #tpu.memory_space<vmem_shared>>)
      } else {
      }
      %dma_start3A_60 = arith.constant 0 : i32
      %dma_start3A_61 = tpu.memref_slice %arg6[%add3A_54, %dma_start3A_60] : memref<80x125xi32, #tpu.memory_space<vmem>> -> memref<1x125xi32, #tpu.memory_space<vmem>>
      %dma_start3A_62 = tpu.memref_squeeze %dma_start3A_61 : memref<1x125xi32, #tpu.memory_space<vmem>> -> memref<125xi32, #tpu.memory_space<vmem>>
      %dma_start3A_63 = arith.constant 0 : i32
      %dma_start3A_64 = arith.constant 0 : i32
      %dma_start3A_65 = tpu.memref_slice %arg8[%dma_start3A_63, %dma_start3A_64] : memref<10240x128xf32, #tpu.memory_space<vmem_shared>> -> memref<10240x128xf32, #tpu.memory_space<vmem_shared>>
      tpu.enqueue_indirect_dma source(%arg7 : memref<125x128xf32, #tpu.memory_space<vmem>>) target(%dma_start3A_65 : memref<10240x128xf32, #tpu.memory_space<vmem_shared>>) offsets(%dma_start3A_62 : memref<125xi32, #tpu.memory_space<vmem>>) semaphore(%arg10 : memref<!tpu.dma_semaphore, #tpu.memory_space<semaphore_mem>>) {add = true}
      %add3A_66 = arith.constant 2 : i32
      %add3A_67 = arith.addi %add3A_43, %add3A_66 : i32
      %gt3A_68 = arith.constant 0 : i32
      %gt3A_69 = arith.cmpi sgt, %add3A_43, %gt3A_68 : i32
      %convert_element_type3A_70 = arith.extui %gt3A_69 : i1 to i32
      %cond3A_71 = arith.constant 0 : i32
      %cond3A_72 = arith.cmpi ne, %convert_element_type3A_70, %cond3A_71 : i32
      scf.if %cond3A_72 {
        %dma_wait3A_92 = arith.constant 0 : i32
        %dma_wait3A_93 = tpu.memref_slice %arg6[%add3A_67, %dma_wait3A_92] : memref<80x125xi32, #tpu.memory_space<vmem>> -> memref<1x125xi32, #tpu.memory_space<vmem>>
        %dma_wait3A_94 = tpu.memref_squeeze %dma_wait3A_93 : memref<1x125xi32, #tpu.memory_space<vmem>> -> memref<125xi32, #tpu.memory_space<vmem>>
        %dma_wait3A_95 = arith.constant 0 : i32
        %dma_wait3A_96 = arith.constant 0 : i32
        %dma_wait3A_97 = tpu.memref_slice %arg8[%dma_wait3A_95, %dma_wait3A_96] : memref<10240x128xf32, #tpu.memory_space<vmem_shared>> -> memref<10240x128xf32, #tpu.memory_space<vmem_shared>>
        tpu.wait_indirect_dma semaphore(%arg11 : memref<!tpu.dma_semaphore, #tpu.memory_space<semaphore_mem>>) src(%arg7 : memref<125x128xf32, #tpu.memory_space<vmem>>) dst(%dma_wait3A_97 : memref<10240x128xf32, #tpu.memory_space<vmem_shared>>)
      } else {
      }
      %dma_start3A_73 = arith.constant 0 : i32
      %dma_start3A_74 = tpu.memref_slice %arg6[%add3A_67, %dma_start3A_73] : memref<80x125xi32, #tpu.memory_space<vmem>> -> memref<1x125xi32, #tpu.memory_space<vmem>>
      %dma_start3A_75 = tpu.memref_squeeze %dma_start3A_74 : memref<1x125xi32, #tpu.memory_space<vmem>> -> memref<125xi32, #tpu.memory_space<vmem>>
      %dma_start3A_76 = arith.constant 0 : i32
      %dma_start3A_77 = arith.constant 0 : i32
      %dma_start3A_78 = tpu.memref_slice %arg8[%dma_start3A_76, %dma_start3A_77] : memref<10240x128xf32, #tpu.memory_space<vmem_shared>> -> memref<10240x128xf32, #tpu.memory_space<vmem_shared>>
      tpu.enqueue_indirect_dma source(%arg7 : memref<125x128xf32, #tpu.memory_space<vmem>>) target(%dma_start3A_78 : memref<10240x128xf32, #tpu.memory_space<vmem_shared>>) offsets(%dma_start3A_75 : memref<125xi32, #tpu.memory_space<vmem>>) semaphore(%arg11 : memref<!tpu.dma_semaphore, #tpu.memory_space<semaphore_mem>>) {add = true}
      %add3A_79 = arith.constant 3 : i32
      %add3A_80 = arith.addi %add3A_43, %add3A_79 : i32
      %gt3A_81 = arith.constant 0 : i32
      %gt3A_82 = arith.cmpi sgt, %add3A_43, %gt3A_81 : i32
      %convert_element_type3A_83 = arith.extui %gt3A_82 : i1 to i32
      %cond3A_84 = arith.constant 0 : i32
      %cond3A_85 = arith.cmpi ne, %convert_element_type3A_83, %cond3A_84 : i32
      scf.if %cond3A_85 {
        %dma_wait3A_92 = arith.constant 0 : i32
        %dma_wait3A_93 = tpu.memref_slice %arg6[%add3A_80, %dma_wait3A_92] : memref<80x125xi32, #tpu.memory_space<vmem>> -> memref<1x125xi32, #tpu.memory_space<vmem>>
        %dma_wait3A_94 = tpu.memref_squeeze %dma_wait3A_93 : memref<1x125xi32, #tpu.memory_space<vmem>> -> memref<125xi32, #tpu.memory_space<vmem>>
        %dma_wait3A_95 = arith.constant 0 : i32
        %dma_wait3A_96 = arith.constant 0 : i32
        %dma_wait3A_97 = tpu.memref_slice %arg8[%dma_wait3A_95, %dma_wait3A_96] : memref<10240x128xf32, #tpu.memory_space<vmem_shared>> -> memref<10240x128xf32, #tpu.memory_space<vmem_shared>>
        tpu.wait_indirect_dma semaphore(%arg12 : memref<!tpu.dma_semaphore, #tpu.memory_space<semaphore_mem>>) src(%arg7 : memref<125x128xf32, #tpu.memory_space<vmem>>) dst(%dma_wait3A_97 : memref<10240x128xf32, #tpu.memory_space<vmem_shared>>)
      } else {
      }
      %dma_start3A_86 = arith.constant 0 : i32
      %dma_start3A_87 = tpu.memref_slice %arg6[%add3A_80, %dma_start3A_86] : memref<80x125xi32, #tpu.memory_space<vmem>> -> memref<1x125xi32, #tpu.memory_space<vmem>>
      %dma_start3A_88 = tpu.memref_squeeze %dma_start3A_87 : memref<1x125xi32, #tpu.memory_space<vmem>> -> memref<125xi32, #tpu.memory_space<vmem>>
      %dma_start3A_89 = arith.constant 0 : i32
      %dma_start3A_90 = arith.constant 0 : i32
      %dma_start3A_91 = tpu.memref_slice %arg8[%dma_start3A_89, %dma_start3A_90] : memref<10240x128xf32, #tpu.memory_space<vmem_shared>> -> memref<10240x128xf32, #tpu.memory_space<vmem_shared>>
      tpu.enqueue_indirect_dma source(%arg7 : memref<125x128xf32, #tpu.memory_space<vmem>>) target(%dma_start3A_91 : memref<10240x128xf32, #tpu.memory_space<vmem_shared>>) offsets(%dma_start3A_88 : memref<125xi32, #tpu.memory_space<vmem>>) semaphore(%arg12 : memref<!tpu.dma_semaphore, #tpu.memory_space<semaphore_mem>>) {add = true}
    }
    %scan3A_6 = arith.constant 20 : i32
    %dma_wait3A = arith.constant 0 : i32
    %dma_wait3A_7 = arith.constant 0 : i32
    %dma_wait3A_8 = tpu.memref_slice %arg6[%dma_wait3A, %dma_wait3A_7] : memref<80x125xi32, #tpu.memory_space<vmem>> -> memref<1x125xi32, #tpu.memory_space<vmem>>
    %dma_wait3A_9 = tpu.memref_squeeze %dma_wait3A_8 : memref<1x125xi32, #tpu.memory_space<vmem>> -> memref<125xi32, #tpu.memory_space<vmem>>
    %dma_wait3A_10 = arith.constant 0 : i32
    %dma_wait3A_11 = arith.constant 0 : i32
    %dma_wait3A_12 = tpu.memref_slice %arg8[%dma_wait3A_10, %dma_wait3A_11] : memref<10240x128xf32, #tpu.memory_space<vmem_shared>> -> memref<10240x128xf32, #tpu.memory_space<vmem_shared>>
    tpu.wait_indirect_dma semaphore(%arg9 : memref<!tpu.dma_semaphore, #tpu.memory_space<semaphore_mem>>) src(%arg7 : memref<125x128xf32, #tpu.memory_space<vmem>>) dst(%dma_wait3A_12 : memref<10240x128xf32, #tpu.memory_space<vmem_shared>>)
    %dma_wait3A_13 = arith.constant 1 : i32
    %dma_wait3A_14 = arith.constant 0 : i32
    %dma_wait3A_15 = tpu.memref_slice %arg6[%dma_wait3A_13, %dma_wait3A_14] : memref<80x125xi32, #tpu.memory_space<vmem>> -> memref<1x125xi32, #tpu.memory_space<vmem>>
    %dma_wait3A_16 = tpu.memref_squeeze %dma_wait3A_15 : memref<1x125xi32, #tpu.memory_space<vmem>> -> memref<125xi32, #tpu.memory_space<vmem>>
    %dma_wait3A_17 = arith.constant 0 : i32
    %dma_wait3A_18 = arith.constant 0 : i32
    %dma_wait3A_19 = tpu.memref_slice %arg8[%dma_wait3A_17, %dma_wait3A_18] : memref<10240x128xf32, #tpu.memory_space<vmem_shared>> -> memref<10240x128xf32, #tpu.memory_space<vmem_shared>>
    tpu.wait_indirect_dma semaphore(%arg10 : memref<!tpu.dma_semaphore, #tpu.memory_space<semaphore_mem>>) src(%arg7 : memref<125x128xf32, #tpu.memory_space<vmem>>) dst(%dma_wait3A_19 : memref<10240x128xf32, #tpu.memory_space<vmem_shared>>)
    %dma_wait3A_20 = arith.constant 2 : i32
    %dma_wait3A_21 = arith.constant 0 : i32
    %dma_wait3A_22 = tpu.memref_slice %arg6[%dma_wait3A_20, %dma_wait3A_21] : memref<80x125xi32, #tpu.memory_space<vmem>> -> memref<1x125xi32, #tpu.memory_space<vmem>>
    %dma_wait3A_23 = tpu.memref_squeeze %dma_wait3A_22 : memref<1x125xi32, #tpu.memory_space<vmem>> -> memref<125xi32, #tpu.memory_space<vmem>>
    %dma_wait3A_24 = arith.constant 0 : i32
    %dma_wait3A_25 = arith.constant 0 : i32
    %dma_wait3A_26 = tpu.memref_slice %arg8[%dma_wait3A_24, %dma_wait3A_25] : memref<10240x128xf32, #tpu.memory_space<vmem_shared>> -> memref<10240x128xf32, #tpu.memory_space<vmem_shared>>
    tpu.wait_indirect_dma semaphore(%arg11 : memref<!tpu.dma_semaphore, #tpu.memory_space<semaphore_mem>>) src(%arg7 : memref<125x128xf32, #tpu.memory_space<vmem>>) dst(%dma_wait3A_26 : memref<10240x128xf32, #tpu.memory_space<vmem_shared>>)
    %dma_wait3A_27 = arith.constant 3 : i32
    %dma_wait3A_28 = arith.constant 0 : i32
    %dma_wait3A_29 = tpu.memref_slice %arg6[%dma_wait3A_27, %dma_wait3A_28] : memref<80x125xi32, #tpu.memory_space<vmem>> -> memref<1x125xi32, #tpu.memory_space<vmem>>
    %dma_wait3A_30 = tpu.memref_squeeze %dma_wait3A_29 : memref<1x125xi32, #tpu.memory_space<vmem>> -> memref<125xi32, #tpu.memory_space<vmem>>
    %dma_wait3A_31 = arith.constant 0 : i32
    %dma_wait3A_32 = arith.constant 0 : i32
    %dma_wait3A_33 = tpu.memref_slice %arg8[%dma_wait3A_31, %dma_wait3A_32] : memref<10240x128xf32, #tpu.memory_space<vmem_shared>> -> memref<10240x128xf32, #tpu.memory_space<vmem_shared>>
    tpu.wait_indirect_dma semaphore(%arg12 : memref<!tpu.dma_semaphore, #tpu.memory_space<semaphore_mem>>) src(%arg7 : memref<125x128xf32, #tpu.memory_space<vmem>>) dst(%dma_wait3A_33 : memref<10240x128xf32, #tpu.memory_space<vmem_shared>>)
    %barrier3A_34 = arith.constant 0 : index
    tpu.barrier barrier_id(%barrier3A_34)
    %mul3A_35 = arith.constant 640 : i32
    %mul3A_36 = arith.muli %arg1, %mul3A_35 : i32
    %mul3A_37 = arith.constant 640 : i32
    %mul3A_38 = arith.muli %arg1, %mul3A_37 : i32
    "tpu.region"() ({
      %run_scoped3A_39 = tpu.sem_alloc : memref<!tpu.dma_semaphore, #tpu.memory_space<semaphore_mem>>
      %dma_start3A = arith.constant 0 : i32
      %dma_start3A_40 = tpu.memref_slice %arg5[%arg0, %mul3A_38, %dma_start3A] : memref<2x10240x128xf32, #tpu.memory_space<hbm>> -> memref<1x640x128xf32, #tpu.memory_space<hbm>>
      %dma_start3A_41 = tpu.memref_squeeze %dma_start3A_40 : memref<1x640x128xf32, #tpu.memory_space<hbm>> -> memref<640x128xf32, #tpu.memory_space<hbm>>
      %dma_start3A_42 = arith.constant 0 : i32
      %dma_start3A_43 = tpu.memref_slice %arg8[%mul3A_36, %dma_start3A_42] : memref<10240x128xf32, #tpu.memory_space<vmem_shared>> -> memref<640x128xf32, #tpu.memory_space<vmem_shared>>
      tpu.enqueue_dma source(%dma_start3A_43 : memref<640x128xf32, #tpu.memory_space<vmem_shared>>) target(%dma_start3A_41 : memref<640x128xf32, #tpu.memory_space<hbm>>) target_semaphore(%run_scoped3A_39 : memref<!tpu.dma_semaphore, #tpu.memory_space<semaphore_mem>>)
      %dma_wait3A_44 = arith.constant 0 : i32
      %dma_wait3A_45 = tpu.memref_slice %arg5[%arg0, %mul3A_38, %dma_wait3A_44] : memref<2x10240x128xf32, #tpu.memory_space<hbm>> -> memref<1x640x128xf32, #tpu.memory_space<hbm>>
      %dma_wait3A_46 = tpu.memref_squeeze %dma_wait3A_45 : memref<1x640x128xf32, #tpu.memory_space<hbm>> -> memref<640x128xf32, #tpu.memory_space<hbm>>
      %dma_wait3A_47 = arith.constant 0 : i32
      %dma_wait3A_48 = tpu.memref_slice %arg8[%mul3A_36, %dma_wait3A_47] : memref<10240x128xf32, #tpu.memory_space<vmem_shared>> -> memref<640x128xf32, #tpu.memory_space<vmem_shared>>
      tpu.wait_dma2 semaphore(%run_scoped3A_39 : memref<!tpu.dma_semaphore, #tpu.memory_space<semaphore_mem>>) src(%dma_wait3A_48 : memref<640x128xf32, #tpu.memory_space<vmem_shared>>) dst(%dma_wait3A_46 : memref<640x128xf32, #tpu.memory_space<hbm>>)
      tpu.yield
    }) : () -> ()
    return
  }
}

#map = affine_map<(d0, d1) -> (0, 0)>
#map1 = affine_map<(d0, d1) -> (0, 0, 0, 0)>
#map2 = affine_map<(d0, d1) -> (0, 0, 0)>
module attributes {stable_mosaic.version = 14 : i64} {
  func.func @_sc_aggregate(%arg0: i32, %arg1: i32, %arg2: memref<10240x128xf32, #tpu.memory_space<hbm>>, %arg3: memref<2x32x80x125xi32, #tpu.memory_space<hbm>>, %arg4: memref<640x128xf32, #tpu.memory_space<hbm>>, %arg5: memref<2x10240x128xf32, #tpu.memory_space<hbm>>, %arg6: memref<40x125xi32, #tpu.memory_space<vmem>>, %arg7: memref<40x125xi32, #tpu.memory_space<vmem>>, %arg8: memref<2x125x128xf32, #tpu.memory_space<vmem>>, %arg9: memref<10240x128xf32, #tpu.memory_space<vmem_shared>>, %arg10: memref<!tpu.dma_semaphore, #tpu.memory_space<semaphore_mem>>, %arg11: memref<!tpu.dma_semaphore, #tpu.memory_space<semaphore_mem>>, %arg12: memref<!tpu.dma_semaphore, #tpu.memory_space<semaphore_mem>>, %arg13: memref<!tpu.dma_semaphore, #tpu.memory_space<semaphore_mem>>) attributes {dimension_semantics = [#tpu.dimension_semantics<core_parallel>, #tpu.dimension_semantics<subcore_parallel>], iteration_bounds = array<i64: 2, 16>, scalar_prefetch = 0 : i64, scratch_operands = 8 : i64, tpu.core_type = #tpu.core_type<sc_vector_subcore>, window_params = [{transform_indices = #map}, {transform_indices = #map1}, {transform_indices = #map}, {transform_indices = #map2}]} {
    %mul3A = arith.constant 16 : i32
    %mul3A_0 = arith.muli %arg0, %mul3A : i32
    %add3A = arith.addi %mul3A_0, %arg1 : i32
    %mul3A_1 = arith.constant 640 : i32
    %mul3A_2 = arith.muli %arg1, %mul3A_1 : i32
    "tpu.region"() ({
      %run_scoped3A_90 = tpu.sem_alloc : memref<!tpu.dma_semaphore, #tpu.memory_space<semaphore_mem>>
      %dma_start3A_91 = arith.constant 0 : i32
      %dma_start3A_92 = tpu.memref_slice %arg9[%mul3A_2, %dma_start3A_91] : memref<10240x128xf32, #tpu.memory_space<vmem_shared>> -> memref<640x128xf32, #tpu.memory_space<vmem_shared>>
      tpu.enqueue_dma source(%arg4 : memref<640x128xf32, #tpu.memory_space<hbm>>) target(%dma_start3A_92 : memref<640x128xf32, #tpu.memory_space<vmem_shared>>) target_semaphore(%run_scoped3A_90 : memref<!tpu.dma_semaphore, #tpu.memory_space<semaphore_mem>>)
      %dma_wait3A_93 = arith.constant 0 : i32
      %dma_wait3A_94 = tpu.memref_slice %arg9[%mul3A_2, %dma_wait3A_93] : memref<10240x128xf32, #tpu.memory_space<vmem_shared>> -> memref<640x128xf32, #tpu.memory_space<vmem_shared>>
      tpu.wait_dma2 semaphore(%run_scoped3A_90 : memref<!tpu.dma_semaphore, #tpu.memory_space<semaphore_mem>>) src(%arg4 : memref<640x128xf32, #tpu.memory_space<hbm>>) dst(%dma_wait3A_94 : memref<640x128xf32, #tpu.memory_space<vmem_shared>>)
      tpu.yield
    }) : () -> ()
    %barrier3A = arith.constant 0 : index
    tpu.barrier barrier_id(%barrier3A)
    %run_scoped3A = arith.constant 0 : i32
    "tpu.region"() ({
      %run_scoped3A_90 = tpu.sem_alloc : memref<!tpu.dma_semaphore, #tpu.memory_space<semaphore_mem>>
      %dma_start3A_91 = arith.constant 0 : i32
      %dma_start3A_92 = arith.constant 0 : i32
      %dma_start3A_93 = tpu.memref_slice %arg3[%run_scoped3A, %add3A, %dma_start3A_91, %dma_start3A_92] : memref<2x32x80x125xi32, #tpu.memory_space<hbm>> -> memref<1x1x40x125xi32, #tpu.memory_space<hbm>>
      %dma_start3A_94 = tpu.memref_squeeze %dma_start3A_93 : memref<1x1x40x125xi32, #tpu.memory_space<hbm>> -> memref<40x125xi32, #tpu.memory_space<hbm>>
      %dma_start3A_95 = arith.constant 0 : i32
      %dma_start3A_96 = arith.constant 0 : i32
      %dma_start3A_97 = tpu.memref_slice %arg3[%run_scoped3A, %add3A, %dma_start3A_95, %dma_start3A_96] : memref<2x32x80x125xi32, #tpu.memory_space<hbm>> -> memref<1x1x40x125xi32, #tpu.memory_space<hbm>>
      %dma_start3A_98 = tpu.memref_squeeze %dma_start3A_97 : memref<1x1x40x125xi32, #tpu.memory_space<hbm>> -> memref<40x125xi32, #tpu.memory_space<hbm>>
      tpu.enqueue_dma source(%dma_start3A_98 : memref<40x125xi32, #tpu.memory_space<hbm>>) target(%arg6 : memref<40x125xi32, #tpu.memory_space<vmem>>) target_semaphore(%run_scoped3A_90 : memref<!tpu.dma_semaphore, #tpu.memory_space<semaphore_mem>>)
      %dma_wait3A_99 = arith.constant 0 : i32
      %dma_wait3A_100 = arith.constant 0 : i32
      %dma_wait3A_101 = tpu.memref_slice %arg3[%run_scoped3A, %add3A, %dma_wait3A_99, %dma_wait3A_100] : memref<2x32x80x125xi32, #tpu.memory_space<hbm>> -> memref<1x1x40x125xi32, #tpu.memory_space<hbm>>
      %dma_wait3A_102 = tpu.memref_squeeze %dma_wait3A_101 : memref<1x1x40x125xi32, #tpu.memory_space<hbm>> -> memref<40x125xi32, #tpu.memory_space<hbm>>
      %dma_wait3A_103 = arith.constant 0 : i32
      %dma_wait3A_104 = arith.constant 0 : i32
      %dma_wait3A_105 = tpu.memref_slice %arg3[%run_scoped3A, %add3A, %dma_wait3A_103, %dma_wait3A_104] : memref<2x32x80x125xi32, #tpu.memory_space<hbm>> -> memref<1x1x40x125xi32, #tpu.memory_space<hbm>>
      %dma_wait3A_106 = tpu.memref_squeeze %dma_wait3A_105 : memref<1x1x40x125xi32, #tpu.memory_space<hbm>> -> memref<40x125xi32, #tpu.memory_space<hbm>>
      tpu.wait_dma2 semaphore(%run_scoped3A_90 : memref<!tpu.dma_semaphore, #tpu.memory_space<semaphore_mem>>) src(%dma_wait3A_106 : memref<40x125xi32, #tpu.memory_space<hbm>>) dst(%arg6 : memref<40x125xi32, #tpu.memory_space<vmem>>)
      tpu.yield
    }) : () -> ()
    %run_scoped3A_3 = arith.constant 1 : i32
    "tpu.region"() ({
      %run_scoped3A_90 = tpu.sem_alloc : memref<!tpu.dma_semaphore, #tpu.memory_space<semaphore_mem>>
      %dma_start3A_91 = arith.constant 0 : i32
      %dma_start3A_92 = arith.constant 0 : i32
      %dma_start3A_93 = tpu.memref_slice %arg3[%run_scoped3A_3, %add3A, %dma_start3A_91, %dma_start3A_92] : memref<2x32x80x125xi32, #tpu.memory_space<hbm>> -> memref<1x1x40x125xi32, #tpu.memory_space<hbm>>
      %dma_start3A_94 = tpu.memref_squeeze %dma_start3A_93 : memref<1x1x40x125xi32, #tpu.memory_space<hbm>> -> memref<40x125xi32, #tpu.memory_space<hbm>>
      %dma_start3A_95 = arith.constant 0 : i32
      %dma_start3A_96 = arith.constant 0 : i32
      %dma_start3A_97 = tpu.memref_slice %arg3[%run_scoped3A_3, %add3A, %dma_start3A_95, %dma_start3A_96] : memref<2x32x80x125xi32, #tpu.memory_space<hbm>> -> memref<1x1x40x125xi32, #tpu.memory_space<hbm>>
      %dma_start3A_98 = tpu.memref_squeeze %dma_start3A_97 : memref<1x1x40x125xi32, #tpu.memory_space<hbm>> -> memref<40x125xi32, #tpu.memory_space<hbm>>
      tpu.enqueue_dma source(%dma_start3A_98 : memref<40x125xi32, #tpu.memory_space<hbm>>) target(%arg7 : memref<40x125xi32, #tpu.memory_space<vmem>>) target_semaphore(%run_scoped3A_90 : memref<!tpu.dma_semaphore, #tpu.memory_space<semaphore_mem>>)
      %dma_wait3A_99 = arith.constant 0 : i32
      %dma_wait3A_100 = arith.constant 0 : i32
      %dma_wait3A_101 = tpu.memref_slice %arg3[%run_scoped3A_3, %add3A, %dma_wait3A_99, %dma_wait3A_100] : memref<2x32x80x125xi32, #tpu.memory_space<hbm>> -> memref<1x1x40x125xi32, #tpu.memory_space<hbm>>
      %dma_wait3A_102 = tpu.memref_squeeze %dma_wait3A_101 : memref<1x1x40x125xi32, #tpu.memory_space<hbm>> -> memref<40x125xi32, #tpu.memory_space<hbm>>
      %dma_wait3A_103 = arith.constant 0 : i32
      %dma_wait3A_104 = arith.constant 0 : i32
      %dma_wait3A_105 = tpu.memref_slice %arg3[%run_scoped3A_3, %add3A, %dma_wait3A_103, %dma_wait3A_104] : memref<2x32x80x125xi32, #tpu.memory_space<hbm>> -> memref<1x1x40x125xi32, #tpu.memory_space<hbm>>
      %dma_wait3A_106 = tpu.memref_squeeze %dma_wait3A_105 : memref<1x1x40x125xi32, #tpu.memory_space<hbm>> -> memref<40x125xi32, #tpu.memory_space<hbm>>
      tpu.wait_dma2 semaphore(%run_scoped3A_90 : memref<!tpu.dma_semaphore, #tpu.memory_space<semaphore_mem>>) src(%dma_wait3A_106 : memref<40x125xi32, #tpu.memory_space<hbm>>) dst(%arg7 : memref<40x125xi32, #tpu.memory_space<vmem>>)
      tpu.yield
    }) : () -> ()
    %dma_start3A = arith.constant 0 : i32
    %dma_start3A_4 = arith.constant 0 : i32
    %dma_start3A_5 = arith.constant 0 : i32
    %dma_start3A_6 = arith.constant 0 : i32
    %dma_start3A_7 = tpu.memref_slice %arg8[%dma_start3A_4, %dma_start3A_5, %dma_start3A_6] : memref<2x125x128xf32, #tpu.memory_space<vmem>> -> memref<1x125x128xf32, #tpu.memory_space<vmem>>
    %dma_start3A_8 = tpu.memref_squeeze %dma_start3A_7 : memref<1x125x128xf32, #tpu.memory_space<vmem>> -> memref<125x128xf32, #tpu.memory_space<vmem>>
    %dma_start3A_9 = arith.constant 0 : i32
    %dma_start3A_10 = tpu.memref_slice %arg6[%dma_start3A, %dma_start3A_9] : memref<40x125xi32, #tpu.memory_space<vmem>> -> memref<1x125xi32, #tpu.memory_space<vmem>>
    %dma_start3A_11 = tpu.memref_squeeze %dma_start3A_10 : memref<1x125xi32, #tpu.memory_space<vmem>> -> memref<125xi32, #tpu.memory_space<vmem>>
    %dma_start3A_12 = arith.constant 0 : i32
    %dma_start3A_13 = arith.constant 0 : i32
    %dma_start3A_14 = tpu.memref_slice %arg2[%dma_start3A_12, %dma_start3A_13] : memref<10240x128xf32, #tpu.memory_space<hbm>> -> memref<10240x128xf32, #tpu.memory_space<hbm>>
    tpu.enqueue_indirect_dma source(%dma_start3A_14 : memref<10240x128xf32, #tpu.memory_space<hbm>>) target(%dma_start3A_8 : memref<125x128xf32, #tpu.memory_space<vmem>>) offsets(%dma_start3A_11 : memref<125xi32, #tpu.memory_space<vmem>>) semaphore(%arg10 : memref<!tpu.dma_semaphore, #tpu.memory_space<semaphore_mem>>)
    %scan3A = arith.constant 0 : i32
    %scan3A_15 = arith.constant 20 : i32
    %scan3A_16 = arith.addi %scan3A, %scan3A_15 : i32
    %scan3A_17 = arith.constant 1 : i32
    scf.for %scan3A_90 = %scan3A to %scan3A_16 step %scan3A_17  : i32 {
      %mul3A_91 = arith.constant 2 : i32
      %mul3A_92 = arith.muli %scan3A_90, %mul3A_91 : i32
      %add3A_93 = arith.constant 0 : i32
      %add3A_94 = arith.addi %add3A_93, %mul3A_92 : i32
      %add3A_95 = arith.constant 0 : i32
      %add3A_96 = arith.addi %add3A_94, %add3A_95 : i32
      %ge3A = arith.constant 1 : i32
      %ge3A_97 = arith.cmpi sge, %add3A_96, %ge3A : i32
      %convert_element_type3A = arith.extui %ge3A_97 : i1 to i32
      %cond3A = arith.constant 0 : i32
      %cond3A_98 = arith.cmpi ne, %convert_element_type3A, %cond3A : i32
      scf.if %cond3A_98 {
        %dma_wait3A_186 = arith.constant 1 : i32
        %dma_wait3A_187 = arith.constant 0 : i32
        %dma_wait3A_188 = arith.constant 0 : i32
        %dma_wait3A_189 = tpu.memref_slice %arg8[%dma_wait3A_186, %dma_wait3A_187, %dma_wait3A_188] : memref<2x125x128xf32, #tpu.memory_space<vmem>> -> memref<1x125x128xf32, #tpu.memory_space<vmem>>
        %dma_wait3A_190 = tpu.memref_squeeze %dma_wait3A_189 : memref<1x125x128xf32, #tpu.memory_space<vmem>> -> memref<125x128xf32, #tpu.memory_space<vmem>>
        %dma_wait3A_191 = arith.constant 0 : i32
        %dma_wait3A_192 = tpu.memref_slice %arg7[%add3A_96, %dma_wait3A_191] : memref<40x125xi32, #tpu.memory_space<vmem>> -> memref<1x125xi32, #tpu.memory_space<vmem>>
        %dma_wait3A_193 = tpu.memref_squeeze %dma_wait3A_192 : memref<1x125xi32, #tpu.memory_space<vmem>> -> memref<125xi32, #tpu.memory_space<vmem>>
        %dma_wait3A_194 = arith.constant 0 : i32
        %dma_wait3A_195 = arith.constant 0 : i32
        %dma_wait3A_196 = tpu.memref_slice %arg9[%dma_wait3A_194, %dma_wait3A_195] : memref<10240x128xf32, #tpu.memory_space<vmem_shared>> -> memref<10240x128xf32, #tpu.memory_space<vmem_shared>>
        tpu.wait_indirect_dma semaphore(%arg13 : memref<!tpu.dma_semaphore, #tpu.memory_space<semaphore_mem>>) src(%dma_wait3A_190 : memref<125x128xf32, #tpu.memory_space<vmem>>) dst(%dma_wait3A_196 : memref<10240x128xf32, #tpu.memory_space<vmem_shared>>)
      } else {
      }
      %add3A_99 = arith.constant 1 : i32
      %add3A_100 = arith.addi %add3A_96, %add3A_99 : i32
      %ge3A_101 = arith.constant 40 : i32
      %ge3A_102 = arith.cmpi sge, %add3A_100, %ge3A_101 : i32
      %add3A_103 = arith.constant 1 : i32
      %add3A_104 = arith.addi %add3A_96, %add3A_103 : i32
      %jit3A = arith.constant 0 : i32
      %select_n3A = arith.select %ge3A_102, %jit3A, %add3A_104 : i32
      %dma_start3A_105 = arith.constant 1 : i32
      %dma_start3A_106 = arith.constant 0 : i32
      %dma_start3A_107 = arith.constant 0 : i32
      %dma_start3A_108 = tpu.memref_slice %arg8[%dma_start3A_105, %dma_start3A_106, %dma_start3A_107] : memref<2x125x128xf32, #tpu.memory_space<vmem>> -> memref<1x125x128xf32, #tpu.memory_space<vmem>>
      %dma_start3A_109 = tpu.memref_squeeze %dma_start3A_108 : memref<1x125x128xf32, #tpu.memory_space<vmem>> -> memref<125x128xf32, #tpu.memory_space<vmem>>
      %dma_start3A_110 = arith.constant 0 : i32
      %dma_start3A_111 = tpu.memref_slice %arg6[%select_n3A, %dma_start3A_110] : memref<40x125xi32, #tpu.memory_space<vmem>> -> memref<1x125xi32, #tpu.memory_space<vmem>>
      %dma_start3A_112 = tpu.memref_squeeze %dma_start3A_111 : memref<1x125xi32, #tpu.memory_space<vmem>> -> memref<125xi32, #tpu.memory_space<vmem>>
      %dma_start3A_113 = arith.constant 0 : i32
      %dma_start3A_114 = arith.constant 0 : i32
      %dma_start3A_115 = tpu.memref_slice %arg2[%dma_start3A_113, %dma_start3A_114] : memref<10240x128xf32, #tpu.memory_space<hbm>> -> memref<10240x128xf32, #tpu.memory_space<hbm>>
      tpu.enqueue_indirect_dma source(%dma_start3A_115 : memref<10240x128xf32, #tpu.memory_space<hbm>>) target(%dma_start3A_109 : memref<125x128xf32, #tpu.memory_space<vmem>>) offsets(%dma_start3A_112 : memref<125xi32, #tpu.memory_space<vmem>>) semaphore(%arg11 : memref<!tpu.dma_semaphore, #tpu.memory_space<semaphore_mem>>)
      %dma_wait3A_116 = arith.constant 0 : i32
      %dma_wait3A_117 = arith.constant 0 : i32
      %dma_wait3A_118 = arith.constant 0 : i32
      %dma_wait3A_119 = tpu.memref_slice %arg8[%dma_wait3A_116, %dma_wait3A_117, %dma_wait3A_118] : memref<2x125x128xf32, #tpu.memory_space<vmem>> -> memref<1x125x128xf32, #tpu.memory_space<vmem>>
      %dma_wait3A_120 = tpu.memref_squeeze %dma_wait3A_119 : memref<1x125x128xf32, #tpu.memory_space<vmem>> -> memref<125x128xf32, #tpu.memory_space<vmem>>
      %dma_wait3A_121 = arith.constant 0 : i32
      %dma_wait3A_122 = tpu.memref_slice %arg6[%add3A_96, %dma_wait3A_121] : memref<40x125xi32, #tpu.memory_space<vmem>> -> memref<1x125xi32, #tpu.memory_space<vmem>>
      %dma_wait3A_123 = tpu.memref_squeeze %dma_wait3A_122 : memref<1x125xi32, #tpu.memory_space<vmem>> -> memref<125xi32, #tpu.memory_space<vmem>>
      %dma_wait3A_124 = arith.constant 0 : i32
      %dma_wait3A_125 = arith.constant 0 : i32
      %dma_wait3A_126 = tpu.memref_slice %arg2[%dma_wait3A_124, %dma_wait3A_125] : memref<10240x128xf32, #tpu.memory_space<hbm>> -> memref<10240x128xf32, #tpu.memory_space<hbm>>
      tpu.wait_indirect_dma semaphore(%arg10 : memref<!tpu.dma_semaphore, #tpu.memory_space<semaphore_mem>>) src(%dma_wait3A_126 : memref<10240x128xf32, #tpu.memory_space<hbm>>) dst(%dma_wait3A_120 : memref<125x128xf32, #tpu.memory_space<vmem>>)
      %dma_start3A_127 = arith.constant 0 : i32
      %dma_start3A_128 = arith.constant 0 : i32
      %dma_start3A_129 = arith.constant 0 : i32
      %dma_start3A_130 = tpu.memref_slice %arg8[%dma_start3A_127, %dma_start3A_128, %dma_start3A_129] : memref<2x125x128xf32, #tpu.memory_space<vmem>> -> memref<1x125x128xf32, #tpu.memory_space<vmem>>
      %dma_start3A_131 = tpu.memref_squeeze %dma_start3A_130 : memref<1x125x128xf32, #tpu.memory_space<vmem>> -> memref<125x128xf32, #tpu.memory_space<vmem>>
      %dma_start3A_132 = arith.constant 0 : i32
      %dma_start3A_133 = tpu.memref_slice %arg7[%add3A_96, %dma_start3A_132] : memref<40x125xi32, #tpu.memory_space<vmem>> -> memref<1x125xi32, #tpu.memory_space<vmem>>
      %dma_start3A_134 = tpu.memref_squeeze %dma_start3A_133 : memref<1x125xi32, #tpu.memory_space<vmem>> -> memref<125xi32, #tpu.memory_space<vmem>>
      %dma_start3A_135 = arith.constant 0 : i32
      %dma_start3A_136 = arith.constant 0 : i32
      %dma_start3A_137 = tpu.memref_slice %arg9[%dma_start3A_135, %dma_start3A_136] : memref<10240x128xf32, #tpu.memory_space<vmem_shared>> -> memref<10240x128xf32, #tpu.memory_space<vmem_shared>>
      tpu.enqueue_indirect_dma source(%dma_start3A_131 : memref<125x128xf32, #tpu.memory_space<vmem>>) target(%dma_start3A_137 : memref<10240x128xf32, #tpu.memory_space<vmem_shared>>) offsets(%dma_start3A_134 : memref<125xi32, #tpu.memory_space<vmem>>) semaphore(%arg12 : memref<!tpu.dma_semaphore, #tpu.memory_space<semaphore_mem>>) {add = true}
      %add3A_138 = arith.constant 1 : i32
      %add3A_139 = arith.addi %add3A_94, %add3A_138 : i32
      %ge3A_140 = arith.constant 1 : i32
      %ge3A_141 = arith.cmpi sge, %add3A_139, %ge3A_140 : i32
      %convert_element_type3A_142 = arith.extui %ge3A_141 : i1 to i32
      %cond3A_143 = arith.constant 0 : i32
      %cond3A_144 = arith.cmpi ne, %convert_element_type3A_142, %cond3A_143 : i32
      scf.if %cond3A_144 {
        %dma_wait3A_186 = arith.constant 0 : i32
        %dma_wait3A_187 = arith.constant 0 : i32
        %dma_wait3A_188 = arith.constant 0 : i32
        %dma_wait3A_189 = tpu.memref_slice %arg8[%dma_wait3A_186, %dma_wait3A_187, %dma_wait3A_188] : memref<2x125x128xf32, #tpu.memory_space<vmem>> -> memref<1x125x128xf32, #tpu.memory_space<vmem>>
        %dma_wait3A_190 = tpu.memref_squeeze %dma_wait3A_189 : memref<1x125x128xf32, #tpu.memory_space<vmem>> -> memref<125x128xf32, #tpu.memory_space<vmem>>
        %dma_wait3A_191 = arith.constant 0 : i32
        %dma_wait3A_192 = tpu.memref_slice %arg7[%add3A_139, %dma_wait3A_191] : memref<40x125xi32, #tpu.memory_space<vmem>> -> memref<1x125xi32, #tpu.memory_space<vmem>>
        %dma_wait3A_193 = tpu.memref_squeeze %dma_wait3A_192 : memref<1x125xi32, #tpu.memory_space<vmem>> -> memref<125xi32, #tpu.memory_space<vmem>>
        %dma_wait3A_194 = arith.constant 0 : i32
        %dma_wait3A_195 = arith.constant 0 : i32
        %dma_wait3A_196 = tpu.memref_slice %arg9[%dma_wait3A_194, %dma_wait3A_195] : memref<10240x128xf32, #tpu.memory_space<vmem_shared>> -> memref<10240x128xf32, #tpu.memory_space<vmem_shared>>
        tpu.wait_indirect_dma semaphore(%arg12 : memref<!tpu.dma_semaphore, #tpu.memory_space<semaphore_mem>>) src(%dma_wait3A_190 : memref<125x128xf32, #tpu.memory_space<vmem>>) dst(%dma_wait3A_196 : memref<10240x128xf32, #tpu.memory_space<vmem_shared>>)
      } else {
      }
      %add3A_145 = arith.constant 1 : i32
      %add3A_146 = arith.addi %add3A_139, %add3A_145 : i32
      %ge3A_147 = arith.constant 40 : i32
      %ge3A_148 = arith.cmpi sge, %add3A_146, %ge3A_147 : i32
      %add3A_149 = arith.constant 1 : i32
      %add3A_150 = arith.addi %add3A_139, %add3A_149 : i32
      %jit3A_151 = arith.constant 0 : i32
      %select_n3A_152 = arith.select %ge3A_148, %jit3A_151, %add3A_150 : i32
      %dma_start3A_153 = arith.constant 0 : i32
      %dma_start3A_154 = arith.constant 0 : i32
      %dma_start3A_155 = arith.constant 0 : i32
      %dma_start3A_156 = tpu.memref_slice %arg8[%dma_start3A_153, %dma_start3A_154, %dma_start3A_155] : memref<2x125x128xf32, #tpu.memory_space<vmem>> -> memref<1x125x128xf32, #tpu.memory_space<vmem>>
      %dma_start3A_157 = tpu.memref_squeeze %dma_start3A_156 : memref<1x125x128xf32, #tpu.memory_space<vmem>> -> memref<125x128xf32, #tpu.memory_space<vmem>>
      %dma_start3A_158 = arith.constant 0 : i32
      %dma_start3A_159 = tpu.memref_slice %arg6[%select_n3A_152, %dma_start3A_158] : memref<40x125xi32, #tpu.memory_space<vmem>> -> memref<1x125xi32, #tpu.memory_space<vmem>>
      %dma_start3A_160 = tpu.memref_squeeze %dma_start3A_159 : memref<1x125xi32, #tpu.memory_space<vmem>> -> memref<125xi32, #tpu.memory_space<vmem>>
      %dma_start3A_161 = arith.constant 0 : i32
      %dma_start3A_162 = arith.constant 0 : i32
      %dma_start3A_163 = tpu.memref_slice %arg2[%dma_start3A_161, %dma_start3A_162] : memref<10240x128xf32, #tpu.memory_space<hbm>> -> memref<10240x128xf32, #tpu.memory_space<hbm>>
      tpu.enqueue_indirect_dma source(%dma_start3A_163 : memref<10240x128xf32, #tpu.memory_space<hbm>>) target(%dma_start3A_157 : memref<125x128xf32, #tpu.memory_space<vmem>>) offsets(%dma_start3A_160 : memref<125xi32, #tpu.memory_space<vmem>>) semaphore(%arg10 : memref<!tpu.dma_semaphore, #tpu.memory_space<semaphore_mem>>)
      %dma_wait3A_164 = arith.constant 1 : i32
      %dma_wait3A_165 = arith.constant 0 : i32
      %dma_wait3A_166 = arith.constant 0 : i32
      %dma_wait3A_167 = tpu.memref_slice %arg8[%dma_wait3A_164, %dma_wait3A_165, %dma_wait3A_166] : memref<2x125x128xf32, #tpu.memory_space<vmem>> -> memref<1x125x128xf32, #tpu.memory_space<vmem>>
      %dma_wait3A_168 = tpu.memref_squeeze %dma_wait3A_167 : memref<1x125x128xf32, #tpu.memory_space<vmem>> -> memref<125x128xf32, #tpu.memory_space<vmem>>
      %dma_wait3A_169 = arith.constant 0 : i32
      %dma_wait3A_170 = tpu.memref_slice %arg6[%add3A_139, %dma_wait3A_169] : memref<40x125xi32, #tpu.memory_space<vmem>> -> memref<1x125xi32, #tpu.memory_space<vmem>>
      %dma_wait3A_171 = tpu.memref_squeeze %dma_wait3A_170 : memref<1x125xi32, #tpu.memory_space<vmem>> -> memref<125xi32, #tpu.memory_space<vmem>>
      %dma_wait3A_172 = arith.constant 0 : i32
      %dma_wait3A_173 = arith.constant 0 : i32
      %dma_wait3A_174 = tpu.memref_slice %arg2[%dma_wait3A_172, %dma_wait3A_173] : memref<10240x128xf32, #tpu.memory_space<hbm>> -> memref<10240x128xf32, #tpu.memory_space<hbm>>
      tpu.wait_indirect_dma semaphore(%arg11 : memref<!tpu.dma_semaphore, #tpu.memory_space<semaphore_mem>>) src(%dma_wait3A_174 : memref<10240x128xf32, #tpu.memory_space<hbm>>) dst(%dma_wait3A_168 : memref<125x128xf32, #tpu.memory_space<vmem>>)
      %dma_start3A_175 = arith.constant 1 : i32
      %dma_start3A_176 = arith.constant 0 : i32
      %dma_start3A_177 = arith.constant 0 : i32
      %dma_start3A_178 = tpu.memref_slice %arg8[%dma_start3A_175, %dma_start3A_176, %dma_start3A_177] : memref<2x125x128xf32, #tpu.memory_space<vmem>> -> memref<1x125x128xf32, #tpu.memory_space<vmem>>
      %dma_start3A_179 = tpu.memref_squeeze %dma_start3A_178 : memref<1x125x128xf32, #tpu.memory_space<vmem>> -> memref<125x128xf32, #tpu.memory_space<vmem>>
      %dma_start3A_180 = arith.constant 0 : i32
      %dma_start3A_181 = tpu.memref_slice %arg7[%add3A_139, %dma_start3A_180] : memref<40x125xi32, #tpu.memory_space<vmem>> -> memref<1x125xi32, #tpu.memory_space<vmem>>
      %dma_start3A_182 = tpu.memref_squeeze %dma_start3A_181 : memref<1x125xi32, #tpu.memory_space<vmem>> -> memref<125xi32, #tpu.memory_space<vmem>>
      %dma_start3A_183 = arith.constant 0 : i32
      %dma_start3A_184 = arith.constant 0 : i32
      %dma_start3A_185 = tpu.memref_slice %arg9[%dma_start3A_183, %dma_start3A_184] : memref<10240x128xf32, #tpu.memory_space<vmem_shared>> -> memref<10240x128xf32, #tpu.memory_space<vmem_shared>>
      tpu.enqueue_indirect_dma source(%dma_start3A_179 : memref<125x128xf32, #tpu.memory_space<vmem>>) target(%dma_start3A_185 : memref<10240x128xf32, #tpu.memory_space<vmem_shared>>) offsets(%dma_start3A_182 : memref<125xi32, #tpu.memory_space<vmem>>) semaphore(%arg13 : memref<!tpu.dma_semaphore, #tpu.memory_space<semaphore_mem>>) {add = true}
    }
    %scan3A_18 = arith.constant 20 : i32
    %dma_wait3A = arith.constant 1 : i32
    %dma_wait3A_19 = arith.constant 0 : i32
    %dma_wait3A_20 = arith.constant 0 : i32
    %dma_wait3A_21 = arith.constant 0 : i32
    %dma_wait3A_22 = tpu.memref_slice %arg8[%dma_wait3A, %dma_wait3A_20, %dma_wait3A_21] : memref<2x125x128xf32, #tpu.memory_space<vmem>> -> memref<1x125x128xf32, #tpu.memory_space<vmem>>
    %dma_wait3A_23 = tpu.memref_squeeze %dma_wait3A_22 : memref<1x125x128xf32, #tpu.memory_space<vmem>> -> memref<125x128xf32, #tpu.memory_space<vmem>>
    %dma_wait3A_24 = arith.constant 0 : i32
    %dma_wait3A_25 = tpu.memref_slice %arg7[%dma_wait3A_19, %dma_wait3A_24] : memref<40x125xi32, #tpu.memory_space<vmem>> -> memref<1x125xi32, #tpu.memory_space<vmem>>
    %dma_wait3A_26 = tpu.memref_squeeze %dma_wait3A_25 : memref<1x125xi32, #tpu.memory_space<vmem>> -> memref<125xi32, #tpu.memory_space<vmem>>
    %dma_wait3A_27 = arith.constant 0 : i32
    %dma_wait3A_28 = arith.constant 0 : i32
    %dma_wait3A_29 = tpu.memref_slice %arg9[%dma_wait3A_27, %dma_wait3A_28] : memref<10240x128xf32, #tpu.memory_space<vmem_shared>> -> memref<10240x128xf32, #tpu.memory_space<vmem_shared>>
    tpu.wait_indirect_dma semaphore(%arg13 : memref<!tpu.dma_semaphore, #tpu.memory_space<semaphore_mem>>) src(%dma_wait3A_23 : memref<125x128xf32, #tpu.memory_space<vmem>>) dst(%dma_wait3A_29 : memref<10240x128xf32, #tpu.memory_space<vmem_shared>>)
    %dma_wait3A_30 = arith.constant 0 : i32
    %dma_wait3A_31 = arith.constant 0 : i32
    %dma_wait3A_32 = arith.constant 0 : i32
    %dma_wait3A_33 = arith.constant 0 : i32
    %dma_wait3A_34 = tpu.memref_slice %arg8[%dma_wait3A_31, %dma_wait3A_32, %dma_wait3A_33] : memref<2x125x128xf32, #tpu.memory_space<vmem>> -> memref<1x125x128xf32, #tpu.memory_space<vmem>>
    %dma_wait3A_35 = tpu.memref_squeeze %dma_wait3A_34 : memref<1x125x128xf32, #tpu.memory_space<vmem>> -> memref<125x128xf32, #tpu.memory_space<vmem>>
    %dma_wait3A_36 = arith.constant 0 : i32
    %dma_wait3A_37 = tpu.memref_slice %arg6[%dma_wait3A_30, %dma_wait3A_36] : memref<40x125xi32, #tpu.memory_space<vmem>> -> memref<1x125xi32, #tpu.memory_space<vmem>>
    %dma_wait3A_38 = tpu.memref_squeeze %dma_wait3A_37 : memref<1x125xi32, #tpu.memory_space<vmem>> -> memref<125xi32, #tpu.memory_space<vmem>>
    %dma_wait3A_39 = arith.constant 0 : i32
    %dma_wait3A_40 = arith.constant 0 : i32
    %dma_wait3A_41 = tpu.memref_slice %arg2[%dma_wait3A_39, %dma_wait3A_40] : memref<10240x128xf32, #tpu.memory_space<hbm>> -> memref<10240x128xf32, #tpu.memory_space<hbm>>
    tpu.wait_indirect_dma semaphore(%arg10 : memref<!tpu.dma_semaphore, #tpu.memory_space<semaphore_mem>>) src(%dma_wait3A_41 : memref<10240x128xf32, #tpu.memory_space<hbm>>) dst(%dma_wait3A_35 : memref<125x128xf32, #tpu.memory_space<vmem>>)
    %run_scoped3A_42 = arith.constant 0 : i32
    "tpu.region"() ({
      %run_scoped3A_90 = tpu.sem_alloc : memref<!tpu.dma_semaphore, #tpu.memory_space<semaphore_mem>>
      %dma_start3A_91 = arith.constant 40 : i32
      %dma_start3A_92 = arith.constant 0 : i32
      %dma_start3A_93 = tpu.memref_slice %arg3[%run_scoped3A_42, %add3A, %dma_start3A_91, %dma_start3A_92] : memref<2x32x80x125xi32, #tpu.memory_space<hbm>> -> memref<1x1x40x125xi32, #tpu.memory_space<hbm>>
      %dma_start3A_94 = tpu.memref_squeeze %dma_start3A_93 : memref<1x1x40x125xi32, #tpu.memory_space<hbm>> -> memref<40x125xi32, #tpu.memory_space<hbm>>
      %dma_start3A_95 = arith.constant 40 : i32
      %dma_start3A_96 = arith.constant 0 : i32
      %dma_start3A_97 = tpu.memref_slice %arg3[%run_scoped3A_42, %add3A, %dma_start3A_95, %dma_start3A_96] : memref<2x32x80x125xi32, #tpu.memory_space<hbm>> -> memref<1x1x40x125xi32, #tpu.memory_space<hbm>>
      %dma_start3A_98 = tpu.memref_squeeze %dma_start3A_97 : memref<1x1x40x125xi32, #tpu.memory_space<hbm>> -> memref<40x125xi32, #tpu.memory_space<hbm>>
      tpu.enqueue_dma source(%dma_start3A_98 : memref<40x125xi32, #tpu.memory_space<hbm>>) target(%arg6 : memref<40x125xi32, #tpu.memory_space<vmem>>) target_semaphore(%run_scoped3A_90 : memref<!tpu.dma_semaphore, #tpu.memory_space<semaphore_mem>>)
      %dma_wait3A_99 = arith.constant 40 : i32
      %dma_wait3A_100 = arith.constant 0 : i32
      %dma_wait3A_101 = tpu.memref_slice %arg3[%run_scoped3A_42, %add3A, %dma_wait3A_99, %dma_wait3A_100] : memref<2x32x80x125xi32, #tpu.memory_space<hbm>> -> memref<1x1x40x125xi32, #tpu.memory_space<hbm>>
      %dma_wait3A_102 = tpu.memref_squeeze %dma_wait3A_101 : memref<1x1x40x125xi32, #tpu.memory_space<hbm>> -> memref<40x125xi32, #tpu.memory_space<hbm>>
      %dma_wait3A_103 = arith.constant 40 : i32
      %dma_wait3A_104 = arith.constant 0 : i32
      %dma_wait3A_105 = tpu.memref_slice %arg3[%run_scoped3A_42, %add3A, %dma_wait3A_103, %dma_wait3A_104] : memref<2x32x80x125xi32, #tpu.memory_space<hbm>> -> memref<1x1x40x125xi32, #tpu.memory_space<hbm>>
      %dma_wait3A_106 = tpu.memref_squeeze %dma_wait3A_105 : memref<1x1x40x125xi32, #tpu.memory_space<hbm>> -> memref<40x125xi32, #tpu.memory_space<hbm>>
      tpu.wait_dma2 semaphore(%run_scoped3A_90 : memref<!tpu.dma_semaphore, #tpu.memory_space<semaphore_mem>>) src(%dma_wait3A_106 : memref<40x125xi32, #tpu.memory_space<hbm>>) dst(%arg6 : memref<40x125xi32, #tpu.memory_space<vmem>>)
      tpu.yield
    }) : () -> ()
    %run_scoped3A_43 = arith.constant 1 : i32
    "tpu.region"() ({
      %run_scoped3A_90 = tpu.sem_alloc : memref<!tpu.dma_semaphore, #tpu.memory_space<semaphore_mem>>
      %dma_start3A_91 = arith.constant 40 : i32
      %dma_start3A_92 = arith.constant 0 : i32
      %dma_start3A_93 = tpu.memref_slice %arg3[%run_scoped3A_43, %add3A, %dma_start3A_91, %dma_start3A_92] : memref<2x32x80x125xi32, #tpu.memory_space<hbm>> -> memref<1x1x40x125xi32, #tpu.memory_space<hbm>>
      %dma_start3A_94 = tpu.memref_squeeze %dma_start3A_93 : memref<1x1x40x125xi32, #tpu.memory_space<hbm>> -> memref<40x125xi32, #tpu.memory_space<hbm>>
      %dma_start3A_95 = arith.constant 40 : i32
      %dma_start3A_96 = arith.constant 0 : i32
      %dma_start3A_97 = tpu.memref_slice %arg3[%run_scoped3A_43, %add3A, %dma_start3A_95, %dma_start3A_96] : memref<2x32x80x125xi32, #tpu.memory_space<hbm>> -> memref<1x1x40x125xi32, #tpu.memory_space<hbm>>
      %dma_start3A_98 = tpu.memref_squeeze %dma_start3A_97 : memref<1x1x40x125xi32, #tpu.memory_space<hbm>> -> memref<40x125xi32, #tpu.memory_space<hbm>>
      tpu.enqueue_dma source(%dma_start3A_98 : memref<40x125xi32, #tpu.memory_space<hbm>>) target(%arg7 : memref<40x125xi32, #tpu.memory_space<vmem>>) target_semaphore(%run_scoped3A_90 : memref<!tpu.dma_semaphore, #tpu.memory_space<semaphore_mem>>)
      %dma_wait3A_99 = arith.constant 40 : i32
      %dma_wait3A_100 = arith.constant 0 : i32
      %dma_wait3A_101 = tpu.memref_slice %arg3[%run_scoped3A_43, %add3A, %dma_wait3A_99, %dma_wait3A_100] : memref<2x32x80x125xi32, #tpu.memory_space<hbm>> -> memref<1x1x40x125xi32, #tpu.memory_space<hbm>>
      %dma_wait3A_102 = tpu.memref_squeeze %dma_wait3A_101 : memref<1x1x40x125xi32, #tpu.memory_space<hbm>> -> memref<40x125xi32, #tpu.memory_space<hbm>>
      %dma_wait3A_103 = arith.constant 40 : i32
      %dma_wait3A_104 = arith.constant 0 : i32
      %dma_wait3A_105 = tpu.memref_slice %arg3[%run_scoped3A_43, %add3A, %dma_wait3A_103, %dma_wait3A_104] : memref<2x32x80x125xi32, #tpu.memory_space<hbm>> -> memref<1x1x40x125xi32, #tpu.memory_space<hbm>>
      %dma_wait3A_106 = tpu.memref_squeeze %dma_wait3A_105 : memref<1x1x40x125xi32, #tpu.memory_space<hbm>> -> memref<40x125xi32, #tpu.memory_space<hbm>>
      tpu.wait_dma2 semaphore(%run_scoped3A_90 : memref<!tpu.dma_semaphore, #tpu.memory_space<semaphore_mem>>) src(%dma_wait3A_106 : memref<40x125xi32, #tpu.memory_space<hbm>>) dst(%arg7 : memref<40x125xi32, #tpu.memory_space<vmem>>)
      tpu.yield
    }) : () -> ()
    %dma_start3A_44 = arith.constant 0 : i32
    %dma_start3A_45 = arith.constant 0 : i32
    %dma_start3A_46 = arith.constant 0 : i32
    %dma_start3A_47 = arith.constant 0 : i32
    %dma_start3A_48 = tpu.memref_slice %arg8[%dma_start3A_45, %dma_start3A_46, %dma_start3A_47] : memref<2x125x128xf32, #tpu.memory_space<vmem>> -> memref<1x125x128xf32, #tpu.memory_space<vmem>>
    %dma_start3A_49 = tpu.memref_squeeze %dma_start3A_48 : memref<1x125x128xf32, #tpu.memory_space<vmem>> -> memref<125x128xf32, #tpu.memory_space<vmem>>
    %dma_start3A_50 = arith.constant 0 : i32
    %dma_start3A_51 = tpu.memref_slice %arg6[%dma_start3A_44, %dma_start3A_50] : memref<40x125xi32, #tpu.memory_space<vmem>> -> memref<1x125xi32, #tpu.memory_space<vmem>>
    %dma_start3A_52 = tpu.memref_squeeze %dma_start3A_51 : memref<1x125xi32, #tpu.memory_space<vmem>> -> memref<125xi32, #tpu.memory_space<vmem>>
    %dma_start3A_53 = arith.constant 0 : i32
    %dma_start3A_54 = arith.constant 0 : i32
    %dma_start3A_55 = tpu.memref_slice %arg2[%dma_start3A_53, %dma_start3A_54] : memref<10240x128xf32, #tpu.memory_space<hbm>> -> memref<10240x128xf32, #tpu.memory_space<hbm>>
    tpu.enqueue_indirect_dma source(%dma_start3A_55 : memref<10240x128xf32, #tpu.memory_space<hbm>>) target(%dma_start3A_49 : memref<125x128xf32, #tpu.memory_space<vmem>>) offsets(%dma_start3A_52 : memref<125xi32, #tpu.memory_space<vmem>>) semaphore(%arg10 : memref<!tpu.dma_semaphore, #tpu.memory_space<semaphore_mem>>)
    %scan3A_56 = arith.constant 0 : i32
    %scan3A_57 = arith.constant 20 : i32
    %scan3A_58 = arith.addi %scan3A_56, %scan3A_57 : i32
    %scan3A_59 = arith.constant 1 : i32
    scf.for %scan3A_90 = %scan3A_56 to %scan3A_58 step %scan3A_59  : i32 {
      %mul3A_91 = arith.constant 2 : i32
      %mul3A_92 = arith.muli %scan3A_90, %mul3A_91 : i32
      %add3A_93 = arith.constant 0 : i32
      %add3A_94 = arith.addi %add3A_93, %mul3A_92 : i32
      %add3A_95 = arith.constant 0 : i32
      %add3A_96 = arith.addi %add3A_94, %add3A_95 : i32
      %ge3A = arith.constant 1 : i32
      %ge3A_97 = arith.cmpi sge, %add3A_96, %ge3A : i32
      %convert_element_type3A = arith.extui %ge3A_97 : i1 to i32
      %cond3A = arith.constant 0 : i32
      %cond3A_98 = arith.cmpi ne, %convert_element_type3A, %cond3A : i32
      scf.if %cond3A_98 {
        %dma_wait3A_186 = arith.constant 1 : i32
        %dma_wait3A_187 = arith.constant 0 : i32
        %dma_wait3A_188 = arith.constant 0 : i32
        %dma_wait3A_189 = tpu.memref_slice %arg8[%dma_wait3A_186, %dma_wait3A_187, %dma_wait3A_188] : memref<2x125x128xf32, #tpu.memory_space<vmem>> -> memref<1x125x128xf32, #tpu.memory_space<vmem>>
        %dma_wait3A_190 = tpu.memref_squeeze %dma_wait3A_189 : memref<1x125x128xf32, #tpu.memory_space<vmem>> -> memref<125x128xf32, #tpu.memory_space<vmem>>
        %dma_wait3A_191 = arith.constant 0 : i32
        %dma_wait3A_192 = tpu.memref_slice %arg7[%add3A_96, %dma_wait3A_191] : memref<40x125xi32, #tpu.memory_space<vmem>> -> memref<1x125xi32, #tpu.memory_space<vmem>>
        %dma_wait3A_193 = tpu.memref_squeeze %dma_wait3A_192 : memref<1x125xi32, #tpu.memory_space<vmem>> -> memref<125xi32, #tpu.memory_space<vmem>>
        %dma_wait3A_194 = arith.constant 0 : i32
        %dma_wait3A_195 = arith.constant 0 : i32
        %dma_wait3A_196 = tpu.memref_slice %arg9[%dma_wait3A_194, %dma_wait3A_195] : memref<10240x128xf32, #tpu.memory_space<vmem_shared>> -> memref<10240x128xf32, #tpu.memory_space<vmem_shared>>
        tpu.wait_indirect_dma semaphore(%arg13 : memref<!tpu.dma_semaphore, #tpu.memory_space<semaphore_mem>>) src(%dma_wait3A_190 : memref<125x128xf32, #tpu.memory_space<vmem>>) dst(%dma_wait3A_196 : memref<10240x128xf32, #tpu.memory_space<vmem_shared>>)
      } else {
      }
      %add3A_99 = arith.constant 1 : i32
      %add3A_100 = arith.addi %add3A_96, %add3A_99 : i32
      %ge3A_101 = arith.constant 40 : i32
      %ge3A_102 = arith.cmpi sge, %add3A_100, %ge3A_101 : i32
      %add3A_103 = arith.constant 1 : i32
      %add3A_104 = arith.addi %add3A_96, %add3A_103 : i32
      %jit3A = arith.constant 0 : i32
      %select_n3A = arith.select %ge3A_102, %jit3A, %add3A_104 : i32
      %dma_start3A_105 = arith.constant 1 : i32
      %dma_start3A_106 = arith.constant 0 : i32
      %dma_start3A_107 = arith.constant 0 : i32
      %dma_start3A_108 = tpu.memref_slice %arg8[%dma_start3A_105, %dma_start3A_106, %dma_start3A_107] : memref<2x125x128xf32, #tpu.memory_space<vmem>> -> memref<1x125x128xf32, #tpu.memory_space<vmem>>
      %dma_start3A_109 = tpu.memref_squeeze %dma_start3A_108 : memref<1x125x128xf32, #tpu.memory_space<vmem>> -> memref<125x128xf32, #tpu.memory_space<vmem>>
      %dma_start3A_110 = arith.constant 0 : i32
      %dma_start3A_111 = tpu.memref_slice %arg6[%select_n3A, %dma_start3A_110] : memref<40x125xi32, #tpu.memory_space<vmem>> -> memref<1x125xi32, #tpu.memory_space<vmem>>
      %dma_start3A_112 = tpu.memref_squeeze %dma_start3A_111 : memref<1x125xi32, #tpu.memory_space<vmem>> -> memref<125xi32, #tpu.memory_space<vmem>>
      %dma_start3A_113 = arith.constant 0 : i32
      %dma_start3A_114 = arith.constant 0 : i32
      %dma_start3A_115 = tpu.memref_slice %arg2[%dma_start3A_113, %dma_start3A_114] : memref<10240x128xf32, #tpu.memory_space<hbm>> -> memref<10240x128xf32, #tpu.memory_space<hbm>>
      tpu.enqueue_indirect_dma source(%dma_start3A_115 : memref<10240x128xf32, #tpu.memory_space<hbm>>) target(%dma_start3A_109 : memref<125x128xf32, #tpu.memory_space<vmem>>) offsets(%dma_start3A_112 : memref<125xi32, #tpu.memory_space<vmem>>) semaphore(%arg11 : memref<!tpu.dma_semaphore, #tpu.memory_space<semaphore_mem>>)
      %dma_wait3A_116 = arith.constant 0 : i32
      %dma_wait3A_117 = arith.constant 0 : i32
      %dma_wait3A_118 = arith.constant 0 : i32
      %dma_wait3A_119 = tpu.memref_slice %arg8[%dma_wait3A_116, %dma_wait3A_117, %dma_wait3A_118] : memref<2x125x128xf32, #tpu.memory_space<vmem>> -> memref<1x125x128xf32, #tpu.memory_space<vmem>>
      %dma_wait3A_120 = tpu.memref_squeeze %dma_wait3A_119 : memref<1x125x128xf32, #tpu.memory_space<vmem>> -> memref<125x128xf32, #tpu.memory_space<vmem>>
      %dma_wait3A_121 = arith.constant 0 : i32
      %dma_wait3A_122 = tpu.memref_slice %arg6[%add3A_96, %dma_wait3A_121] : memref<40x125xi32, #tpu.memory_space<vmem>> -> memref<1x125xi32, #tpu.memory_space<vmem>>
      %dma_wait3A_123 = tpu.memref_squeeze %dma_wait3A_122 : memref<1x125xi32, #tpu.memory_space<vmem>> -> memref<125xi32, #tpu.memory_space<vmem>>
      %dma_wait3A_124 = arith.constant 0 : i32
      %dma_wait3A_125 = arith.constant 0 : i32
      %dma_wait3A_126 = tpu.memref_slice %arg2[%dma_wait3A_124, %dma_wait3A_125] : memref<10240x128xf32, #tpu.memory_space<hbm>> -> memref<10240x128xf32, #tpu.memory_space<hbm>>
      tpu.wait_indirect_dma semaphore(%arg10 : memref<!tpu.dma_semaphore, #tpu.memory_space<semaphore_mem>>) src(%dma_wait3A_126 : memref<10240x128xf32, #tpu.memory_space<hbm>>) dst(%dma_wait3A_120 : memref<125x128xf32, #tpu.memory_space<vmem>>)
      %dma_start3A_127 = arith.constant 0 : i32
      %dma_start3A_128 = arith.constant 0 : i32
      %dma_start3A_129 = arith.constant 0 : i32
      %dma_start3A_130 = tpu.memref_slice %arg8[%dma_start3A_127, %dma_start3A_128, %dma_start3A_129] : memref<2x125x128xf32, #tpu.memory_space<vmem>> -> memref<1x125x128xf32, #tpu.memory_space<vmem>>
      %dma_start3A_131 = tpu.memref_squeeze %dma_start3A_130 : memref<1x125x128xf32, #tpu.memory_space<vmem>> -> memref<125x128xf32, #tpu.memory_space<vmem>>
      %dma_start3A_132 = arith.constant 0 : i32
      %dma_start3A_133 = tpu.memref_slice %arg7[%add3A_96, %dma_start3A_132] : memref<40x125xi32, #tpu.memory_space<vmem>> -> memref<1x125xi32, #tpu.memory_space<vmem>>
      %dma_start3A_134 = tpu.memref_squeeze %dma_start3A_133 : memref<1x125xi32, #tpu.memory_space<vmem>> -> memref<125xi32, #tpu.memory_space<vmem>>
      %dma_start3A_135 = arith.constant 0 : i32
      %dma_start3A_136 = arith.constant 0 : i32
      %dma_start3A_137 = tpu.memref_slice %arg9[%dma_start3A_135, %dma_start3A_136] : memref<10240x128xf32, #tpu.memory_space<vmem_shared>> -> memref<10240x128xf32, #tpu.memory_space<vmem_shared>>
      tpu.enqueue_indirect_dma source(%dma_start3A_131 : memref<125x128xf32, #tpu.memory_space<vmem>>) target(%dma_start3A_137 : memref<10240x128xf32, #tpu.memory_space<vmem_shared>>) offsets(%dma_start3A_134 : memref<125xi32, #tpu.memory_space<vmem>>) semaphore(%arg12 : memref<!tpu.dma_semaphore, #tpu.memory_space<semaphore_mem>>) {add = true}
      %add3A_138 = arith.constant 1 : i32
      %add3A_139 = arith.addi %add3A_94, %add3A_138 : i32
      %ge3A_140 = arith.constant 1 : i32
      %ge3A_141 = arith.cmpi sge, %add3A_139, %ge3A_140 : i32
      %convert_element_type3A_142 = arith.extui %ge3A_141 : i1 to i32
      %cond3A_143 = arith.constant 0 : i32
      %cond3A_144 = arith.cmpi ne, %convert_element_type3A_142, %cond3A_143 : i32
      scf.if %cond3A_144 {
        %dma_wait3A_186 = arith.constant 0 : i32
        %dma_wait3A_187 = arith.constant 0 : i32
        %dma_wait3A_188 = arith.constant 0 : i32
        %dma_wait3A_189 = tpu.memref_slice %arg8[%dma_wait3A_186, %dma_wait3A_187, %dma_wait3A_188] : memref<2x125x128xf32, #tpu.memory_space<vmem>> -> memref<1x125x128xf32, #tpu.memory_space<vmem>>
        %dma_wait3A_190 = tpu.memref_squeeze %dma_wait3A_189 : memref<1x125x128xf32, #tpu.memory_space<vmem>> -> memref<125x128xf32, #tpu.memory_space<vmem>>
        %dma_wait3A_191 = arith.constant 0 : i32
        %dma_wait3A_192 = tpu.memref_slice %arg7[%add3A_139, %dma_wait3A_191] : memref<40x125xi32, #tpu.memory_space<vmem>> -> memref<1x125xi32, #tpu.memory_space<vmem>>
        %dma_wait3A_193 = tpu.memref_squeeze %dma_wait3A_192 : memref<1x125xi32, #tpu.memory_space<vmem>> -> memref<125xi32, #tpu.memory_space<vmem>>
        %dma_wait3A_194 = arith.constant 0 : i32
        %dma_wait3A_195 = arith.constant 0 : i32
        %dma_wait3A_196 = tpu.memref_slice %arg9[%dma_wait3A_194, %dma_wait3A_195] : memref<10240x128xf32, #tpu.memory_space<vmem_shared>> -> memref<10240x128xf32, #tpu.memory_space<vmem_shared>>
        tpu.wait_indirect_dma semaphore(%arg12 : memref<!tpu.dma_semaphore, #tpu.memory_space<semaphore_mem>>) src(%dma_wait3A_190 : memref<125x128xf32, #tpu.memory_space<vmem>>) dst(%dma_wait3A_196 : memref<10240x128xf32, #tpu.memory_space<vmem_shared>>)
      } else {
      }
      %add3A_145 = arith.constant 1 : i32
      %add3A_146 = arith.addi %add3A_139, %add3A_145 : i32
      %ge3A_147 = arith.constant 40 : i32
      %ge3A_148 = arith.cmpi sge, %add3A_146, %ge3A_147 : i32
      %add3A_149 = arith.constant 1 : i32
      %add3A_150 = arith.addi %add3A_139, %add3A_149 : i32
      %jit3A_151 = arith.constant 0 : i32
      %select_n3A_152 = arith.select %ge3A_148, %jit3A_151, %add3A_150 : i32
      %dma_start3A_153 = arith.constant 0 : i32
      %dma_start3A_154 = arith.constant 0 : i32
      %dma_start3A_155 = arith.constant 0 : i32
      %dma_start3A_156 = tpu.memref_slice %arg8[%dma_start3A_153, %dma_start3A_154, %dma_start3A_155] : memref<2x125x128xf32, #tpu.memory_space<vmem>> -> memref<1x125x128xf32, #tpu.memory_space<vmem>>
      %dma_start3A_157 = tpu.memref_squeeze %dma_start3A_156 : memref<1x125x128xf32, #tpu.memory_space<vmem>> -> memref<125x128xf32, #tpu.memory_space<vmem>>
      %dma_start3A_158 = arith.constant 0 : i32
      %dma_start3A_159 = tpu.memref_slice %arg6[%select_n3A_152, %dma_start3A_158] : memref<40x125xi32, #tpu.memory_space<vmem>> -> memref<1x125xi32, #tpu.memory_space<vmem>>
      %dma_start3A_160 = tpu.memref_squeeze %dma_start3A_159 : memref<1x125xi32, #tpu.memory_space<vmem>> -> memref<125xi32, #tpu.memory_space<vmem>>
      %dma_start3A_161 = arith.constant 0 : i32
      %dma_start3A_162 = arith.constant 0 : i32
      %dma_start3A_163 = tpu.memref_slice %arg2[%dma_start3A_161, %dma_start3A_162] : memref<10240x128xf32, #tpu.memory_space<hbm>> -> memref<10240x128xf32, #tpu.memory_space<hbm>>
      tpu.enqueue_indirect_dma source(%dma_start3A_163 : memref<10240x128xf32, #tpu.memory_space<hbm>>) target(%dma_start3A_157 : memref<125x128xf32, #tpu.memory_space<vmem>>) offsets(%dma_start3A_160 : memref<125xi32, #tpu.memory_space<vmem>>) semaphore(%arg10 : memref<!tpu.dma_semaphore, #tpu.memory_space<semaphore_mem>>)
      %dma_wait3A_164 = arith.constant 1 : i32
      %dma_wait3A_165 = arith.constant 0 : i32
      %dma_wait3A_166 = arith.constant 0 : i32
      %dma_wait3A_167 = tpu.memref_slice %arg8[%dma_wait3A_164, %dma_wait3A_165, %dma_wait3A_166] : memref<2x125x128xf32, #tpu.memory_space<vmem>> -> memref<1x125x128xf32, #tpu.memory_space<vmem>>
      %dma_wait3A_168 = tpu.memref_squeeze %dma_wait3A_167 : memref<1x125x128xf32, #tpu.memory_space<vmem>> -> memref<125x128xf32, #tpu.memory_space<vmem>>
      %dma_wait3A_169 = arith.constant 0 : i32
      %dma_wait3A_170 = tpu.memref_slice %arg6[%add3A_139, %dma_wait3A_169] : memref<40x125xi32, #tpu.memory_space<vmem>> -> memref<1x125xi32, #tpu.memory_space<vmem>>
      %dma_wait3A_171 = tpu.memref_squeeze %dma_wait3A_170 : memref<1x125xi32, #tpu.memory_space<vmem>> -> memref<125xi32, #tpu.memory_space<vmem>>
      %dma_wait3A_172 = arith.constant 0 : i32
      %dma_wait3A_173 = arith.constant 0 : i32
      %dma_wait3A_174 = tpu.memref_slice %arg2[%dma_wait3A_172, %dma_wait3A_173] : memref<10240x128xf32, #tpu.memory_space<hbm>> -> memref<10240x128xf32, #tpu.memory_space<hbm>>
      tpu.wait_indirect_dma semaphore(%arg11 : memref<!tpu.dma_semaphore, #tpu.memory_space<semaphore_mem>>) src(%dma_wait3A_174 : memref<10240x128xf32, #tpu.memory_space<hbm>>) dst(%dma_wait3A_168 : memref<125x128xf32, #tpu.memory_space<vmem>>)
      %dma_start3A_175 = arith.constant 1 : i32
      %dma_start3A_176 = arith.constant 0 : i32
      %dma_start3A_177 = arith.constant 0 : i32
      %dma_start3A_178 = tpu.memref_slice %arg8[%dma_start3A_175, %dma_start3A_176, %dma_start3A_177] : memref<2x125x128xf32, #tpu.memory_space<vmem>> -> memref<1x125x128xf32, #tpu.memory_space<vmem>>
      %dma_start3A_179 = tpu.memref_squeeze %dma_start3A_178 : memref<1x125x128xf32, #tpu.memory_space<vmem>> -> memref<125x128xf32, #tpu.memory_space<vmem>>
      %dma_start3A_180 = arith.constant 0 : i32
      %dma_start3A_181 = tpu.memref_slice %arg7[%add3A_139, %dma_start3A_180] : memref<40x125xi32, #tpu.memory_space<vmem>> -> memref<1x125xi32, #tpu.memory_space<vmem>>
      %dma_start3A_182 = tpu.memref_squeeze %dma_start3A_181 : memref<1x125xi32, #tpu.memory_space<vmem>> -> memref<125xi32, #tpu.memory_space<vmem>>
      %dma_start3A_183 = arith.constant 0 : i32
      %dma_start3A_184 = arith.constant 0 : i32
      %dma_start3A_185 = tpu.memref_slice %arg9[%dma_start3A_183, %dma_start3A_184] : memref<10240x128xf32, #tpu.memory_space<vmem_shared>> -> memref<10240x128xf32, #tpu.memory_space<vmem_shared>>
      tpu.enqueue_indirect_dma source(%dma_start3A_179 : memref<125x128xf32, #tpu.memory_space<vmem>>) target(%dma_start3A_185 : memref<10240x128xf32, #tpu.memory_space<vmem_shared>>) offsets(%dma_start3A_182 : memref<125xi32, #tpu.memory_space<vmem>>) semaphore(%arg13 : memref<!tpu.dma_semaphore, #tpu.memory_space<semaphore_mem>>) {add = true}
    }
    %scan3A_60 = arith.constant 20 : i32
    %dma_wait3A_61 = arith.constant 1 : i32
    %dma_wait3A_62 = arith.constant 0 : i32
    %dma_wait3A_63 = arith.constant 0 : i32
    %dma_wait3A_64 = arith.constant 0 : i32
    %dma_wait3A_65 = tpu.memref_slice %arg8[%dma_wait3A_61, %dma_wait3A_63, %dma_wait3A_64] : memref<2x125x128xf32, #tpu.memory_space<vmem>> -> memref<1x125x128xf32, #tpu.memory_space<vmem>>
    %dma_wait3A_66 = tpu.memref_squeeze %dma_wait3A_65 : memref<1x125x128xf32, #tpu.memory_space<vmem>> -> memref<125x128xf32, #tpu.memory_space<vmem>>
    %dma_wait3A_67 = arith.constant 0 : i32
    %dma_wait3A_68 = tpu.memref_slice %arg7[%dma_wait3A_62, %dma_wait3A_67] : memref<40x125xi32, #tpu.memory_space<vmem>> -> memref<1x125xi32, #tpu.memory_space<vmem>>
    %dma_wait3A_69 = tpu.memref_squeeze %dma_wait3A_68 : memref<1x125xi32, #tpu.memory_space<vmem>> -> memref<125xi32, #tpu.memory_space<vmem>>
    %dma_wait3A_70 = arith.constant 0 : i32
    %dma_wait3A_71 = arith.constant 0 : i32
    %dma_wait3A_72 = tpu.memref_slice %arg9[%dma_wait3A_70, %dma_wait3A_71] : memref<10240x128xf32, #tpu.memory_space<vmem_shared>> -> memref<10240x128xf32, #tpu.memory_space<vmem_shared>>
    tpu.wait_indirect_dma semaphore(%arg13 : memref<!tpu.dma_semaphore, #tpu.memory_space<semaphore_mem>>) src(%dma_wait3A_66 : memref<125x128xf32, #tpu.memory_space<vmem>>) dst(%dma_wait3A_72 : memref<10240x128xf32, #tpu.memory_space<vmem_shared>>)
    %dma_wait3A_73 = arith.constant 0 : i32
    %dma_wait3A_74 = arith.constant 0 : i32
    %dma_wait3A_75 = arith.constant 0 : i32
    %dma_wait3A_76 = arith.constant 0 : i32
    %dma_wait3A_77 = tpu.memref_slice %arg8[%dma_wait3A_74, %dma_wait3A_75, %dma_wait3A_76] : memref<2x125x128xf32, #tpu.memory_space<vmem>> -> memref<1x125x128xf32, #tpu.memory_space<vmem>>
    %dma_wait3A_78 = tpu.memref_squeeze %dma_wait3A_77 : memref<1x125x128xf32, #tpu.memory_space<vmem>> -> memref<125x128xf32, #tpu.memory_space<vmem>>
    %dma_wait3A_79 = arith.constant 0 : i32
    %dma_wait3A_80 = tpu.memref_slice %arg6[%dma_wait3A_73, %dma_wait3A_79] : memref<40x125xi32, #tpu.memory_space<vmem>> -> memref<1x125xi32, #tpu.memory_space<vmem>>
    %dma_wait3A_81 = tpu.memref_squeeze %dma_wait3A_80 : memref<1x125xi32, #tpu.memory_space<vmem>> -> memref<125xi32, #tpu.memory_space<vmem>>
    %dma_wait3A_82 = arith.constant 0 : i32
    %dma_wait3A_83 = arith.constant 0 : i32
    %dma_wait3A_84 = tpu.memref_slice %arg2[%dma_wait3A_82, %dma_wait3A_83] : memref<10240x128xf32, #tpu.memory_space<hbm>> -> memref<10240x128xf32, #tpu.memory_space<hbm>>
    tpu.wait_indirect_dma semaphore(%arg10 : memref<!tpu.dma_semaphore, #tpu.memory_space<semaphore_mem>>) src(%dma_wait3A_84 : memref<10240x128xf32, #tpu.memory_space<hbm>>) dst(%dma_wait3A_78 : memref<125x128xf32, #tpu.memory_space<vmem>>)
    %barrier3A_85 = arith.constant 0 : index
    tpu.barrier barrier_id(%barrier3A_85)
    %mul3A_86 = arith.constant 640 : i32
    %mul3A_87 = arith.muli %arg1, %mul3A_86 : i32
    %mul3A_88 = arith.constant 640 : i32
    %mul3A_89 = arith.muli %arg1, %mul3A_88 : i32
    "tpu.region"() ({
      %run_scoped3A_90 = tpu.sem_alloc : memref<!tpu.dma_semaphore, #tpu.memory_space<semaphore_mem>>
      %dma_start3A_91 = arith.constant 0 : i32
      %dma_start3A_92 = tpu.memref_slice %arg5[%arg0, %mul3A_89, %dma_start3A_91] : memref<2x10240x128xf32, #tpu.memory_space<hbm>> -> memref<1x640x128xf32, #tpu.memory_space<hbm>>
      %dma_start3A_93 = tpu.memref_squeeze %dma_start3A_92 : memref<1x640x128xf32, #tpu.memory_space<hbm>> -> memref<640x128xf32, #tpu.memory_space<hbm>>
      %dma_start3A_94 = arith.constant 0 : i32
      %dma_start3A_95 = tpu.memref_slice %arg9[%mul3A_87, %dma_start3A_94] : memref<10240x128xf32, #tpu.memory_space<vmem_shared>> -> memref<640x128xf32, #tpu.memory_space<vmem_shared>>
      tpu.enqueue_dma source(%dma_start3A_95 : memref<640x128xf32, #tpu.memory_space<vmem_shared>>) target(%dma_start3A_93 : memref<640x128xf32, #tpu.memory_space<hbm>>) target_semaphore(%run_scoped3A_90 : memref<!tpu.dma_semaphore, #tpu.memory_space<semaphore_mem>>)
      %dma_wait3A_96 = arith.constant 0 : i32
      %dma_wait3A_97 = tpu.memref_slice %arg5[%arg0, %mul3A_89, %dma_wait3A_96] : memref<2x10240x128xf32, #tpu.memory_space<hbm>> -> memref<1x640x128xf32, #tpu.memory_space<hbm>>
      %dma_wait3A_98 = tpu.memref_squeeze %dma_wait3A_97 : memref<1x640x128xf32, #tpu.memory_space<hbm>> -> memref<640x128xf32, #tpu.memory_space<hbm>>
      %dma_wait3A_99 = arith.constant 0 : i32
      %dma_wait3A_100 = tpu.memref_slice %arg9[%mul3A_87, %dma_wait3A_99] : memref<10240x128xf32, #tpu.memory_space<vmem_shared>> -> memref<640x128xf32, #tpu.memory_space<vmem_shared>>
      tpu.wait_dma2 semaphore(%run_scoped3A_90 : memref<!tpu.dma_semaphore, #tpu.memory_space<semaphore_mem>>) src(%dma_wait3A_100 : memref<640x128xf32, #tpu.memory_space<vmem_shared>>) dst(%dma_wait3A_98 : memref<640x128xf32, #tpu.memory_space<hbm>>)
      tpu.yield
    }) : () -> ()
    return
  }
}

#map = affine_map<(d0, d1) -> (0, 0)>
#map1 = affine_map<(d0, d1) -> (0, 0, 0, 0)>
#map2 = affine_map<(d0, d1) -> (0, 0, 0)>
module attributes {stable_mosaic.version = 14 : i64} {
  func.func @_sc_aggregate(%arg0: i32, %arg1: i32, %arg2: memref<10240x128xf32, #tpu.memory_space<hbm>>, %arg3: memref<2x32x80x125xi32, #tpu.memory_space<hbm>>, %arg4: memref<640x128xf32, #tpu.memory_space<hbm>>, %arg5: memref<2x10240x128xf32, #tpu.memory_space<hbm>>, %arg6: memref<40x125xi32, #tpu.memory_space<vmem>>, %arg7: memref<40x125xi32, #tpu.memory_space<vmem>>, %arg8: memref<2x125x128xf32, #tpu.memory_space<vmem>>, %arg9: memref<10240x128xf32, #tpu.memory_space<vmem_shared>>, %arg10: memref<!tpu.dma_semaphore, #tpu.memory_space<semaphore_mem>>, %arg11: memref<!tpu.dma_semaphore, #tpu.memory_space<semaphore_mem>>, %arg12: memref<!tpu.dma_semaphore, #tpu.memory_space<semaphore_mem>>, %arg13: memref<!tpu.dma_semaphore, #tpu.memory_space<semaphore_mem>>) attributes {dimension_semantics = [#tpu.dimension_semantics<core_parallel>, #tpu.dimension_semantics<subcore_parallel>], iteration_bounds = array<i64: 2, 16>, scalar_prefetch = 0 : i64, scratch_operands = 8 : i64, tpu.core_type = #tpu.core_type<sc_vector_subcore>, window_params = [{transform_indices = #map}, {transform_indices = #map1}, {transform_indices = #map}, {transform_indices = #map2}]} {
    %mul3A = arith.constant 16 : i32
    %mul3A_0 = arith.muli %arg0, %mul3A : i32
    %add3A = arith.addi %mul3A_0, %arg1 : i32
    %mul3A_1 = arith.constant 640 : i32
    %mul3A_2 = arith.muli %arg1, %mul3A_1 : i32
    "tpu.region"() ({
      %run_scoped3A_90 = tpu.sem_alloc : memref<!tpu.dma_semaphore, #tpu.memory_space<semaphore_mem>>
      %dma_start3A_91 = arith.constant 0 : i32
      %dma_start3A_92 = tpu.memref_slice %arg9[%mul3A_2, %dma_start3A_91] : memref<10240x128xf32, #tpu.memory_space<vmem_shared>> -> memref<640x128xf32, #tpu.memory_space<vmem_shared>>
      tpu.enqueue_dma source(%arg4 : memref<640x128xf32, #tpu.memory_space<hbm>>) target(%dma_start3A_92 : memref<640x128xf32, #tpu.memory_space<vmem_shared>>) target_semaphore(%run_scoped3A_90 : memref<!tpu.dma_semaphore, #tpu.memory_space<semaphore_mem>>)
      %dma_wait3A_93 = arith.constant 0 : i32
      %dma_wait3A_94 = tpu.memref_slice %arg9[%mul3A_2, %dma_wait3A_93] : memref<10240x128xf32, #tpu.memory_space<vmem_shared>> -> memref<640x128xf32, #tpu.memory_space<vmem_shared>>
      tpu.wait_dma2 semaphore(%run_scoped3A_90 : memref<!tpu.dma_semaphore, #tpu.memory_space<semaphore_mem>>) src(%arg4 : memref<640x128xf32, #tpu.memory_space<hbm>>) dst(%dma_wait3A_94 : memref<640x128xf32, #tpu.memory_space<vmem_shared>>)
      tpu.yield
    }) : () -> ()
    %barrier3A = arith.constant 0 : index
    tpu.barrier barrier_id(%barrier3A)
    %run_scoped3A = arith.constant 0 : i32
    "tpu.region"() ({
      %run_scoped3A_90 = tpu.sem_alloc : memref<!tpu.dma_semaphore, #tpu.memory_space<semaphore_mem>>
      %dma_start3A_91 = arith.constant 0 : i32
      %dma_start3A_92 = arith.constant 0 : i32
      %dma_start3A_93 = tpu.memref_slice %arg3[%run_scoped3A, %add3A, %dma_start3A_91, %dma_start3A_92] : memref<2x32x80x125xi32, #tpu.memory_space<hbm>> -> memref<1x1x40x125xi32, #tpu.memory_space<hbm>>
      %dma_start3A_94 = tpu.memref_squeeze %dma_start3A_93 : memref<1x1x40x125xi32, #tpu.memory_space<hbm>> -> memref<40x125xi32, #tpu.memory_space<hbm>>
      %dma_start3A_95 = arith.constant 0 : i32
      %dma_start3A_96 = arith.constant 0 : i32
      %dma_start3A_97 = tpu.memref_slice %arg3[%run_scoped3A, %add3A, %dma_start3A_95, %dma_start3A_96] : memref<2x32x80x125xi32, #tpu.memory_space<hbm>> -> memref<1x1x40x125xi32, #tpu.memory_space<hbm>>
      %dma_start3A_98 = tpu.memref_squeeze %dma_start3A_97 : memref<1x1x40x125xi32, #tpu.memory_space<hbm>> -> memref<40x125xi32, #tpu.memory_space<hbm>>
      tpu.enqueue_dma source(%dma_start3A_98 : memref<40x125xi32, #tpu.memory_space<hbm>>) target(%arg6 : memref<40x125xi32, #tpu.memory_space<vmem>>) target_semaphore(%run_scoped3A_90 : memref<!tpu.dma_semaphore, #tpu.memory_space<semaphore_mem>>)
      %dma_wait3A_99 = arith.constant 0 : i32
      %dma_wait3A_100 = arith.constant 0 : i32
      %dma_wait3A_101 = tpu.memref_slice %arg3[%run_scoped3A, %add3A, %dma_wait3A_99, %dma_wait3A_100] : memref<2x32x80x125xi32, #tpu.memory_space<hbm>> -> memref<1x1x40x125xi32, #tpu.memory_space<hbm>>
      %dma_wait3A_102 = tpu.memref_squeeze %dma_wait3A_101 : memref<1x1x40x125xi32, #tpu.memory_space<hbm>> -> memref<40x125xi32, #tpu.memory_space<hbm>>
      %dma_wait3A_103 = arith.constant 0 : i32
      %dma_wait3A_104 = arith.constant 0 : i32
      %dma_wait3A_105 = tpu.memref_slice %arg3[%run_scoped3A, %add3A, %dma_wait3A_103, %dma_wait3A_104] : memref<2x32x80x125xi32, #tpu.memory_space<hbm>> -> memref<1x1x40x125xi32, #tpu.memory_space<hbm>>
      %dma_wait3A_106 = tpu.memref_squeeze %dma_wait3A_105 : memref<1x1x40x125xi32, #tpu.memory_space<hbm>> -> memref<40x125xi32, #tpu.memory_space<hbm>>
      tpu.wait_dma2 semaphore(%run_scoped3A_90 : memref<!tpu.dma_semaphore, #tpu.memory_space<semaphore_mem>>) src(%dma_wait3A_106 : memref<40x125xi32, #tpu.memory_space<hbm>>) dst(%arg6 : memref<40x125xi32, #tpu.memory_space<vmem>>)
      tpu.yield
    }) : () -> ()
    %run_scoped3A_3 = arith.constant 1 : i32
    "tpu.region"() ({
      %run_scoped3A_90 = tpu.sem_alloc : memref<!tpu.dma_semaphore, #tpu.memory_space<semaphore_mem>>
      %dma_start3A_91 = arith.constant 0 : i32
      %dma_start3A_92 = arith.constant 0 : i32
      %dma_start3A_93 = tpu.memref_slice %arg3[%run_scoped3A_3, %add3A, %dma_start3A_91, %dma_start3A_92] : memref<2x32x80x125xi32, #tpu.memory_space<hbm>> -> memref<1x1x40x125xi32, #tpu.memory_space<hbm>>
      %dma_start3A_94 = tpu.memref_squeeze %dma_start3A_93 : memref<1x1x40x125xi32, #tpu.memory_space<hbm>> -> memref<40x125xi32, #tpu.memory_space<hbm>>
      %dma_start3A_95 = arith.constant 0 : i32
      %dma_start3A_96 = arith.constant 0 : i32
      %dma_start3A_97 = tpu.memref_slice %arg3[%run_scoped3A_3, %add3A, %dma_start3A_95, %dma_start3A_96] : memref<2x32x80x125xi32, #tpu.memory_space<hbm>> -> memref<1x1x40x125xi32, #tpu.memory_space<hbm>>
      %dma_start3A_98 = tpu.memref_squeeze %dma_start3A_97 : memref<1x1x40x125xi32, #tpu.memory_space<hbm>> -> memref<40x125xi32, #tpu.memory_space<hbm>>
      tpu.enqueue_dma source(%dma_start3A_98 : memref<40x125xi32, #tpu.memory_space<hbm>>) target(%arg7 : memref<40x125xi32, #tpu.memory_space<vmem>>) target_semaphore(%run_scoped3A_90 : memref<!tpu.dma_semaphore, #tpu.memory_space<semaphore_mem>>)
      %dma_wait3A_99 = arith.constant 0 : i32
      %dma_wait3A_100 = arith.constant 0 : i32
      %dma_wait3A_101 = tpu.memref_slice %arg3[%run_scoped3A_3, %add3A, %dma_wait3A_99, %dma_wait3A_100] : memref<2x32x80x125xi32, #tpu.memory_space<hbm>> -> memref<1x1x40x125xi32, #tpu.memory_space<hbm>>
      %dma_wait3A_102 = tpu.memref_squeeze %dma_wait3A_101 : memref<1x1x40x125xi32, #tpu.memory_space<hbm>> -> memref<40x125xi32, #tpu.memory_space<hbm>>
      %dma_wait3A_103 = arith.constant 0 : i32
      %dma_wait3A_104 = arith.constant 0 : i32
      %dma_wait3A_105 = tpu.memref_slice %arg3[%run_scoped3A_3, %add3A, %dma_wait3A_103, %dma_wait3A_104] : memref<2x32x80x125xi32, #tpu.memory_space<hbm>> -> memref<1x1x40x125xi32, #tpu.memory_space<hbm>>
      %dma_wait3A_106 = tpu.memref_squeeze %dma_wait3A_105 : memref<1x1x40x125xi32, #tpu.memory_space<hbm>> -> memref<40x125xi32, #tpu.memory_space<hbm>>
      tpu.wait_dma2 semaphore(%run_scoped3A_90 : memref<!tpu.dma_semaphore, #tpu.memory_space<semaphore_mem>>) src(%dma_wait3A_106 : memref<40x125xi32, #tpu.memory_space<hbm>>) dst(%arg7 : memref<40x125xi32, #tpu.memory_space<vmem>>)
      tpu.yield
    }) : () -> ()
    %dma_start3A = arith.constant 0 : i32
    %dma_start3A_4 = arith.constant 0 : i32
    %dma_start3A_5 = arith.constant 0 : i32
    %dma_start3A_6 = arith.constant 0 : i32
    %dma_start3A_7 = tpu.memref_slice %arg8[%dma_start3A_4, %dma_start3A_5, %dma_start3A_6] : memref<2x125x128xf32, #tpu.memory_space<vmem>> -> memref<1x125x128xf32, #tpu.memory_space<vmem>>
    %dma_start3A_8 = tpu.memref_squeeze %dma_start3A_7 : memref<1x125x128xf32, #tpu.memory_space<vmem>> -> memref<125x128xf32, #tpu.memory_space<vmem>>
    %dma_start3A_9 = arith.constant 0 : i32
    %dma_start3A_10 = tpu.memref_slice %arg6[%dma_start3A, %dma_start3A_9] : memref<40x125xi32, #tpu.memory_space<vmem>> -> memref<1x125xi32, #tpu.memory_space<vmem>>
    %dma_start3A_11 = tpu.memref_squeeze %dma_start3A_10 : memref<1x125xi32, #tpu.memory_space<vmem>> -> memref<125xi32, #tpu.memory_space<vmem>>
    %dma_start3A_12 = arith.constant 0 : i32
    %dma_start3A_13 = arith.constant 0 : i32
    %dma_start3A_14 = tpu.memref_slice %arg2[%dma_start3A_12, %dma_start3A_13] : memref<10240x128xf32, #tpu.memory_space<hbm>> -> memref<10240x128xf32, #tpu.memory_space<hbm>>
    tpu.enqueue_indirect_dma source(%dma_start3A_14 : memref<10240x128xf32, #tpu.memory_space<hbm>>) target(%dma_start3A_8 : memref<125x128xf32, #tpu.memory_space<vmem>>) offsets(%dma_start3A_11 : memref<125xi32, #tpu.memory_space<vmem>>) semaphore(%arg10 : memref<!tpu.dma_semaphore, #tpu.memory_space<semaphore_mem>>)
    %scan3A = arith.constant 0 : i32
    %scan3A_15 = arith.constant 20 : i32
    %scan3A_16 = arith.addi %scan3A, %scan3A_15 : i32
    %scan3A_17 = arith.constant 1 : i32
    scf.for %scan3A_90 = %scan3A to %scan3A_16 step %scan3A_17  : i32 {
      %mul3A_91 = arith.constant 2 : i32
      %mul3A_92 = arith.muli %scan3A_90, %mul3A_91 : i32
      %add3A_93 = arith.constant 0 : i32
      %add3A_94 = arith.addi %add3A_93, %mul3A_92 : i32
      %add3A_95 = arith.constant 0 : i32
      %add3A_96 = arith.addi %add3A_94, %add3A_95 : i32
      %ge3A = arith.constant 1 : i32
      %ge3A_97 = arith.cmpi sge, %add3A_96, %ge3A : i32
      %convert_element_type3A = arith.extui %ge3A_97 : i1 to i32
      %cond3A = arith.constant 0 : i32
      %cond3A_98 = arith.cmpi ne, %convert_element_type3A, %cond3A : i32
      scf.if %cond3A_98 {
        %dma_wait3A_186 = arith.constant 1 : i32
        %dma_wait3A_187 = arith.constant 0 : i32
        %dma_wait3A_188 = arith.constant 0 : i32
        %dma_wait3A_189 = tpu.memref_slice %arg8[%dma_wait3A_186, %dma_wait3A_187, %dma_wait3A_188] : memref<2x125x128xf32, #tpu.memory_space<vmem>> -> memref<1x125x128xf32, #tpu.memory_space<vmem>>
        %dma_wait3A_190 = tpu.memref_squeeze %dma_wait3A_189 : memref<1x125x128xf32, #tpu.memory_space<vmem>> -> memref<125x128xf32, #tpu.memory_space<vmem>>
        %dma_wait3A_191 = arith.constant 0 : i32
        %dma_wait3A_192 = tpu.memref_slice %arg7[%add3A_96, %dma_wait3A_191] : memref<40x125xi32, #tpu.memory_space<vmem>> -> memref<1x125xi32, #tpu.memory_space<vmem>>
        %dma_wait3A_193 = tpu.memref_squeeze %dma_wait3A_192 : memref<1x125xi32, #tpu.memory_space<vmem>> -> memref<125xi32, #tpu.memory_space<vmem>>
        %dma_wait3A_194 = arith.constant 0 : i32
        %dma_wait3A_195 = arith.constant 0 : i32
        %dma_wait3A_196 = tpu.memref_slice %arg9[%dma_wait3A_194, %dma_wait3A_195] : memref<10240x128xf32, #tpu.memory_space<vmem_shared>> -> memref<10240x128xf32, #tpu.memory_space<vmem_shared>>
        tpu.wait_indirect_dma semaphore(%arg13 : memref<!tpu.dma_semaphore, #tpu.memory_space<semaphore_mem>>) src(%dma_wait3A_190 : memref<125x128xf32, #tpu.memory_space<vmem>>) dst(%dma_wait3A_196 : memref<10240x128xf32, #tpu.memory_space<vmem_shared>>)
      } else {
      }
      %add3A_99 = arith.constant 1 : i32
      %add3A_100 = arith.addi %add3A_96, %add3A_99 : i32
      %ge3A_101 = arith.constant 40 : i32
      %ge3A_102 = arith.cmpi sge, %add3A_100, %ge3A_101 : i32
      %add3A_103 = arith.constant 1 : i32
      %add3A_104 = arith.addi %add3A_96, %add3A_103 : i32
      %jit3A = arith.constant 0 : i32
      %select_n3A = arith.select %ge3A_102, %jit3A, %add3A_104 : i32
      %dma_start3A_105 = arith.constant 1 : i32
      %dma_start3A_106 = arith.constant 0 : i32
      %dma_start3A_107 = arith.constant 0 : i32
      %dma_start3A_108 = tpu.memref_slice %arg8[%dma_start3A_105, %dma_start3A_106, %dma_start3A_107] : memref<2x125x128xf32, #tpu.memory_space<vmem>> -> memref<1x125x128xf32, #tpu.memory_space<vmem>>
      %dma_start3A_109 = tpu.memref_squeeze %dma_start3A_108 : memref<1x125x128xf32, #tpu.memory_space<vmem>> -> memref<125x128xf32, #tpu.memory_space<vmem>>
      %dma_start3A_110 = arith.constant 0 : i32
      %dma_start3A_111 = tpu.memref_slice %arg6[%select_n3A, %dma_start3A_110] : memref<40x125xi32, #tpu.memory_space<vmem>> -> memref<1x125xi32, #tpu.memory_space<vmem>>
      %dma_start3A_112 = tpu.memref_squeeze %dma_start3A_111 : memref<1x125xi32, #tpu.memory_space<vmem>> -> memref<125xi32, #tpu.memory_space<vmem>>
      %dma_start3A_113 = arith.constant 0 : i32
      %dma_start3A_114 = arith.constant 0 : i32
      %dma_start3A_115 = tpu.memref_slice %arg2[%dma_start3A_113, %dma_start3A_114] : memref<10240x128xf32, #tpu.memory_space<hbm>> -> memref<10240x128xf32, #tpu.memory_space<hbm>>
      tpu.enqueue_indirect_dma source(%dma_start3A_115 : memref<10240x128xf32, #tpu.memory_space<hbm>>) target(%dma_start3A_109 : memref<125x128xf32, #tpu.memory_space<vmem>>) offsets(%dma_start3A_112 : memref<125xi32, #tpu.memory_space<vmem>>) semaphore(%arg11 : memref<!tpu.dma_semaphore, #tpu.memory_space<semaphore_mem>>)
      %dma_wait3A_116 = arith.constant 0 : i32
      %dma_wait3A_117 = arith.constant 0 : i32
      %dma_wait3A_118 = arith.constant 0 : i32
      %dma_wait3A_119 = tpu.memref_slice %arg8[%dma_wait3A_116, %dma_wait3A_117, %dma_wait3A_118] : memref<2x125x128xf32, #tpu.memory_space<vmem>> -> memref<1x125x128xf32, #tpu.memory_space<vmem>>
      %dma_wait3A_120 = tpu.memref_squeeze %dma_wait3A_119 : memref<1x125x128xf32, #tpu.memory_space<vmem>> -> memref<125x128xf32, #tpu.memory_space<vmem>>
      %dma_wait3A_121 = arith.constant 0 : i32
      %dma_wait3A_122 = tpu.memref_slice %arg6[%add3A_96, %dma_wait3A_121] : memref<40x125xi32, #tpu.memory_space<vmem>> -> memref<1x125xi32, #tpu.memory_space<vmem>>
      %dma_wait3A_123 = tpu.memref_squeeze %dma_wait3A_122 : memref<1x125xi32, #tpu.memory_space<vmem>> -> memref<125xi32, #tpu.memory_space<vmem>>
      %dma_wait3A_124 = arith.constant 0 : i32
      %dma_wait3A_125 = arith.constant 0 : i32
      %dma_wait3A_126 = tpu.memref_slice %arg2[%dma_wait3A_124, %dma_wait3A_125] : memref<10240x128xf32, #tpu.memory_space<hbm>> -> memref<10240x128xf32, #tpu.memory_space<hbm>>
      tpu.wait_indirect_dma semaphore(%arg10 : memref<!tpu.dma_semaphore, #tpu.memory_space<semaphore_mem>>) src(%dma_wait3A_126 : memref<10240x128xf32, #tpu.memory_space<hbm>>) dst(%dma_wait3A_120 : memref<125x128xf32, #tpu.memory_space<vmem>>)
      %dma_start3A_127 = arith.constant 0 : i32
      %dma_start3A_128 = arith.constant 0 : i32
      %dma_start3A_129 = arith.constant 0 : i32
      %dma_start3A_130 = tpu.memref_slice %arg8[%dma_start3A_127, %dma_start3A_128, %dma_start3A_129] : memref<2x125x128xf32, #tpu.memory_space<vmem>> -> memref<1x125x128xf32, #tpu.memory_space<vmem>>
      %dma_start3A_131 = tpu.memref_squeeze %dma_start3A_130 : memref<1x125x128xf32, #tpu.memory_space<vmem>> -> memref<125x128xf32, #tpu.memory_space<vmem>>
      %dma_start3A_132 = arith.constant 0 : i32
      %dma_start3A_133 = tpu.memref_slice %arg7[%add3A_96, %dma_start3A_132] : memref<40x125xi32, #tpu.memory_space<vmem>> -> memref<1x125xi32, #tpu.memory_space<vmem>>
      %dma_start3A_134 = tpu.memref_squeeze %dma_start3A_133 : memref<1x125xi32, #tpu.memory_space<vmem>> -> memref<125xi32, #tpu.memory_space<vmem>>
      %dma_start3A_135 = arith.constant 0 : i32
      %dma_start3A_136 = arith.constant 0 : i32
      %dma_start3A_137 = tpu.memref_slice %arg9[%dma_start3A_135, %dma_start3A_136] : memref<10240x128xf32, #tpu.memory_space<vmem_shared>> -> memref<10240x128xf32, #tpu.memory_space<vmem_shared>>
      tpu.enqueue_indirect_dma source(%dma_start3A_131 : memref<125x128xf32, #tpu.memory_space<vmem>>) target(%dma_start3A_137 : memref<10240x128xf32, #tpu.memory_space<vmem_shared>>) offsets(%dma_start3A_134 : memref<125xi32, #tpu.memory_space<vmem>>) semaphore(%arg12 : memref<!tpu.dma_semaphore, #tpu.memory_space<semaphore_mem>>) {add = true}
      %add3A_138 = arith.constant 1 : i32
      %add3A_139 = arith.addi %add3A_94, %add3A_138 : i32
      %ge3A_140 = arith.constant 1 : i32
      %ge3A_141 = arith.cmpi sge, %add3A_139, %ge3A_140 : i32
      %convert_element_type3A_142 = arith.extui %ge3A_141 : i1 to i32
      %cond3A_143 = arith.constant 0 : i32
      %cond3A_144 = arith.cmpi ne, %convert_element_type3A_142, %cond3A_143 : i32
      scf.if %cond3A_144 {
        %dma_wait3A_186 = arith.constant 0 : i32
        %dma_wait3A_187 = arith.constant 0 : i32
        %dma_wait3A_188 = arith.constant 0 : i32
        %dma_wait3A_189 = tpu.memref_slice %arg8[%dma_wait3A_186, %dma_wait3A_187, %dma_wait3A_188] : memref<2x125x128xf32, #tpu.memory_space<vmem>> -> memref<1x125x128xf32, #tpu.memory_space<vmem>>
        %dma_wait3A_190 = tpu.memref_squeeze %dma_wait3A_189 : memref<1x125x128xf32, #tpu.memory_space<vmem>> -> memref<125x128xf32, #tpu.memory_space<vmem>>
        %dma_wait3A_191 = arith.constant 0 : i32
        %dma_wait3A_192 = tpu.memref_slice %arg7[%add3A_139, %dma_wait3A_191] : memref<40x125xi32, #tpu.memory_space<vmem>> -> memref<1x125xi32, #tpu.memory_space<vmem>>
        %dma_wait3A_193 = tpu.memref_squeeze %dma_wait3A_192 : memref<1x125xi32, #tpu.memory_space<vmem>> -> memref<125xi32, #tpu.memory_space<vmem>>
        %dma_wait3A_194 = arith.constant 0 : i32
        %dma_wait3A_195 = arith.constant 0 : i32
        %dma_wait3A_196 = tpu.memref_slice %arg9[%dma_wait3A_194, %dma_wait3A_195] : memref<10240x128xf32, #tpu.memory_space<vmem_shared>> -> memref<10240x128xf32, #tpu.memory_space<vmem_shared>>
        tpu.wait_indirect_dma semaphore(%arg12 : memref<!tpu.dma_semaphore, #tpu.memory_space<semaphore_mem>>) src(%dma_wait3A_190 : memref<125x128xf32, #tpu.memory_space<vmem>>) dst(%dma_wait3A_196 : memref<10240x128xf32, #tpu.memory_space<vmem_shared>>)
      } else {
      }
      %add3A_145 = arith.constant 1 : i32
      %add3A_146 = arith.addi %add3A_139, %add3A_145 : i32
      %ge3A_147 = arith.constant 40 : i32
      %ge3A_148 = arith.cmpi sge, %add3A_146, %ge3A_147 : i32
      %add3A_149 = arith.constant 1 : i32
      %add3A_150 = arith.addi %add3A_139, %add3A_149 : i32
      %jit3A_151 = arith.constant 0 : i32
      %select_n3A_152 = arith.select %ge3A_148, %jit3A_151, %add3A_150 : i32
      %dma_start3A_153 = arith.constant 0 : i32
      %dma_start3A_154 = arith.constant 0 : i32
      %dma_start3A_155 = arith.constant 0 : i32
      %dma_start3A_156 = tpu.memref_slice %arg8[%dma_start3A_153, %dma_start3A_154, %dma_start3A_155] : memref<2x125x128xf32, #tpu.memory_space<vmem>> -> memref<1x125x128xf32, #tpu.memory_space<vmem>>
      %dma_start3A_157 = tpu.memref_squeeze %dma_start3A_156 : memref<1x125x128xf32, #tpu.memory_space<vmem>> -> memref<125x128xf32, #tpu.memory_space<vmem>>
      %dma_start3A_158 = arith.constant 0 : i32
      %dma_start3A_159 = tpu.memref_slice %arg6[%select_n3A_152, %dma_start3A_158] : memref<40x125xi32, #tpu.memory_space<vmem>> -> memref<1x125xi32, #tpu.memory_space<vmem>>
      %dma_start3A_160 = tpu.memref_squeeze %dma_start3A_159 : memref<1x125xi32, #tpu.memory_space<vmem>> -> memref<125xi32, #tpu.memory_space<vmem>>
      %dma_start3A_161 = arith.constant 0 : i32
      %dma_start3A_162 = arith.constant 0 : i32
      %dma_start3A_163 = tpu.memref_slice %arg2[%dma_start3A_161, %dma_start3A_162] : memref<10240x128xf32, #tpu.memory_space<hbm>> -> memref<10240x128xf32, #tpu.memory_space<hbm>>
      tpu.enqueue_indirect_dma source(%dma_start3A_163 : memref<10240x128xf32, #tpu.memory_space<hbm>>) target(%dma_start3A_157 : memref<125x128xf32, #tpu.memory_space<vmem>>) offsets(%dma_start3A_160 : memref<125xi32, #tpu.memory_space<vmem>>) semaphore(%arg10 : memref<!tpu.dma_semaphore, #tpu.memory_space<semaphore_mem>>)
      %dma_wait3A_164 = arith.constant 1 : i32
      %dma_wait3A_165 = arith.constant 0 : i32
      %dma_wait3A_166 = arith.constant 0 : i32
      %dma_wait3A_167 = tpu.memref_slice %arg8[%dma_wait3A_164, %dma_wait3A_165, %dma_wait3A_166] : memref<2x125x128xf32, #tpu.memory_space<vmem>> -> memref<1x125x128xf32, #tpu.memory_space<vmem>>
      %dma_wait3A_168 = tpu.memref_squeeze %dma_wait3A_167 : memref<1x125x128xf32, #tpu.memory_space<vmem>> -> memref<125x128xf32, #tpu.memory_space<vmem>>
      %dma_wait3A_169 = arith.constant 0 : i32
      %dma_wait3A_170 = tpu.memref_slice %arg6[%add3A_139, %dma_wait3A_169] : memref<40x125xi32, #tpu.memory_space<vmem>> -> memref<1x125xi32, #tpu.memory_space<vmem>>
      %dma_wait3A_171 = tpu.memref_squeeze %dma_wait3A_170 : memref<1x125xi32, #tpu.memory_space<vmem>> -> memref<125xi32, #tpu.memory_space<vmem>>
      %dma_wait3A_172 = arith.constant 0 : i32
      %dma_wait3A_173 = arith.constant 0 : i32
      %dma_wait3A_174 = tpu.memref_slice %arg2[%dma_wait3A_172, %dma_wait3A_173] : memref<10240x128xf32, #tpu.memory_space<hbm>> -> memref<10240x128xf32, #tpu.memory_space<hbm>>
      tpu.wait_indirect_dma semaphore(%arg11 : memref<!tpu.dma_semaphore, #tpu.memory_space<semaphore_mem>>) src(%dma_wait3A_174 : memref<10240x128xf32, #tpu.memory_space<hbm>>) dst(%dma_wait3A_168 : memref<125x128xf32, #tpu.memory_space<vmem>>)
      %dma_start3A_175 = arith.constant 1 : i32
      %dma_start3A_176 = arith.constant 0 : i32
      %dma_start3A_177 = arith.constant 0 : i32
      %dma_start3A_178 = tpu.memref_slice %arg8[%dma_start3A_175, %dma_start3A_176, %dma_start3A_177] : memref<2x125x128xf32, #tpu.memory_space<vmem>> -> memref<1x125x128xf32, #tpu.memory_space<vmem>>
      %dma_start3A_179 = tpu.memref_squeeze %dma_start3A_178 : memref<1x125x128xf32, #tpu.memory_space<vmem>> -> memref<125x128xf32, #tpu.memory_space<vmem>>
      %dma_start3A_180 = arith.constant 0 : i32
      %dma_start3A_181 = tpu.memref_slice %arg7[%add3A_139, %dma_start3A_180] : memref<40x125xi32, #tpu.memory_space<vmem>> -> memref<1x125xi32, #tpu.memory_space<vmem>>
      %dma_start3A_182 = tpu.memref_squeeze %dma_start3A_181 : memref<1x125xi32, #tpu.memory_space<vmem>> -> memref<125xi32, #tpu.memory_space<vmem>>
      %dma_start3A_183 = arith.constant 0 : i32
      %dma_start3A_184 = arith.constant 0 : i32
      %dma_start3A_185 = tpu.memref_slice %arg9[%dma_start3A_183, %dma_start3A_184] : memref<10240x128xf32, #tpu.memory_space<vmem_shared>> -> memref<10240x128xf32, #tpu.memory_space<vmem_shared>>
      tpu.enqueue_indirect_dma source(%dma_start3A_179 : memref<125x128xf32, #tpu.memory_space<vmem>>) target(%dma_start3A_185 : memref<10240x128xf32, #tpu.memory_space<vmem_shared>>) offsets(%dma_start3A_182 : memref<125xi32, #tpu.memory_space<vmem>>) semaphore(%arg13 : memref<!tpu.dma_semaphore, #tpu.memory_space<semaphore_mem>>) {add = true}
    }
    %scan3A_18 = arith.constant 20 : i32
    %dma_wait3A = arith.constant 1 : i32
    %dma_wait3A_19 = arith.constant 0 : i32
    %dma_wait3A_20 = arith.constant 0 : i32
    %dma_wait3A_21 = arith.constant 0 : i32
    %dma_wait3A_22 = tpu.memref_slice %arg8[%dma_wait3A, %dma_wait3A_20, %dma_wait3A_21] : memref<2x125x128xf32, #tpu.memory_space<vmem>> -> memref<1x125x128xf32, #tpu.memory_space<vmem>>
    %dma_wait3A_23 = tpu.memref_squeeze %dma_wait3A_22 : memref<1x125x128xf32, #tpu.memory_space<vmem>> -> memref<125x128xf32, #tpu.memory_space<vmem>>
    %dma_wait3A_24 = arith.constant 0 : i32
    %dma_wait3A_25 = tpu.memref_slice %arg7[%dma_wait3A_19, %dma_wait3A_24] : memref<40x125xi32, #tpu.memory_space<vmem>> -> memref<1x125xi32, #tpu.memory_space<vmem>>
    %dma_wait3A_26 = tpu.memref_squeeze %dma_wait3A_25 : memref<1x125xi32, #tpu.memory_space<vmem>> -> memref<125xi32, #tpu.memory_space<vmem>>
    %dma_wait3A_27 = arith.constant 0 : i32
    %dma_wait3A_28 = arith.constant 0 : i32
    %dma_wait3A_29 = tpu.memref_slice %arg9[%dma_wait3A_27, %dma_wait3A_28] : memref<10240x128xf32, #tpu.memory_space<vmem_shared>> -> memref<10240x128xf32, #tpu.memory_space<vmem_shared>>
    tpu.wait_indirect_dma semaphore(%arg13 : memref<!tpu.dma_semaphore, #tpu.memory_space<semaphore_mem>>) src(%dma_wait3A_23 : memref<125x128xf32, #tpu.memory_space<vmem>>) dst(%dma_wait3A_29 : memref<10240x128xf32, #tpu.memory_space<vmem_shared>>)
    %dma_wait3A_30 = arith.constant 0 : i32
    %dma_wait3A_31 = arith.constant 0 : i32
    %dma_wait3A_32 = arith.constant 0 : i32
    %dma_wait3A_33 = arith.constant 0 : i32
    %dma_wait3A_34 = tpu.memref_slice %arg8[%dma_wait3A_31, %dma_wait3A_32, %dma_wait3A_33] : memref<2x125x128xf32, #tpu.memory_space<vmem>> -> memref<1x125x128xf32, #tpu.memory_space<vmem>>
    %dma_wait3A_35 = tpu.memref_squeeze %dma_wait3A_34 : memref<1x125x128xf32, #tpu.memory_space<vmem>> -> memref<125x128xf32, #tpu.memory_space<vmem>>
    %dma_wait3A_36 = arith.constant 0 : i32
    %dma_wait3A_37 = tpu.memref_slice %arg6[%dma_wait3A_30, %dma_wait3A_36] : memref<40x125xi32, #tpu.memory_space<vmem>> -> memref<1x125xi32, #tpu.memory_space<vmem>>
    %dma_wait3A_38 = tpu.memref_squeeze %dma_wait3A_37 : memref<1x125xi32, #tpu.memory_space<vmem>> -> memref<125xi32, #tpu.memory_space<vmem>>
    %dma_wait3A_39 = arith.constant 0 : i32
    %dma_wait3A_40 = arith.constant 0 : i32
    %dma_wait3A_41 = tpu.memref_slice %arg2[%dma_wait3A_39, %dma_wait3A_40] : memref<10240x128xf32, #tpu.memory_space<hbm>> -> memref<10240x128xf32, #tpu.memory_space<hbm>>
    tpu.wait_indirect_dma semaphore(%arg10 : memref<!tpu.dma_semaphore, #tpu.memory_space<semaphore_mem>>) src(%dma_wait3A_41 : memref<10240x128xf32, #tpu.memory_space<hbm>>) dst(%dma_wait3A_35 : memref<125x128xf32, #tpu.memory_space<vmem>>)
    %run_scoped3A_42 = arith.constant 0 : i32
    "tpu.region"() ({
      %run_scoped3A_90 = tpu.sem_alloc : memref<!tpu.dma_semaphore, #tpu.memory_space<semaphore_mem>>
      %dma_start3A_91 = arith.constant 40 : i32
      %dma_start3A_92 = arith.constant 0 : i32
      %dma_start3A_93 = tpu.memref_slice %arg3[%run_scoped3A_42, %add3A, %dma_start3A_91, %dma_start3A_92] : memref<2x32x80x125xi32, #tpu.memory_space<hbm>> -> memref<1x1x40x125xi32, #tpu.memory_space<hbm>>
      %dma_start3A_94 = tpu.memref_squeeze %dma_start3A_93 : memref<1x1x40x125xi32, #tpu.memory_space<hbm>> -> memref<40x125xi32, #tpu.memory_space<hbm>>
      %dma_start3A_95 = arith.constant 40 : i32
      %dma_start3A_96 = arith.constant 0 : i32
      %dma_start3A_97 = tpu.memref_slice %arg3[%run_scoped3A_42, %add3A, %dma_start3A_95, %dma_start3A_96] : memref<2x32x80x125xi32, #tpu.memory_space<hbm>> -> memref<1x1x40x125xi32, #tpu.memory_space<hbm>>
      %dma_start3A_98 = tpu.memref_squeeze %dma_start3A_97 : memref<1x1x40x125xi32, #tpu.memory_space<hbm>> -> memref<40x125xi32, #tpu.memory_space<hbm>>
      tpu.enqueue_dma source(%dma_start3A_98 : memref<40x125xi32, #tpu.memory_space<hbm>>) target(%arg6 : memref<40x125xi32, #tpu.memory_space<vmem>>) target_semaphore(%run_scoped3A_90 : memref<!tpu.dma_semaphore, #tpu.memory_space<semaphore_mem>>)
      %dma_wait3A_99 = arith.constant 40 : i32
      %dma_wait3A_100 = arith.constant 0 : i32
      %dma_wait3A_101 = tpu.memref_slice %arg3[%run_scoped3A_42, %add3A, %dma_wait3A_99, %dma_wait3A_100] : memref<2x32x80x125xi32, #tpu.memory_space<hbm>> -> memref<1x1x40x125xi32, #tpu.memory_space<hbm>>
      %dma_wait3A_102 = tpu.memref_squeeze %dma_wait3A_101 : memref<1x1x40x125xi32, #tpu.memory_space<hbm>> -> memref<40x125xi32, #tpu.memory_space<hbm>>
      %dma_wait3A_103 = arith.constant 40 : i32
      %dma_wait3A_104 = arith.constant 0 : i32
      %dma_wait3A_105 = tpu.memref_slice %arg3[%run_scoped3A_42, %add3A, %dma_wait3A_103, %dma_wait3A_104] : memref<2x32x80x125xi32, #tpu.memory_space<hbm>> -> memref<1x1x40x125xi32, #tpu.memory_space<hbm>>
      %dma_wait3A_106 = tpu.memref_squeeze %dma_wait3A_105 : memref<1x1x40x125xi32, #tpu.memory_space<hbm>> -> memref<40x125xi32, #tpu.memory_space<hbm>>
      tpu.wait_dma2 semaphore(%run_scoped3A_90 : memref<!tpu.dma_semaphore, #tpu.memory_space<semaphore_mem>>) src(%dma_wait3A_106 : memref<40x125xi32, #tpu.memory_space<hbm>>) dst(%arg6 : memref<40x125xi32, #tpu.memory_space<vmem>>)
      tpu.yield
    }) : () -> ()
    %run_scoped3A_43 = arith.constant 1 : i32
    "tpu.region"() ({
      %run_scoped3A_90 = tpu.sem_alloc : memref<!tpu.dma_semaphore, #tpu.memory_space<semaphore_mem>>
      %dma_start3A_91 = arith.constant 40 : i32
      %dma_start3A_92 = arith.constant 0 : i32
      %dma_start3A_93 = tpu.memref_slice %arg3[%run_scoped3A_43, %add3A, %dma_start3A_91, %dma_start3A_92] : memref<2x32x80x125xi32, #tpu.memory_space<hbm>> -> memref<1x1x40x125xi32, #tpu.memory_space<hbm>>
      %dma_start3A_94 = tpu.memref_squeeze %dma_start3A_93 : memref<1x1x40x125xi32, #tpu.memory_space<hbm>> -> memref<40x125xi32, #tpu.memory_space<hbm>>
      %dma_start3A_95 = arith.constant 40 : i32
      %dma_start3A_96 = arith.constant 0 : i32
      %dma_start3A_97 = tpu.memref_slice %arg3[%run_scoped3A_43, %add3A, %dma_start3A_95, %dma_start3A_96] : memref<2x32x80x125xi32, #tpu.memory_space<hbm>> -> memref<1x1x40x125xi32, #tpu.memory_space<hbm>>
      %dma_start3A_98 = tpu.memref_squeeze %dma_start3A_97 : memref<1x1x40x125xi32, #tpu.memory_space<hbm>> -> memref<40x125xi32, #tpu.memory_space<hbm>>
      tpu.enqueue_dma source(%dma_start3A_98 : memref<40x125xi32, #tpu.memory_space<hbm>>) target(%arg7 : memref<40x125xi32, #tpu.memory_space<vmem>>) target_semaphore(%run_scoped3A_90 : memref<!tpu.dma_semaphore, #tpu.memory_space<semaphore_mem>>)
      %dma_wait3A_99 = arith.constant 40 : i32
      %dma_wait3A_100 = arith.constant 0 : i32
      %dma_wait3A_101 = tpu.memref_slice %arg3[%run_scoped3A_43, %add3A, %dma_wait3A_99, %dma_wait3A_100] : memref<2x32x80x125xi32, #tpu.memory_space<hbm>> -> memref<1x1x40x125xi32, #tpu.memory_space<hbm>>
      %dma_wait3A_102 = tpu.memref_squeeze %dma_wait3A_101 : memref<1x1x40x125xi32, #tpu.memory_space<hbm>> -> memref<40x125xi32, #tpu.memory_space<hbm>>
      %dma_wait3A_103 = arith.constant 40 : i32
      %dma_wait3A_104 = arith.constant 0 : i32
      %dma_wait3A_105 = tpu.memref_slice %arg3[%run_scoped3A_43, %add3A, %dma_wait3A_103, %dma_wait3A_104] : memref<2x32x80x125xi32, #tpu.memory_space<hbm>> -> memref<1x1x40x125xi32, #tpu.memory_space<hbm>>
      %dma_wait3A_106 = tpu.memref_squeeze %dma_wait3A_105 : memref<1x1x40x125xi32, #tpu.memory_space<hbm>> -> memref<40x125xi32, #tpu.memory_space<hbm>>
      tpu.wait_dma2 semaphore(%run_scoped3A_90 : memref<!tpu.dma_semaphore, #tpu.memory_space<semaphore_mem>>) src(%dma_wait3A_106 : memref<40x125xi32, #tpu.memory_space<hbm>>) dst(%arg7 : memref<40x125xi32, #tpu.memory_space<vmem>>)
      tpu.yield
    }) : () -> ()
    %dma_start3A_44 = arith.constant 0 : i32
    %dma_start3A_45 = arith.constant 0 : i32
    %dma_start3A_46 = arith.constant 0 : i32
    %dma_start3A_47 = arith.constant 0 : i32
    %dma_start3A_48 = tpu.memref_slice %arg8[%dma_start3A_45, %dma_start3A_46, %dma_start3A_47] : memref<2x125x128xf32, #tpu.memory_space<vmem>> -> memref<1x125x128xf32, #tpu.memory_space<vmem>>
    %dma_start3A_49 = tpu.memref_squeeze %dma_start3A_48 : memref<1x125x128xf32, #tpu.memory_space<vmem>> -> memref<125x128xf32, #tpu.memory_space<vmem>>
    %dma_start3A_50 = arith.constant 0 : i32
    %dma_start3A_51 = tpu.memref_slice %arg6[%dma_start3A_44, %dma_start3A_50] : memref<40x125xi32, #tpu.memory_space<vmem>> -> memref<1x125xi32, #tpu.memory_space<vmem>>
    %dma_start3A_52 = tpu.memref_squeeze %dma_start3A_51 : memref<1x125xi32, #tpu.memory_space<vmem>> -> memref<125xi32, #tpu.memory_space<vmem>>
    %dma_start3A_53 = arith.constant 0 : i32
    %dma_start3A_54 = arith.constant 0 : i32
    %dma_start3A_55 = tpu.memref_slice %arg2[%dma_start3A_53, %dma_start3A_54] : memref<10240x128xf32, #tpu.memory_space<hbm>> -> memref<10240x128xf32, #tpu.memory_space<hbm>>
    tpu.enqueue_indirect_dma source(%dma_start3A_55 : memref<10240x128xf32, #tpu.memory_space<hbm>>) target(%dma_start3A_49 : memref<125x128xf32, #tpu.memory_space<vmem>>) offsets(%dma_start3A_52 : memref<125xi32, #tpu.memory_space<vmem>>) semaphore(%arg10 : memref<!tpu.dma_semaphore, #tpu.memory_space<semaphore_mem>>)
    %scan3A_56 = arith.constant 0 : i32
    %scan3A_57 = arith.constant 20 : i32
    %scan3A_58 = arith.addi %scan3A_56, %scan3A_57 : i32
    %scan3A_59 = arith.constant 1 : i32
    scf.for %scan3A_90 = %scan3A_56 to %scan3A_58 step %scan3A_59  : i32 {
      %mul3A_91 = arith.constant 2 : i32
      %mul3A_92 = arith.muli %scan3A_90, %mul3A_91 : i32
      %add3A_93 = arith.constant 0 : i32
      %add3A_94 = arith.addi %add3A_93, %mul3A_92 : i32
      %add3A_95 = arith.constant 0 : i32
      %add3A_96 = arith.addi %add3A_94, %add3A_95 : i32
      %ge3A = arith.constant 1 : i32
      %ge3A_97 = arith.cmpi sge, %add3A_96, %ge3A : i32
      %convert_element_type3A = arith.extui %ge3A_97 : i1 to i32
      %cond3A = arith.constant 0 : i32
      %cond3A_98 = arith.cmpi ne, %convert_element_type3A, %cond3A : i32
      scf.if %cond3A_98 {
        %dma_wait3A_186 = arith.constant 1 : i32
        %dma_wait3A_187 = arith.constant 0 : i32
        %dma_wait3A_188 = arith.constant 0 : i32
        %dma_wait3A_189 = tpu.memref_slice %arg8[%dma_wait3A_186, %dma_wait3A_187, %dma_wait3A_188] : memref<2x125x128xf32, #tpu.memory_space<vmem>> -> memref<1x125x128xf32, #tpu.memory_space<vmem>>
        %dma_wait3A_190 = tpu.memref_squeeze %dma_wait3A_189 : memref<1x125x128xf32, #tpu.memory_space<vmem>> -> memref<125x128xf32, #tpu.memory_space<vmem>>
        %dma_wait3A_191 = arith.constant 0 : i32
        %dma_wait3A_192 = tpu.memref_slice %arg7[%add3A_96, %dma_wait3A_191] : memref<40x125xi32, #tpu.memory_space<vmem>> -> memref<1x125xi32, #tpu.memory_space<vmem>>
        %dma_wait3A_193 = tpu.memref_squeeze %dma_wait3A_192 : memref<1x125xi32, #tpu.memory_space<vmem>> -> memref<125xi32, #tpu.memory_space<vmem>>
        %dma_wait3A_194 = arith.constant 0 : i32
        %dma_wait3A_195 = arith.constant 0 : i32
        %dma_wait3A_196 = tpu.memref_slice %arg9[%dma_wait3A_194, %dma_wait3A_195] : memref<10240x128xf32, #tpu.memory_space<vmem_shared>> -> memref<10240x128xf32, #tpu.memory_space<vmem_shared>>
        tpu.wait_indirect_dma semaphore(%arg13 : memref<!tpu.dma_semaphore, #tpu.memory_space<semaphore_mem>>) src(%dma_wait3A_190 : memref<125x128xf32, #tpu.memory_space<vmem>>) dst(%dma_wait3A_196 : memref<10240x128xf32, #tpu.memory_space<vmem_shared>>)
      } else {
      }
      %add3A_99 = arith.constant 1 : i32
      %add3A_100 = arith.addi %add3A_96, %add3A_99 : i32
      %ge3A_101 = arith.constant 40 : i32
      %ge3A_102 = arith.cmpi sge, %add3A_100, %ge3A_101 : i32
      %add3A_103 = arith.constant 1 : i32
      %add3A_104 = arith.addi %add3A_96, %add3A_103 : i32
      %jit3A = arith.constant 0 : i32
      %select_n3A = arith.select %ge3A_102, %jit3A, %add3A_104 : i32
      %dma_start3A_105 = arith.constant 1 : i32
      %dma_start3A_106 = arith.constant 0 : i32
      %dma_start3A_107 = arith.constant 0 : i32
      %dma_start3A_108 = tpu.memref_slice %arg8[%dma_start3A_105, %dma_start3A_106, %dma_start3A_107] : memref<2x125x128xf32, #tpu.memory_space<vmem>> -> memref<1x125x128xf32, #tpu.memory_space<vmem>>
      %dma_start3A_109 = tpu.memref_squeeze %dma_start3A_108 : memref<1x125x128xf32, #tpu.memory_space<vmem>> -> memref<125x128xf32, #tpu.memory_space<vmem>>
      %dma_start3A_110 = arith.constant 0 : i32
      %dma_start3A_111 = tpu.memref_slice %arg6[%select_n3A, %dma_start3A_110] : memref<40x125xi32, #tpu.memory_space<vmem>> -> memref<1x125xi32, #tpu.memory_space<vmem>>
      %dma_start3A_112 = tpu.memref_squeeze %dma_start3A_111 : memref<1x125xi32, #tpu.memory_space<vmem>> -> memref<125xi32, #tpu.memory_space<vmem>>
      %dma_start3A_113 = arith.constant 0 : i32
      %dma_start3A_114 = arith.constant 0 : i32
      %dma_start3A_115 = tpu.memref_slice %arg2[%dma_start3A_113, %dma_start3A_114] : memref<10240x128xf32, #tpu.memory_space<hbm>> -> memref<10240x128xf32, #tpu.memory_space<hbm>>
      tpu.enqueue_indirect_dma source(%dma_start3A_115 : memref<10240x128xf32, #tpu.memory_space<hbm>>) target(%dma_start3A_109 : memref<125x128xf32, #tpu.memory_space<vmem>>) offsets(%dma_start3A_112 : memref<125xi32, #tpu.memory_space<vmem>>) semaphore(%arg11 : memref<!tpu.dma_semaphore, #tpu.memory_space<semaphore_mem>>)
      %dma_wait3A_116 = arith.constant 0 : i32
      %dma_wait3A_117 = arith.constant 0 : i32
      %dma_wait3A_118 = arith.constant 0 : i32
      %dma_wait3A_119 = tpu.memref_slice %arg8[%dma_wait3A_116, %dma_wait3A_117, %dma_wait3A_118] : memref<2x125x128xf32, #tpu.memory_space<vmem>> -> memref<1x125x128xf32, #tpu.memory_space<vmem>>
      %dma_wait3A_120 = tpu.memref_squeeze %dma_wait3A_119 : memref<1x125x128xf32, #tpu.memory_space<vmem>> -> memref<125x128xf32, #tpu.memory_space<vmem>>
      %dma_wait3A_121 = arith.constant 0 : i32
      %dma_wait3A_122 = tpu.memref_slice %arg6[%add3A_96, %dma_wait3A_121] : memref<40x125xi32, #tpu.memory_space<vmem>> -> memref<1x125xi32, #tpu.memory_space<vmem>>
      %dma_wait3A_123 = tpu.memref_squeeze %dma_wait3A_122 : memref<1x125xi32, #tpu.memory_space<vmem>> -> memref<125xi32, #tpu.memory_space<vmem>>
      %dma_wait3A_124 = arith.constant 0 : i32
      %dma_wait3A_125 = arith.constant 0 : i32
      %dma_wait3A_126 = tpu.memref_slice %arg2[%dma_wait3A_124, %dma_wait3A_125] : memref<10240x128xf32, #tpu.memory_space<hbm>> -> memref<10240x128xf32, #tpu.memory_space<hbm>>
      tpu.wait_indirect_dma semaphore(%arg10 : memref<!tpu.dma_semaphore, #tpu.memory_space<semaphore_mem>>) src(%dma_wait3A_126 : memref<10240x128xf32, #tpu.memory_space<hbm>>) dst(%dma_wait3A_120 : memref<125x128xf32, #tpu.memory_space<vmem>>)
      %dma_start3A_127 = arith.constant 0 : i32
      %dma_start3A_128 = arith.constant 0 : i32
      %dma_start3A_129 = arith.constant 0 : i32
      %dma_start3A_130 = tpu.memref_slice %arg8[%dma_start3A_127, %dma_start3A_128, %dma_start3A_129] : memref<2x125x128xf32, #tpu.memory_space<vmem>> -> memref<1x125x128xf32, #tpu.memory_space<vmem>>
      %dma_start3A_131 = tpu.memref_squeeze %dma_start3A_130 : memref<1x125x128xf32, #tpu.memory_space<vmem>> -> memref<125x128xf32, #tpu.memory_space<vmem>>
      %dma_start3A_132 = arith.constant 0 : i32
      %dma_start3A_133 = tpu.memref_slice %arg7[%add3A_96, %dma_start3A_132] : memref<40x125xi32, #tpu.memory_space<vmem>> -> memref<1x125xi32, #tpu.memory_space<vmem>>
      %dma_start3A_134 = tpu.memref_squeeze %dma_start3A_133 : memref<1x125xi32, #tpu.memory_space<vmem>> -> memref<125xi32, #tpu.memory_space<vmem>>
      %dma_start3A_135 = arith.constant 0 : i32
      %dma_start3A_136 = arith.constant 0 : i32
      %dma_start3A_137 = tpu.memref_slice %arg9[%dma_start3A_135, %dma_start3A_136] : memref<10240x128xf32, #tpu.memory_space<vmem_shared>> -> memref<10240x128xf32, #tpu.memory_space<vmem_shared>>
      tpu.enqueue_indirect_dma source(%dma_start3A_131 : memref<125x128xf32, #tpu.memory_space<vmem>>) target(%dma_start3A_137 : memref<10240x128xf32, #tpu.memory_space<vmem_shared>>) offsets(%dma_start3A_134 : memref<125xi32, #tpu.memory_space<vmem>>) semaphore(%arg12 : memref<!tpu.dma_semaphore, #tpu.memory_space<semaphore_mem>>) {add = true}
      %add3A_138 = arith.constant 1 : i32
      %add3A_139 = arith.addi %add3A_94, %add3A_138 : i32
      %ge3A_140 = arith.constant 1 : i32
      %ge3A_141 = arith.cmpi sge, %add3A_139, %ge3A_140 : i32
      %convert_element_type3A_142 = arith.extui %ge3A_141 : i1 to i32
      %cond3A_143 = arith.constant 0 : i32
      %cond3A_144 = arith.cmpi ne, %convert_element_type3A_142, %cond3A_143 : i32
      scf.if %cond3A_144 {
        %dma_wait3A_186 = arith.constant 0 : i32
        %dma_wait3A_187 = arith.constant 0 : i32
        %dma_wait3A_188 = arith.constant 0 : i32
        %dma_wait3A_189 = tpu.memref_slice %arg8[%dma_wait3A_186, %dma_wait3A_187, %dma_wait3A_188] : memref<2x125x128xf32, #tpu.memory_space<vmem>> -> memref<1x125x128xf32, #tpu.memory_space<vmem>>
        %dma_wait3A_190 = tpu.memref_squeeze %dma_wait3A_189 : memref<1x125x128xf32, #tpu.memory_space<vmem>> -> memref<125x128xf32, #tpu.memory_space<vmem>>
        %dma_wait3A_191 = arith.constant 0 : i32
        %dma_wait3A_192 = tpu.memref_slice %arg7[%add3A_139, %dma_wait3A_191] : memref<40x125xi32, #tpu.memory_space<vmem>> -> memref<1x125xi32, #tpu.memory_space<vmem>>
        %dma_wait3A_193 = tpu.memref_squeeze %dma_wait3A_192 : memref<1x125xi32, #tpu.memory_space<vmem>> -> memref<125xi32, #tpu.memory_space<vmem>>
        %dma_wait3A_194 = arith.constant 0 : i32
        %dma_wait3A_195 = arith.constant 0 : i32
        %dma_wait3A_196 = tpu.memref_slice %arg9[%dma_wait3A_194, %dma_wait3A_195] : memref<10240x128xf32, #tpu.memory_space<vmem_shared>> -> memref<10240x128xf32, #tpu.memory_space<vmem_shared>>
        tpu.wait_indirect_dma semaphore(%arg12 : memref<!tpu.dma_semaphore, #tpu.memory_space<semaphore_mem>>) src(%dma_wait3A_190 : memref<125x128xf32, #tpu.memory_space<vmem>>) dst(%dma_wait3A_196 : memref<10240x128xf32, #tpu.memory_space<vmem_shared>>)
      } else {
      }
      %add3A_145 = arith.constant 1 : i32
      %add3A_146 = arith.addi %add3A_139, %add3A_145 : i32
      %ge3A_147 = arith.constant 40 : i32
      %ge3A_148 = arith.cmpi sge, %add3A_146, %ge3A_147 : i32
      %add3A_149 = arith.constant 1 : i32
      %add3A_150 = arith.addi %add3A_139, %add3A_149 : i32
      %jit3A_151 = arith.constant 0 : i32
      %select_n3A_152 = arith.select %ge3A_148, %jit3A_151, %add3A_150 : i32
      %dma_start3A_153 = arith.constant 0 : i32
      %dma_start3A_154 = arith.constant 0 : i32
      %dma_start3A_155 = arith.constant 0 : i32
      %dma_start3A_156 = tpu.memref_slice %arg8[%dma_start3A_153, %dma_start3A_154, %dma_start3A_155] : memref<2x125x128xf32, #tpu.memory_space<vmem>> -> memref<1x125x128xf32, #tpu.memory_space<vmem>>
      %dma_start3A_157 = tpu.memref_squeeze %dma_start3A_156 : memref<1x125x128xf32, #tpu.memory_space<vmem>> -> memref<125x128xf32, #tpu.memory_space<vmem>>
      %dma_start3A_158 = arith.constant 0 : i32
      %dma_start3A_159 = tpu.memref_slice %arg6[%select_n3A_152, %dma_start3A_158] : memref<40x125xi32, #tpu.memory_space<vmem>> -> memref<1x125xi32, #tpu.memory_space<vmem>>
      %dma_start3A_160 = tpu.memref_squeeze %dma_start3A_159 : memref<1x125xi32, #tpu.memory_space<vmem>> -> memref<125xi32, #tpu.memory_space<vmem>>
      %dma_start3A_161 = arith.constant 0 : i32
      %dma_start3A_162 = arith.constant 0 : i32
      %dma_start3A_163 = tpu.memref_slice %arg2[%dma_start3A_161, %dma_start3A_162] : memref<10240x128xf32, #tpu.memory_space<hbm>> -> memref<10240x128xf32, #tpu.memory_space<hbm>>
      tpu.enqueue_indirect_dma source(%dma_start3A_163 : memref<10240x128xf32, #tpu.memory_space<hbm>>) target(%dma_start3A_157 : memref<125x128xf32, #tpu.memory_space<vmem>>) offsets(%dma_start3A_160 : memref<125xi32, #tpu.memory_space<vmem>>) semaphore(%arg10 : memref<!tpu.dma_semaphore, #tpu.memory_space<semaphore_mem>>)
      %dma_wait3A_164 = arith.constant 1 : i32
      %dma_wait3A_165 = arith.constant 0 : i32
      %dma_wait3A_166 = arith.constant 0 : i32
      %dma_wait3A_167 = tpu.memref_slice %arg8[%dma_wait3A_164, %dma_wait3A_165, %dma_wait3A_166] : memref<2x125x128xf32, #tpu.memory_space<vmem>> -> memref<1x125x128xf32, #tpu.memory_space<vmem>>
      %dma_wait3A_168 = tpu.memref_squeeze %dma_wait3A_167 : memref<1x125x128xf32, #tpu.memory_space<vmem>> -> memref<125x128xf32, #tpu.memory_space<vmem>>
      %dma_wait3A_169 = arith.constant 0 : i32
      %dma_wait3A_170 = tpu.memref_slice %arg6[%add3A_139, %dma_wait3A_169] : memref<40x125xi32, #tpu.memory_space<vmem>> -> memref<1x125xi32, #tpu.memory_space<vmem>>
      %dma_wait3A_171 = tpu.memref_squeeze %dma_wait3A_170 : memref<1x125xi32, #tpu.memory_space<vmem>> -> memref<125xi32, #tpu.memory_space<vmem>>
      %dma_wait3A_172 = arith.constant 0 : i32
      %dma_wait3A_173 = arith.constant 0 : i32
      %dma_wait3A_174 = tpu.memref_slice %arg2[%dma_wait3A_172, %dma_wait3A_173] : memref<10240x128xf32, #tpu.memory_space<hbm>> -> memref<10240x128xf32, #tpu.memory_space<hbm>>
      tpu.wait_indirect_dma semaphore(%arg11 : memref<!tpu.dma_semaphore, #tpu.memory_space<semaphore_mem>>) src(%dma_wait3A_174 : memref<10240x128xf32, #tpu.memory_space<hbm>>) dst(%dma_wait3A_168 : memref<125x128xf32, #tpu.memory_space<vmem>>)
      %dma_start3A_175 = arith.constant 1 : i32
      %dma_start3A_176 = arith.constant 0 : i32
      %dma_start3A_177 = arith.constant 0 : i32
      %dma_start3A_178 = tpu.memref_slice %arg8[%dma_start3A_175, %dma_start3A_176, %dma_start3A_177] : memref<2x125x128xf32, #tpu.memory_space<vmem>> -> memref<1x125x128xf32, #tpu.memory_space<vmem>>
      %dma_start3A_179 = tpu.memref_squeeze %dma_start3A_178 : memref<1x125x128xf32, #tpu.memory_space<vmem>> -> memref<125x128xf32, #tpu.memory_space<vmem>>
      %dma_start3A_180 = arith.constant 0 : i32
      %dma_start3A_181 = tpu.memref_slice %arg7[%add3A_139, %dma_start3A_180] : memref<40x125xi32, #tpu.memory_space<vmem>> -> memref<1x125xi32, #tpu.memory_space<vmem>>
      %dma_start3A_182 = tpu.memref_squeeze %dma_start3A_181 : memref<1x125xi32, #tpu.memory_space<vmem>> -> memref<125xi32, #tpu.memory_space<vmem>>
      %dma_start3A_183 = arith.constant 0 : i32
      %dma_start3A_184 = arith.constant 0 : i32
      %dma_start3A_185 = tpu.memref_slice %arg9[%dma_start3A_183, %dma_start3A_184] : memref<10240x128xf32, #tpu.memory_space<vmem_shared>> -> memref<10240x128xf32, #tpu.memory_space<vmem_shared>>
      tpu.enqueue_indirect_dma source(%dma_start3A_179 : memref<125x128xf32, #tpu.memory_space<vmem>>) target(%dma_start3A_185 : memref<10240x128xf32, #tpu.memory_space<vmem_shared>>) offsets(%dma_start3A_182 : memref<125xi32, #tpu.memory_space<vmem>>) semaphore(%arg13 : memref<!tpu.dma_semaphore, #tpu.memory_space<semaphore_mem>>) {add = true}
    }
    %scan3A_60 = arith.constant 20 : i32
    %dma_wait3A_61 = arith.constant 1 : i32
    %dma_wait3A_62 = arith.constant 0 : i32
    %dma_wait3A_63 = arith.constant 0 : i32
    %dma_wait3A_64 = arith.constant 0 : i32
    %dma_wait3A_65 = tpu.memref_slice %arg8[%dma_wait3A_61, %dma_wait3A_63, %dma_wait3A_64] : memref<2x125x128xf32, #tpu.memory_space<vmem>> -> memref<1x125x128xf32, #tpu.memory_space<vmem>>
    %dma_wait3A_66 = tpu.memref_squeeze %dma_wait3A_65 : memref<1x125x128xf32, #tpu.memory_space<vmem>> -> memref<125x128xf32, #tpu.memory_space<vmem>>
    %dma_wait3A_67 = arith.constant 0 : i32
    %dma_wait3A_68 = tpu.memref_slice %arg7[%dma_wait3A_62, %dma_wait3A_67] : memref<40x125xi32, #tpu.memory_space<vmem>> -> memref<1x125xi32, #tpu.memory_space<vmem>>
    %dma_wait3A_69 = tpu.memref_squeeze %dma_wait3A_68 : memref<1x125xi32, #tpu.memory_space<vmem>> -> memref<125xi32, #tpu.memory_space<vmem>>
    %dma_wait3A_70 = arith.constant 0 : i32
    %dma_wait3A_71 = arith.constant 0 : i32
    %dma_wait3A_72 = tpu.memref_slice %arg9[%dma_wait3A_70, %dma_wait3A_71] : memref<10240x128xf32, #tpu.memory_space<vmem_shared>> -> memref<10240x128xf32, #tpu.memory_space<vmem_shared>>
    tpu.wait_indirect_dma semaphore(%arg13 : memref<!tpu.dma_semaphore, #tpu.memory_space<semaphore_mem>>) src(%dma_wait3A_66 : memref<125x128xf32, #tpu.memory_space<vmem>>) dst(%dma_wait3A_72 : memref<10240x128xf32, #tpu.memory_space<vmem_shared>>)
    %dma_wait3A_73 = arith.constant 0 : i32
    %dma_wait3A_74 = arith.constant 0 : i32
    %dma_wait3A_75 = arith.constant 0 : i32
    %dma_wait3A_76 = arith.constant 0 : i32
    %dma_wait3A_77 = tpu.memref_slice %arg8[%dma_wait3A_74, %dma_wait3A_75, %dma_wait3A_76] : memref<2x125x128xf32, #tpu.memory_space<vmem>> -> memref<1x125x128xf32, #tpu.memory_space<vmem>>
    %dma_wait3A_78 = tpu.memref_squeeze %dma_wait3A_77 : memref<1x125x128xf32, #tpu.memory_space<vmem>> -> memref<125x128xf32, #tpu.memory_space<vmem>>
    %dma_wait3A_79 = arith.constant 0 : i32
    %dma_wait3A_80 = tpu.memref_slice %arg6[%dma_wait3A_73, %dma_wait3A_79] : memref<40x125xi32, #tpu.memory_space<vmem>> -> memref<1x125xi32, #tpu.memory_space<vmem>>
    %dma_wait3A_81 = tpu.memref_squeeze %dma_wait3A_80 : memref<1x125xi32, #tpu.memory_space<vmem>> -> memref<125xi32, #tpu.memory_space<vmem>>
    %dma_wait3A_82 = arith.constant 0 : i32
    %dma_wait3A_83 = arith.constant 0 : i32
    %dma_wait3A_84 = tpu.memref_slice %arg2[%dma_wait3A_82, %dma_wait3A_83] : memref<10240x128xf32, #tpu.memory_space<hbm>> -> memref<10240x128xf32, #tpu.memory_space<hbm>>
    tpu.wait_indirect_dma semaphore(%arg10 : memref<!tpu.dma_semaphore, #tpu.memory_space<semaphore_mem>>) src(%dma_wait3A_84 : memref<10240x128xf32, #tpu.memory_space<hbm>>) dst(%dma_wait3A_78 : memref<125x128xf32, #tpu.memory_space<vmem>>)
    %barrier3A_85 = arith.constant 0 : index
    tpu.barrier barrier_id(%barrier3A_85)
    %mul3A_86 = arith.constant 640 : i32
    %mul3A_87 = arith.muli %arg1, %mul3A_86 : i32
    %mul3A_88 = arith.constant 640 : i32
    %mul3A_89 = arith.muli %arg1, %mul3A_88 : i32
    "tpu.region"() ({
      %run_scoped3A_90 = tpu.sem_alloc : memref<!tpu.dma_semaphore, #tpu.memory_space<semaphore_mem>>
      %dma_start3A_91 = arith.constant 0 : i32
      %dma_start3A_92 = tpu.memref_slice %arg5[%arg0, %mul3A_89, %dma_start3A_91] : memref<2x10240x128xf32, #tpu.memory_space<hbm>> -> memref<1x640x128xf32, #tpu.memory_space<hbm>>
      %dma_start3A_93 = tpu.memref_squeeze %dma_start3A_92 : memref<1x640x128xf32, #tpu.memory_space<hbm>> -> memref<640x128xf32, #tpu.memory_space<hbm>>
      %dma_start3A_94 = arith.constant 0 : i32
      %dma_start3A_95 = tpu.memref_slice %arg9[%mul3A_87, %dma_start3A_94] : memref<10240x128xf32, #tpu.memory_space<vmem_shared>> -> memref<640x128xf32, #tpu.memory_space<vmem_shared>>
      tpu.enqueue_dma source(%dma_start3A_95 : memref<640x128xf32, #tpu.memory_space<vmem_shared>>) target(%dma_start3A_93 : memref<640x128xf32, #tpu.memory_space<hbm>>) target_semaphore(%run_scoped3A_90 : memref<!tpu.dma_semaphore, #tpu.memory_space<semaphore_mem>>)
      %dma_wait3A_96 = arith.constant 0 : i32
      %dma_wait3A_97 = tpu.memref_slice %arg5[%arg0, %mul3A_89, %dma_wait3A_96] : memref<2x10240x128xf32, #tpu.memory_space<hbm>> -> memref<1x640x128xf32, #tpu.memory_space<hbm>>
      %dma_wait3A_98 = tpu.memref_squeeze %dma_wait3A_97 : memref<1x640x128xf32, #tpu.memory_space<hbm>> -> memref<640x128xf32, #tpu.memory_space<hbm>>
      %dma_wait3A_99 = arith.constant 0 : i32
      %dma_wait3A_100 = tpu.memref_slice %arg9[%mul3A_87, %dma_wait3A_99] : memref<10240x128xf32, #tpu.memory_space<vmem_shared>> -> memref<640x128xf32, #tpu.memory_space<vmem_shared>>
      tpu.wait_dma2 semaphore(%run_scoped3A_90 : memref<!tpu.dma_semaphore, #tpu.memory_space<semaphore_mem>>) src(%dma_wait3A_100 : memref<640x128xf32, #tpu.memory_space<vmem_shared>>) dst(%dma_wait3A_98 : memref<640x128xf32, #tpu.memory_space<hbm>>)
      tpu.yield
    }) : () -> ()
    return
  }
}

module attributes {stable_mosaic.version = 14 : i64} {
  func.func @_tc_first(%arg0: memref<2x10240x128xf32, #tpu.memory_space<vmem>>, %arg1: memref<10000x128xf32, #tpu.memory_space<vmem>>, %arg2: memref<128x128xf32, #tpu.memory_space<vmem>>, %arg3: memref<10240x128xf32, #tpu.memory_space<vmem>>) attributes {dimension_semantics = [], scalar_prefetch = 0 : i64, scratch_operands = 0 : i64, tpu.core_type = #tpu.core_type<tc>} {
    %get3A = arith.constant 0 : index
    %get3A_0 = arith.constant 0 : index
    %get3A_1 = arith.constant 0 : index
    %get3A_2 = vector.load %arg0[%get3A, %get3A_0, %get3A_1] : memref<2x10240x128xf32, #tpu.memory_space<vmem>>, vector<1x10240x128xf32>
    %get3A_3 = vector.shape_cast %get3A_2 : vector<1x10240x128xf32> to vector<10240x128xf32>
    %get3A_4 = arith.constant 1 : index
    %get3A_5 = arith.constant 0 : index
    %get3A_6 = arith.constant 0 : index
    %get3A_7 = vector.load %arg0[%get3A_4, %get3A_5, %get3A_6] : memref<2x10240x128xf32, #tpu.memory_space<vmem>>, vector<1x10240x128xf32>
    %get3A_8 = vector.shape_cast %get3A_7 : vector<1x10240x128xf32> to vector<10240x128xf32>
    %add3A = arith.addf %get3A_3, %get3A_8 : vector<10240x128xf32>
    %slice3A = vector.extract_strided_slice %add3A {offsets = [0, 0], sizes = [10240, 1], strides = [1, 1]} : vector<10240x128xf32> to vector<10240x1xf32>
    %add3A_9 = arith.constant 1.000000e+00 : f32
    %add3A_10 = vector.broadcast %add3A_9 : f32 to vector<10240x1xf32>
    %add3A_11 = arith.addf %add3A_10, %slice3A : vector<10240x1xf32>
    %rsqrt3A = math.rsqrt %add3A_11 : vector<10240x1xf32>
    %get3A_12 = arith.constant 0 : index
    %get3A_13 = arith.constant 0 : index
    %get3A_14 = vector.load %arg1[%get3A_12, %get3A_13] : memref<10000x128xf32, #tpu.memory_space<vmem>>, vector<10000x128xf32>
    %get3A_15 = arith.constant 0 : index
    %get3A_16 = arith.constant 0 : index
    %get3A_17 = vector.load %arg2[%get3A_15, %get3A_16] : memref<128x128xf32, #tpu.memory_space<vmem>>, vector<128x128xf32>
    %dot_general3A = arith.constant dense<0.000000e+00> : vector<10000x128xf32>
    %dot_general3A_18 = tpu.matmul %get3A_14, %get3A_17, %dot_general3A {dimension_numbers = #tpu.dot_dimension_numbers<[1], [0], [0], [1], [0, 0, 1, 1], [], []>, transpose_lhs_hint = false} : vector<10000x128xf32>, vector<128x128xf32>, vector<10000x128xf32> -> vector<10000x128xf32>
    %slice3A_19 = vector.extract_strided_slice %rsqrt3A {offsets = [0, 0], sizes = [10000, 1], strides = [1, 1]} : vector<10240x1xf32> to vector<10000x1xf32>
    %mul3A = vector.broadcast %slice3A_19 : vector<10000x1xf32> to vector<10000x128xf32>
    %mul3A_20 = arith.mulf %mul3A, %dot_general3A_18 : vector<10000x128xf32>
    %swap3A = arith.constant 0 : index
    %swap3A_21 = arith.constant 0 : index
    %swap3A_22 = vector.load %arg3[%swap3A, %swap3A_21] : memref<10240x128xf32, #tpu.memory_space<vmem>>, vector<10000x128xf32>
    tpu.vector_store %arg3[%swap3A, %swap3A_21], %mul3A_20 {strides = array<i32>} : memref<10240x128xf32, #tpu.memory_space<vmem>>, vector<10000x128xf32>,
    %broadcast_in_dim3A = arith.constant 0.000000e+00 : f32
    %broadcast_in_dim3A_23 = vector.broadcast %broadcast_in_dim3A : f32 to vector<240x128xf32>
    %swap3A_24 = arith.constant 10000 : index
    %swap3A_25 = arith.constant 0 : index
    %swap3A_26 = vector.load %arg3[%swap3A_24, %swap3A_25] : memref<10240x128xf32, #tpu.memory_space<vmem>>, vector<240x128xf32>
    tpu.vector_store %arg3[%swap3A_24, %swap3A_25], %broadcast_in_dim3A_23 {strides = array<i32>} : memref<10240x128xf32, #tpu.memory_space<vmem>>, vector<240x128xf32>,
    return
  }
}

module attributes {stable_mosaic.version = 14 : i64} {
  func.func @_tc_mid(%arg0: memref<2x10240x128xf32, #tpu.memory_space<vmem>>, %arg1: memref<2x10240x128xf32, #tpu.memory_space<vmem>>, %arg2: memref<10240x128xf32, #tpu.memory_space<vmem>>, %arg3: memref<1x128xf32, #tpu.memory_space<vmem>>, %arg4: memref<128x128xf32, #tpu.memory_space<vmem>>, %arg5: memref<10240x128xf32, #tpu.memory_space<vmem>>) attributes {dimension_semantics = [], scalar_prefetch = 0 : i64, scratch_operands = 0 : i64, tpu.core_type = #tpu.core_type<tc>} {
    %get3A = arith.constant 0 : index
    %get3A_0 = arith.constant 0 : index
    %get3A_1 = arith.constant 0 : index
    %get3A_2 = vector.load %arg0[%get3A, %get3A_0, %get3A_1] : memref<2x10240x128xf32, #tpu.memory_space<vmem>>, vector<1x10240x128xf32>
    %get3A_3 = vector.shape_cast %get3A_2 : vector<1x10240x128xf32> to vector<10240x128xf32>
    %get3A_4 = arith.constant 1 : index
    %get3A_5 = arith.constant 0 : index
    %get3A_6 = arith.constant 0 : index
    %get3A_7 = vector.load %arg0[%get3A_4, %get3A_5, %get3A_6] : memref<2x10240x128xf32, #tpu.memory_space<vmem>>, vector<1x10240x128xf32>
    %get3A_8 = vector.shape_cast %get3A_7 : vector<1x10240x128xf32> to vector<10240x128xf32>
    %add3A = arith.addf %get3A_3, %get3A_8 : vector<10240x128xf32>
    %slice3A = vector.extract_strided_slice %add3A {offsets = [0, 0], sizes = [10240, 1], strides = [1, 1]} : vector<10240x128xf32> to vector<10240x1xf32>
    %add3A_9 = arith.constant 1.000000e+00 : f32
    %add3A_10 = vector.broadcast %add3A_9 : f32 to vector<10240x1xf32>
    %add3A_11 = arith.addf %add3A_10, %slice3A : vector<10240x1xf32>
    %rsqrt3A = math.rsqrt %add3A_11 : vector<10240x1xf32>
    %get3A_12 = arith.constant 0 : index
    %get3A_13 = arith.constant 0 : index
    %get3A_14 = arith.constant 0 : index
    %get3A_15 = vector.load %arg1[%get3A_12, %get3A_13, %get3A_14] : memref<2x10240x128xf32, #tpu.memory_space<vmem>>, vector<1x10240x128xf32>
    %get3A_16 = vector.shape_cast %get3A_15 : vector<1x10240x128xf32> to vector<10240x128xf32>
    %get3A_17 = arith.constant 1 : index
    %get3A_18 = arith.constant 0 : index
    %get3A_19 = arith.constant 0 : index
    %get3A_20 = vector.load %arg1[%get3A_17, %get3A_18, %get3A_19] : memref<2x10240x128xf32, #tpu.memory_space<vmem>>, vector<1x10240x128xf32>
    %get3A_21 = vector.shape_cast %get3A_20 : vector<1x10240x128xf32> to vector<10240x128xf32>
    %add3A_22 = arith.addf %get3A_16, %get3A_21 : vector<10240x128xf32>
    %get3A_23 = arith.constant 0 : index
    %get3A_24 = arith.constant 0 : index
    %get3A_25 = vector.load %arg2[%get3A_23, %get3A_24] : memref<10240x128xf32, #tpu.memory_space<vmem>>, vector<10240x128xf32>
    %add3A_26 = arith.addf %add3A_22, %get3A_25 : vector<10240x128xf32>
    %mul3A = vector.broadcast %rsqrt3A : vector<10240x1xf32> to vector<10240x128xf32>
    %mul3A_27 = arith.mulf %mul3A, %add3A_26 : vector<10240x128xf32>
    %get3A_28 = arith.constant 0 : index
    %get3A_29 = arith.constant 0 : index
    %get3A_30 = vector.load %arg3[%get3A_28, %get3A_29] : memref<1x128xf32, #tpu.memory_space<vmem>>, vector<1x128xf32>
    %add3A_31 = vector.broadcast %get3A_30 : vector<1x128xf32> to vector<10240x128xf32>
    %add3A_32 = arith.addf %mul3A_27, %add3A_31 : vector<10240x128xf32>
    %max3A = arith.constant 0.000000e+00 : f32
    %max3A_33 = vector.broadcast %max3A : f32 to vector<10240x128xf32>
    %max3A_34 = arith.maximumf %add3A_32, %max3A_33 : vector<10240x128xf32>
    %get3A_35 = arith.constant 0 : index
    %get3A_36 = arith.constant 0 : index
    %get3A_37 = vector.load %arg4[%get3A_35, %get3A_36] : memref<128x128xf32, #tpu.memory_space<vmem>>, vector<128x128xf32>
    %dot_general3A = arith.constant dense<0.000000e+00> : vector<10240x128xf32>
    %dot_general3A_38 = tpu.matmul %max3A_34, %get3A_37, %dot_general3A {dimension_numbers = #tpu.dot_dimension_numbers<[1], [0], [0], [1], [0, 0, 1, 1], [], []>, transpose_lhs_hint = false} : vector<10240x128xf32>, vector<128x128xf32>, vector<10240x128xf32> -> vector<10240x128xf32>
    %mul3A_39 = vector.broadcast %rsqrt3A : vector<10240x1xf32> to vector<10240x128xf32>
    %mul3A_40 = arith.mulf %mul3A_39, %dot_general3A_38 : vector<10240x128xf32>
    %swap3A = arith.constant 0 : index
    %swap3A_41 = arith.constant 0 : index
    %swap3A_42 = vector.load %arg5[%swap3A, %swap3A_41] : memref<10240x128xf32, #tpu.memory_space<vmem>>, vector<10240x128xf32>
    tpu.vector_store %arg5[%swap3A, %swap3A_41], %mul3A_40 {strides = array<i32>} : memref<10240x128xf32, #tpu.memory_space<vmem>>, vector<10240x128xf32>,
    return
  }
}

module attributes {stable_mosaic.version = 14 : i64} {
  func.func @_tc_last(%arg0: memref<2x10240x128xf32, #tpu.memory_space<vmem>>, %arg1: memref<2x10240x128xf32, #tpu.memory_space<vmem>>, %arg2: memref<10240x128xf32, #tpu.memory_space<vmem>>, %arg3: memref<1x128xf32, #tpu.memory_space<vmem>>, %arg4: memref<10240x128xf32, #tpu.memory_space<vmem>>) attributes {dimension_semantics = [], scalar_prefetch = 0 : i64, scratch_operands = 0 : i64, tpu.core_type = #tpu.core_type<tc>} {
    %get3A = arith.constant 0 : index
    %get3A_0 = arith.constant 0 : index
    %get3A_1 = arith.constant 0 : index
    %get3A_2 = vector.load %arg0[%get3A, %get3A_0, %get3A_1] : memref<2x10240x128xf32, #tpu.memory_space<vmem>>, vector<1x10240x128xf32>
    %get3A_3 = vector.shape_cast %get3A_2 : vector<1x10240x128xf32> to vector<10240x128xf32>
    %get3A_4 = arith.constant 1 : index
    %get3A_5 = arith.constant 0 : index
    %get3A_6 = arith.constant 0 : index
    %get3A_7 = vector.load %arg0[%get3A_4, %get3A_5, %get3A_6] : memref<2x10240x128xf32, #tpu.memory_space<vmem>>, vector<1x10240x128xf32>
    %get3A_8 = vector.shape_cast %get3A_7 : vector<1x10240x128xf32> to vector<10240x128xf32>
    %add3A = arith.addf %get3A_3, %get3A_8 : vector<10240x128xf32>
    %slice3A = vector.extract_strided_slice %add3A {offsets = [0, 0], sizes = [10240, 1], strides = [1, 1]} : vector<10240x128xf32> to vector<10240x1xf32>
    %add3A_9 = arith.constant 1.000000e+00 : f32
    %add3A_10 = vector.broadcast %add3A_9 : f32 to vector<10240x1xf32>
    %add3A_11 = arith.addf %add3A_10, %slice3A : vector<10240x1xf32>
    %rsqrt3A = math.rsqrt %add3A_11 : vector<10240x1xf32>
    %get3A_12 = arith.constant 0 : index
    %get3A_13 = arith.constant 0 : index
    %get3A_14 = arith.constant 0 : index
    %get3A_15 = vector.load %arg1[%get3A_12, %get3A_13, %get3A_14] : memref<2x10240x128xf32, #tpu.memory_space<vmem>>, vector<1x10240x128xf32>
    %get3A_16 = vector.shape_cast %get3A_15 : vector<1x10240x128xf32> to vector<10240x128xf32>
    %get3A_17 = arith.constant 1 : index
    %get3A_18 = arith.constant 0 : index
    %get3A_19 = arith.constant 0 : index
    %get3A_20 = vector.load %arg1[%get3A_17, %get3A_18, %get3A_19] : memref<2x10240x128xf32, #tpu.memory_space<vmem>>, vector<1x10240x128xf32>
    %get3A_21 = vector.shape_cast %get3A_20 : vector<1x10240x128xf32> to vector<10240x128xf32>
    %add3A_22 = arith.addf %get3A_16, %get3A_21 : vector<10240x128xf32>
    %get3A_23 = arith.constant 0 : index
    %get3A_24 = arith.constant 0 : index
    %get3A_25 = vector.load %arg2[%get3A_23, %get3A_24] : memref<10240x128xf32, #tpu.memory_space<vmem>>, vector<10240x128xf32>
    %add3A_26 = arith.addf %add3A_22, %get3A_25 : vector<10240x128xf32>
    %mul3A = vector.broadcast %rsqrt3A : vector<10240x1xf32> to vector<10240x128xf32>
    %mul3A_27 = arith.mulf %mul3A, %add3A_26 : vector<10240x128xf32>
    %get3A_28 = arith.constant 0 : index
    %get3A_29 = arith.constant 0 : index
    %get3A_30 = vector.load %arg3[%get3A_28, %get3A_29] : memref<1x128xf32, #tpu.memory_space<vmem>>, vector<1x128xf32>
    %add3A_31 = vector.broadcast %get3A_30 : vector<1x128xf32> to vector<10240x128xf32>
    %add3A_32 = arith.addf %mul3A_27, %add3A_31 : vector<10240x128xf32>
    %swap3A = arith.constant 0 : index
    %swap3A_33 = arith.constant 0 : index
    %swap3A_34 = vector.load %arg4[%swap3A, %swap3A_33] : memref<10240x128xf32, #tpu.memory_space<vmem>>, vector<10240x128xf32>
    tpu.vector_store %arg4[%swap3A, %swap3A_33], %add3A_32 {strides = array<i32>} : memref<10240x128xf32, #tpu.memory_space<vmem>>, vector<10240x128xf32>,
    return
  }
}

</mosaic_0001>

<sc_bundles>
// kernel: kernel.11.cloned.1.call-start
scs
__scs_entry_jumppad:
0x0: {  	(pc) =	sbr.rel $0x88, $3  }
0x1: {  	(tag) =	ssettag $0x0;
	lr =	simm.s32 $0x1  }
0x2: {  	[smem:$0x3F9B] =	sst lr;
	_ =	strace $0xD0000000  }
0x3: {  	_ = 	snop  }
0x4: {  	_ = 	snop  }
0x5: {  	_ = 	snop  }
0x6: {  	_ = 	snop  }
0x7: {  	_ = 	snop  }
__scs_overlays_trampoline_lowered:
0x8: {  	[smem:$0x3FAA] =	sst s0  }
0x9: {  	[smem:$0x3FAB] =	sst s1  }
0xa: {  	[smem:$0x3FAC] =	sst s2  }
0xb: {  	[smem:$0x3FAD] =	sst s3  }
0xc: {  	[smem:$0x3FAE] =	sst s4  }
0xd: {  	[smem:$0x3FAF] =	sst s5  }
0xe: {  	[smem:$0x3FB0] =	sst s6  }
0xf: {  	[smem:$0x3FB1] =	sst s7  }
0x10: {  	[smem:$0x3FB2] =	sst s8  }
0x11: {  	[smem:$0x3FB3] =	sst s9;
	s0 =	simm.s32 @!p0 $0x0  }
0x12: {  	s1 =	sld [smem:$0x3F99];
	s0 =	simm.s32 @p0 $0x1  }
0x13: {  	[smem:$0x3FB4] =	sst s0;
	s0 =	simm.s32 @!p1 $0x0  }
0x14: {  	s2 =	sld [smem:$0x3F98];
	s0 =	simm.s32 @p1 $0x1  }
0x15: {  	[smem:$0x3FB5] =	sst s0;
	s0 =	simm.s32 @!p2 $0x0  }
0x16: {  	s3 =	sld [smem:$0x3FDB];
	s0 =	simm.s32 @p2 $0x1  }
0x17: {  	s4 =	simm.s32 $0x1BF5;
	[smem:$0x3FB7] =	sst s0  }
0x18: {  	s0 =	sld [smem:$0x3F9A];
	_ =	swait.ge [sflag:s4], $0x0  }
0x19: {  	s7 =	sld [smem:$0x3F9B]  }
0x1a: {  	s8 =	sadd.s32 $0xFFFFE003, lr  }
0x1b: {  	s9 =	sadd.s32 $0xFFFFFEF7, lr;
	s5 =	simm.s32 $0xFFFFFFFF;
	p2 =	slt.u32 s8, $0xFFFFF086  }
0x1c: {  	p1 =	slt.u32 s9, $0xF7A;
	s5 =	simm.s32 @!p2 $0x0  }
0x1d: {  	s5 =	simm.s32 @p1 $0x1;
	p0 =	seq.s32 s7, s2  }
0x1e: {  	s7 =	smul.u32 @!p0 $0xF7A, s2;
	p2 =	seq.s32 @!p0 s5, $0x0  }
0x1f: {  	s9 =	smul.u32 $0xF7A, s1;
	s8 =	simm.s32 @!p0 $0x1BF5;
	p2 =	por !p2, p0  }
0x20: {  	[sflag:s8] =	ssyncset.s32 @!p0 $0xFFFFF086;
	s6 =	sadd.s32 @!p0 s3, s7;
	s7 =	simm.s32 @!p0 $0x108  }
0x21: {  	s3 =	sadd.s32 s3, s9;
	s6 =	sadd.s32 @!p0 $0x88, s6;
	s7 =	simm.s32 @p2 $0x1082  }
0x22: {  	[simem:s7], [sflag:s8] =	dma.local @!p0 [hbm:s6], $0xF7A  }
0x23: {  	s9 =	sor.u32 $0xD0000000, s2;
	s6 =	simm.s32 $0x108;
	_ =	swait.ge @!p0 [sflag:s8], $0x0  }
0x24: {  	s3 =	sadd.s32 $0x88, s3;
	s6 =	simm.s32 @!p1 $0x1082;
	[sflag:s4] =	ssyncset.s32 $0xFFFFF086  }
0x25: {  	[simem:s6], [sflag:s4] =	dma.local [hbm:s3], $0xF7A  }
0x26: {  	[smem:$0x3F9B] =	sst s1;
	(tag) =	ssettag s2;
	_ =	strace s9  }
0x27: {  	s1 =	sld [smem:$0x3FAB]  }
0x28: {  	s2 =	sld [smem:$0x3FAC]  }
0x29: {  	s4 =	sld [smem:$0x3FAE]  }
0x2a: {  	p0 =	seq.s32 s5, $0x0;
	s5 =	sld [smem:$0x3FAF]  }
0x2b: {  	s6 =	sld [smem:$0x3FB0]  }
0x2c: {  	s7 =	sld [smem:$0x3FB1]  }
0x2d: {  	s3 =	simm.s32 $0x108;
	s8 =	sld [smem:$0x3FB2]  }
0x2e: {  	s3 =	simm.s32 @!p0 $0x1082;
	s9 =	sld [smem:$0x3FB3]  }
0x2f: {  	lr =	sadd.s32 s0, s3;
	s0 =	sld [smem:$0x3FAA]  }
0x30: {  	s3 =	sld [smem:$0x3FAD]  }
0x31: {  	[smem:$0x3FB6] =	sst s10  }
0x32: {  	s10 =	sld [smem:$0x3FB4];
	_ =	sdelay $0x3  }
0x33: {  	p0 =	seq.s32 s10, $0x1;
	s10 =	sld [smem:$0x3FB6];
	_ =	sdelay $0x3  }
0x34: {  	[smem:$0x3FB6] =	sst s10  }
0x35: {  	s10 =	sld [smem:$0x3FB5];
	_ =	sdelay $0x3  }
0x36: {  	p1 =	seq.s32 s10, $0x1;
	s10 =	sld [smem:$0x3FB6];
	_ =	sdelay $0x3  }
0x37: {  	[smem:$0x3FB6] =	sst s10  }
0x38: {  	s10 =	sld [smem:$0x3FB7]  }
0x39: {  	_ = 	snop;
	(pc) =	sbr.ind lr, $3  }
0x3a: {  	_ = 	snop  }
0x3b: {  	_ = 	snop  }
0x3c: {  	p2 =	seq.s32 s10, $0x1;
	s10 =	sld [smem:$0x3FB6]  }
0x3d: {  	_ =	shalt  }
0x3e: {  	_ =	shalt  }
0x3f: {  	_ =	shalt  }
0x40: {  	_ =	shalt  }
0x41: {  	_ =	shalt  }
0x42: {  	_ =	shalt  }
0x43: {  	_ =	shalt  }
0x44: {  	_ =	shalt  }
0x45: {  	_ =	shalt  }
0x46: {  	_ =	shalt  }
0x47: {  	_ =	shalt  }
0x48: {  	_ =	shalt  }
0x49: {  	_ =	shalt  }
0x4a: {  	_ =	shalt  }
0x4b: {  	_ =	shalt  }
0x4c: {  	_ =	shalt  }
0x4d: {  	_ =	shalt  }
0x4e: {  	_ =	shalt  }
0x4f: {  	_ =	shalt  }
0x50: {  	_ =	shalt  }
0x51: {  	_ =	shalt  }
0x52: {  	_ =	shalt  }
0x53: {  	_ =	shalt  }
0x54: {  	_ =	shalt  }
0x55: {  	_ =	shalt  }
0x56: {  	_ =	shalt  }
0x57: {  	_ =	shalt  }
0x58: {  	_ =	shalt  }
0x59: {  	_ =	shalt  }
0x5a: {  	_ =	shalt  }
0x5b: {  	_ =	shalt  }
0x5c: {  	_ =	shalt  }
0x5d: {  	_ =	shalt  }
0x5e: {  	_ =	shalt  }
0x5f: {  	_ =	shalt  }
0x60: {  	_ =	shalt  }
0x61: {  	_ =	shalt  }
0x62: {  	_ =	shalt  }
0x63: {  	_ =	shalt  }
0x64: {  	_ =	shalt  }
0x65: {  	_ =	shalt  }
0x66: {  	_ =	shalt  }
0x67: {  	_ =	shalt  }
0x68: {  	_ =	shalt  }
0x69: {  	_ =	shalt  }
0x6a: {  	_ =	shalt  }
0x6b: {  	_ =	shalt  }
0x6c: {  	_ =	shalt  }
0x6d: {  	_ =	shalt  }
0x6e: {  	_ =	shalt  }
0x6f: {  	_ =	shalt  }
0x70: {  	_ =	shalt  }
0x71: {  	_ =	shalt  }
0x72: {  	_ =	shalt  }
0x73: {  	_ =	shalt  }
0x74: {  	_ =	shalt  }
0x75: {  	_ =	shalt  }
0x76: {  	_ =	shalt  }
0x77: {  	_ =	shalt  }
0x78: {  	_ =	shalt  }
0x79: {  	_ =	shalt  }
0x7a: {  	_ =	shalt  }
0x7b: {  	_ =	shalt  }
0x7c: {  	_ =	shalt  }
0x7d: {  	_ =	shalt  }
0x7e: {  	_ =	shalt  }
0x7f: {  	_ =	shalt  }
0x80: {  	_ =	shalt  }
0x81: {  	_ =	shalt  }
0x82: {  	_ =	shalt  }
0x83: {  	_ =	shalt  }
0x84: {  	_ =	shalt  }
0x85: {  	_ =	shalt  }
0x86: {  	_ =	shalt  }
0x87: {  	_ =	shalt  }
.Lfunc_end0:
.L_simem_size_0:
called_computation.1_lowered:
.L_overlay_start_0:
0x88: {  	s2 =	sld [smem:$0x3FD9]  }
0x89: {  	s3 =	sld [smem:$0x3FFE];
	_ =	sdelay $0x1  }
0x8a: {  	s1 =	srdreg.scid  }
0x8b: {  	s0 =	sand.u32 $0x1, s1  }
0x8c: {  	s17 =	sshll.u32 s0, $0xA;
	s2 =	sadd.s32 s3, s2  }
0x8d: {  	s2 =	sadd.s32 s2, s17  }
0x8e: {  	[smem:$0x3FC2] =	sst s2  }
0x8f: {  	_ = 	snop  }
0x90: {  	s2 =	sld [smem:$0x3FD0];
	(tm) =	ssettm $0x1  }
0x91: {  	s18 =	sld [smem:$0x3FFB];
	_ =	sdelay $0x3  }
0x92: {  	_ =	strace s18  }
0x93: {  	s3 =	sld [smem:$0x3FFC];
	_ =	sdelay $0x3  }
0x94: {  	_ =	strace s3  }
0x95: {  	s3 =	sld [smem:$0x3FFD];
	_ =	sdelay $0x3  }
0x96: {  	_ =	strace s3  }
0x97: {  	_ =	strace $0x8FFFFFFF  }
0x98: {  	s19 =	sld [smem:$0x3FDB];
	_ =	sdelay $0x1  }
0x99: {  	s4 =	simm.s32 $_scs_section_size  }
0x9a: {  	s5 =	simm.s32 $_size__tile_overlayer_lowered;
	s6 =	simm.s32 $_tile_overlayer_lowered  }
0x9b: {  	s22 =	simm.s32 $0x1BFF;
	s21 =	sshll.u32 s6, $0x1;
	s3 =	sadd.s32 s4, s19  }
0x9c: {  	s7 =	simm.s32 $0x0;
	s20 =	sshll.u32 s5, $0x1;
	s5 =	sadd.s32 s21, s3  }
0x9d: {  	[timem:s7], [sflag:s22] =	dma.local [hbm:s5], s20  }
0x9e: {  	_ =	swait.ge [sflag:s22], s20  }
0x9f: {  	s4 =	ssub.s32 $0x0, s20;
	[sflag:s22] =	ssyncset.done $0x0  }
0xa0: {  	[sflag:s22] =	ssyncadd.s32 s4;
	_ =	sdelay $0x1  }
0xa1: {  	s23 =	simm.s32 $0x1B8B  }
0xa2: {  	_ =	swait.ge [sflag:s23], $0x1  }
0xa3: {  	[sflag:s23] =	ssyncset.done $0x0  }
0xa4: {  	s25 =	simm.s32 $0x1B8E;
	s24 =	sld [smem:$0x3FFE];
	[sflag:s23] =	ssyncadd.s32 $0xFFFFFFFF  }
0xa5: {  	s26 =	simm.s32 $execute0_lowered;
	[smem:$0x3FD2] =	sst s25  }
0xa6: {  	s5 =	sshll.u32 s26, $0x1;
	_ =	strace $0x80000049;
	[dreg:$0x1] =	wrdreg $0xFFFFFFFF  }
0xa7: {  	s28 =	simm.s32 $_size_execute0_lowered;
	s3 =	sadd.s32 s3, s5;
	[dreg:$0x0] =	wrdreg $0x0  }
0xa8: {  	s5 =	sshll.u32 s28, $0x1;
	[dreg:$0x2] =	wrdreg s3  }
0xa9: {  	[dreg:$0x3] =	wrdreg s5  }
0xaa: {  	[dreg:$0x4] =	wrdreg $0xC0  }
0xab: {  	_ =	task [dreg:s7], $0x5FFFF  }
0xac: {  	[dreg:$0x1] =	wrdreg $0xFFFFFFFF  }
0xad: {  	[dreg:$0x0] =	wrdreg $0x60  }
0xae: {  	[dreg:$0x2] =	wrdreg s24  }
0xaf: {  	[dreg:$0x3] =	wrdreg s2  }
0xb0: {  	[dreg:$0x4] =	wrdreg $0xA8000  }
0xb1: {  	[dreg:$0x5] =	wrdreg $0x9  }
0xb2: {  	_ =	task.clear_ibuf [dreg:s7], $0x6FFFF;
	_ =	strace $0x90000049  }
0xb3: {  	s29 =	simm.s32 $0x9;
	_ =	strace $0x8000004B  }
0xb4: {  	_ =	swait.ge [sflag:s29], $0x1  }
0xb5: {  	[sflag:s29] =	ssyncadd.s32 $0xFFFFFFFF  }
0xb6: {  	_ =	strace $0x9000004B  }
0xb7: {  	_ =	sfence  }
0xb8: {  	s30 =	sld [smem:$0x0];
	_ =	sdelay $0x2  }
0xb9: {  	s31 =	sshll.u32 s1, $0xD;
	s1 =	sshrl.u32 s1, $0x2  }
0xba: {  	s3 =	sand.u32 $0x4000, s31;
	s1 =	sadd.s32 s1, s30  }
0xbb: {  	s0 =	sor.u32 s3, s0;
	s1 =	sshll.u32 s1, $0x11  }
0xbc: {  	s0 =	sor.u32 s1, s0  }
0xbd: {  	s0 =	sadd.s32 $0x8F2B, s0  }
0xbe: {  	[sflag:s0] =	ssyncadd.remote.s32 $0x1  }
0xbf: {  	_ =	sfence.sel $0xFFFF  }
0xc0: {  	[dreg:$0x0] =	wrdreg $0xFFFFFFFF;
	(pc) =	sbr.abs _section_cstart, $3  }
0xc1: {  	[dreg:$0x1] =	wrdreg $0xFFFFFFFF  }
0xc2: {  	_ =	task.clear_ibuf [dreg:s7], $0x2FFFF;
	_ =	strace $0x9FFFFFFF  }
0xc3: {  	(tm) =	ssettm $0x7FFFFFFF  }
tec
execute0_lowered:
.L_overlay_start_1:
0x0: {  	(tag) =	ssettag $0x1  }
0x1: {  	s0 =	rddreg [dreg:$0x0]  }
0x2: {  	s6 =	rddreg [dreg:$0x1]  }
0x3: {  	s1 =	rddreg [dreg:$0x2]  }
0x4: {  	s3 =	simm.s32 $0x0;
	s2 =	srdreg.scid;
	s22 =	stileid.u32  }
0x5: {  	s14 =	simm.s32 $0x5;
	s15 =	simm.s32 $0x1400;
	s16 =	simm.s32 $0x7D  }
0x6: {  	s17 =	simm.s32 $0x2800;
	s18 =	simm.s32 $0x80;
	s19 =	simm.s32 $0x6800  }
0x7: {  	s20 =	simm.s32 $0x1;
	s21 =	simm.s32 $0x3;
	s28 =	simm.s32 $0x2700  }
0x8: {  	s29 =	simm.s32 $0x2780;
	s30 =	simm.s32 $0x0;
	[smem:$0x7FF] =	sst s3  }
0x9: {  	s7 =	sand.u32 $0x1, s2;
	s9 =	smul.u32 $0x14000, s22;
	s4 =	sadd.s32 $0x5600, s0  }
0xa: {  	s5 =	sadd.s32 $0x2E00, s0;
	s11 =	smul.u32 $0x50000, s22;
	s31 =	sshll.u32 s22, $0x6  }
0xb: {  	s8 =	smul.u32 $0x140000, s7;
	s10 =	sshll.u32 s7, $0x4;
	s7 =	ssub.s32 $0x2, s7  }
0xc: {  	_ =	strace $0x8000004A;
	s10 =	sor.u32 s22, s10;
	s24 =	sshrl.u32 s7, $0x1  }
0xd: {  	s26 =	sshrl.u32 s11, $0x2;
	s22 =	simm.s32 $0x100;
	s8 =	sadd.s32 s9, s8  }
0xe: {  	s23 =	smul.u32 $0x2800, s10;
	s12 =	ssub.s32 s7, s24;
	s13 =	sadd.s32 s26, s1  }
0xf: {  	s7 =	sor.u32 $0x1C05, s31;
	s24 =	simm.s32 $0x1480;
	s26 =	simm.s32 $0x1380  }
0x10: {  	s8 =	sshrl.u32 s8, $0x3;
	s12 =	smax.u32 s12, $0x1;
	s13 =	sshrl.u32 s13, $0x3  }
0x11: {  	s0 =	sadd.s32 s8, s0;
	s25 =	sshrl.u32 s23, $0x3;
	s23 =	simm.s32 $0x2  }
0x12: {  	s6 =	sadd.s32 s6, s25;
	s11 =	sadd.s32 $0x2D600, s0;
	s25 =	simm.s32 $0x4  }
0x13: {  	s8 =	sadd.s32 $0xA000, s6;
	s9 =	sadd.s32 $0x280, s6;
	s10 =	sadd.s32 $0xA280, s6  }
.LBB2_1:
0x14: {  	[spmem:s13], [sflag:s7] =	dma.local [hbm:s5], $0x2800  }
0x15: {  	_ =	swait.ge [sflag:s14], $0x2800  }
0x16: {  	[sflag:s14] =	ssyncset.done $0x0  }
0x17: {  	[sflag:s14] =	ssyncadd.s32 $0xFFFFD800  }
0x18: {  	[bflag:$0x0] =	sbarrier.arrive $0xFFFF  }
0x19: {  	[tilespmem:s3], [sflag:$0x5] =	stream.linear.gather [hbm4b:s6+s3], $0x1400, $0x38;
	[tilespmem:$0x1E800] =	vst v63  }
0x1a: {  	_ =	swait.ge [sflag:s14], $0x1400  }
0x1b: {  	[sflag:s14] =	ssyncset.done $0x0  }
0x1c: {  	[sflag:s14] =	ssyncadd.s32 $0xFFFFEC00  }
0x1d: {  	[tilespmem:s15], [sflag:$0x5] =	stream.linear.gather [hbm4b:s8+s3], $0x1400, $0x38;
	[tilespmem:$0x1E800] =	vst v63  }
0x1e: {  	_ =	swait.ge [sflag:s14], $0x1400  }
0x1f: {  	[sflag:s14] =	ssyncset.done $0x0  }
0x20: {  	[sflag:s14] =	ssyncadd.s32 $0xFFFFEC00  }
0x21: {  	[tilespmem:s17], [sflag:$0x1] =	stream.indirect.gather [hbm4b:s4+s16], $0x80, s3, s16, $0xb8;
	[tilespmem:$0x1E800] =	vst v63  }
0x22: {  	_ = 	snop  }
0x23: {  	[tilespmem:s19], [sflag:$0x2] =	stream.indirect.gather [hbm4b:s4+s16], $0x80, s18, s16, $0xb8;
	[tilespmem:$0x1E800] =	vst v63  }
0x24: {  	_ =	swait.ge [sflag:s20], $0x3E80  }
0x25: {  	[sflag:s20] =	ssyncset.done $0x0  }
0x26: {  	[sflag:s20] =	ssyncadd.s32 $0xFFFFC180  }
0x27: {  	[spmem:s1] =	stream.indirect.scatter.add.f32 [tilespmem:s17], [sflag:$0x3], $0x80, s15, s16, $0xb8;
	[tilespmem:$0x1E800] =	vst v63  }
0x28: {  	_ =	swait.ge [sflag:s21], $0x3E80  }
0x29: {  	[sflag:s21] =	ssyncset.done $0x0  }
0x2a: {  	[sflag:s21] =	ssyncadd.s32 $0xFFFFC180  }
0x2b: {  	[tilespmem:s17], [sflag:$0x1] =	stream.indirect.gather [hbm4b:s4+s16], $0x80, s22, s16, $0xb8;
	[tilespmem:$0x1E800] =	vst v63  }
0x2c: {  	_ =	swait.ge [sflag:s23], $0x3E80  }
0x2d: {  	[sflag:s23] =	ssyncset.done $0x0  }
0x2e: {  	[sflag:s23] =	ssyncadd.s32 $0xFFFFC180  }
0x2f: {  	[spmem:s1] =	stream.indirect.scatter.add.f32 [tilespmem:s19], [sflag:$0x4], $0x80, s24, s16, $0xb8;
	[tilespmem:$0x1E800] =	vst v63  }
0x30: {  	_ =	swait.ge [sflag:s25], $0x3E80  }
0x31: {  	[sflag:s25] =	ssyncset.done $0x0  }
0x32: {  	s0 =	simm.s32 $0x180;
	[sflag:s25] =	ssyncadd.s32 $0xFFFFC180  }
0x33: {  	[tilespmem:s19], [sflag:$0x2] =	stream.indirect.gather [hbm4b:s4+s16], $0x80, s0, s16, $0xb8;
	[tilespmem:$0x1E800] =	vst v63  }
0x34: {  	_ =	swait.ge [sflag:s20], $0x3E80  }
0x35: {  	[sflag:s20] =	ssyncset.done $0x0  }
0x36: {  	s2 =	simm.s32 $0x1500;
	[sflag:s20] =	ssyncadd.s32 $0xFFFFC180  }
0x37: {  	[spmem:s1] =	stream.indirect.scatter.add.f32 [tilespmem:s17], [sflag:$0x3], $0x80, s2, s16, $0xb8;
	[tilespmem:$0x1E800] =	vst v63  }
0x38: {  	_ =	swait.ge [sflag:s21], $0x3E80  }
0x39: {  	[sflag:s21] =	ssyncset.done $0x0  }
0x3a: {  	s2 =	simm.s32 $0x200;
	[sflag:s21] =	ssyncadd.s32 $0xFFFFC180  }
0x3b: {  	[tilespmem:s17], [sflag:$0x1] =	stream.indirect.gather [hbm4b:s4+s16], $0x80, s2, s16, $0xb8;
	[tilespmem:$0x1E800] =	vst v63  }
0x3c: {  	_ =	swait.ge [sflag:s23], $0x3E80  }
0x3d: {  	[sflag:s23] =	ssyncset.done $0x0  }
0x3e: {  	s31 =	simm.s32 $0xFFFFBC00;
	s0 =	simm.s32 $0x1580;
	[sflag:s23] =	ssyncadd.s32 $0xFFFFC180  }
.LBB2_2:
0x3f: {  	[spmem:s1] =	stream.indirect.scatter.add.f32 [tilespmem:s19], [sflag:$0x4], $0x80, s0, s16, $0xb8;
	[tilespmem:$0x1E800] =	vst v63  }
0x40: {  	s0 =	smov.u32 s31  }
0x41: {  	p0 =	sne.s32 s31, $0xFFFFFC00;
	s31 =	sadd.s32 $0x400, s31;
	_ =	swait.ge [sflag:s25], $0x3E80  }
0x42: {  	s0 =	sshra.s32 s0, $0x2;
	[sflag:s25] =	ssyncset.done $0x0  }
0x43: {  	s2 =	sadd.s32 $0x1380, s0;
	[sflag:s25] =	ssyncadd.s32 $0xFFFFC180  }
0x44: {  	[tilespmem:s19], [sflag:$0x2] =	stream.indirect.gather [hbm4b:s4+s16], $0x80, s2, s16, $0xb8;
	[tilespmem:$0x1E800] =	vst v63  }
0x45: {  	_ =	swait.ge [sflag:s20], $0x3E80  }
0x46: {  	[sflag:s20] =	ssyncset.done $0x0  }
0x47: {  	s2 =	sadd.s32 $0x2700, s0;
	[sflag:s20] =	ssyncadd.s32 $0xFFFFC180  }
0x48: {  	[spmem:s1] =	stream.indirect.scatter.add.f32 [tilespmem:s17], [sflag:$0x3], $0x80, s2, s16, $0xb8;
	[tilespmem:$0x1E800] =	vst v63  }
0x49: {  	_ =	swait.ge [sflag:s21], $0x3E80  }
0x4a: {  	[sflag:s21] =	ssyncset.done $0x0  }
.Ltmp0:
0x4b: {  	s2 =	sadd.s32 $0x1400, s0;
	[sflag:s21] =	ssyncadd.s32 $0xFFFFC180;
	(pc) =	sbr.rel @p0 .LBB2_2-.Ltmp0, $4  }
0x4c: {  	[tilespmem:s17], [sflag:$0x1] =	stream.indirect.gather [hbm4b:s4+s16], $0x80, s2, s16, $0xb8;
	[tilespmem:$0x1E800] =	vst v63  }
0x4d: {  	_ =	swait.ge [sflag:s23], $0x3E80  }
0x4e: {  	[sflag:s23] =	ssyncset.done $0x0  }
0x4f: {  	s0 =	sadd.s32 $0x2780, s0;
	[sflag:s23] =	ssyncadd.s32 $0xFFFFC180  }
0x50: {  	[spmem:s1] =	stream.indirect.scatter.add.f32 [tilespmem:s19], [sflag:$0x4], $0x80, s0, s16, $0xb8;
	[tilespmem:$0x1E800] =	vst v63  }
0x51: {  	_ =	swait.ge [sflag:s25], $0x3E80  }
0x52: {  	[sflag:s25] =	ssyncset.done $0x0  }
0x53: {  	[sflag:s25] =	ssyncadd.s32 $0xFFFFC180  }
0x54: {  	[tilespmem:s19], [sflag:$0x2] =	stream.indirect.gather [hbm4b:s4+s16], $0x80, s26, s16, $0xb8;
	[tilespmem:$0x1E800] =	vst v63  }
0x55: {  	_ =	swait.ge [sflag:s20], $0x3E80  }
0x56: {  	[sflag:s20] =	ssyncset.done $0x0  }
0x57: {  	[sflag:s20] =	ssyncadd.s32 $0xFFFFC180  }
0x58: {  	[spmem:s1] =	stream.indirect.scatter.add.f32 [tilespmem:s17], [sflag:$0x3], $0x80, s28, s16, $0xb8;
	[tilespmem:$0x1E800] =	vst v63  }
0x59: {  	_ =	swait.ge [sflag:s21], $0x3E80  }
0x5a: {  	[sflag:s21] =	ssyncset.done $0x0  }
0x5b: {  	[sflag:s21] =	ssyncadd.s32 $0xFFFFC180  }
0x5c: {  	[tilespmem:s17], [sflag:$0x1] =	stream.indirect.gather [hbm4b:s4+s16], $0x80, s3, s16, $0xb8;
	[tilespmem:$0x1E800] =	vst v63  }
0x5d: {  	_ =	swait.ge [sflag:s23], $0x3E80  }
0x5e: {  	[sflag:s23] =	ssyncset.done $0x0  }
0x5f: {  	[sflag:s23] =	ssyncadd.s32 $0xFFFFC180  }
0x60: {  	[spmem:s1] =	stream.indirect.scatter.add.f32 [tilespmem:s19], [sflag:$0x4], $0x80, s29, s16, $0xb8;
	[tilespmem:$0x1E800] =	vst v63  }
0x61: {  	_ =	swait.ge [sflag:s25], $0x3E80  }
0x62: {  	[sflag:s25] =	ssyncset.done $0x0  }
0x63: {  	[sflag:s25] =	ssyncadd.s32 $0xFFFFC180  }
0x64: {  	_ =	swait.ge [sflag:s20], $0x3E80  }
0x65: {  	[sflag:s20] =	ssyncset.done $0x0  }
0x66: {  	[sflag:s20] =	ssyncadd.s32 $0xFFFFC180  }
0x67: {  	[tilespmem:s3], [sflag:$0x5] =	stream.linear.gather [hbm4b:s9+s3], $0x1400, $0x38;
	[tilespmem:$0x1E800] =	vst v63  }
0x68: {  	_ =	swait.ge [sflag:s14], $0x1400  }
0x69: {  	[sflag:s14] =	ssyncset.done $0x0  }
0x6a: {  	[sflag:s14] =	ssyncadd.s32 $0xFFFFEC00  }
0x6b: {  	[tilespmem:s15], [sflag:$0x5] =	stream.linear.gather [hbm4b:s10+s3], $0x1400, $0x38;
	[tilespmem:$0x1E800] =	vst v63  }
0x6c: {  	_ =	swait.ge [sflag:s14], $0x1400  }
0x6d: {  	[sflag:s14] =	ssyncset.done $0x0  }
0x6e: {  	[sflag:s14] =	ssyncadd.s32 $0xFFFFEC00  }
0x6f: {  	[tilespmem:s17], [sflag:$0x1] =	stream.indirect.gather [hbm4b:s4+s16], $0x80, s3, s16, $0xb8;
	[tilespmem:$0x1E800] =	vst v63  }
0x70: {  	_ = 	snop  }
0x71: {  	[tilespmem:s19], [sflag:$0x2] =	stream.indirect.gather [hbm4b:s4+s16], $0x80, s18, s16, $0xb8;
	[tilespmem:$0x1E800] =	vst v63  }
0x72: {  	_ =	swait.ge [sflag:s20], $0x3E80  }
0x73: {  	[sflag:s20] =	ssyncset.done $0x0  }
0x74: {  	[sflag:s20] =	ssyncadd.s32 $0xFFFFC180  }
0x75: {  	[spmem:s1] =	stream.indirect.scatter.add.f32 [tilespmem:s17], [sflag:$0x3], $0x80, s15, s16, $0xb8;
	[tilespmem:$0x1E800] =	vst v63  }
0x76: {  	_ =	swait.ge [sflag:s21], $0x3E80  }
0x77: {  	[sflag:s21] =	ssyncset.done $0x0  }
0x78: {  	[sflag:s21] =	ssyncadd.s32 $0xFFFFC180  }
0x79: {  	[tilespmem:s17], [sflag:$0x1] =	stream.indirect.gather [hbm4b:s4+s16], $0x80, s22, s16, $0xb8;
	[tilespmem:$0x1E800] =	vst v63  }
0x7a: {  	_ =	swait.ge [sflag:s23], $0x3E80  }
0x7b: {  	[sflag:s23] =	ssyncset.done $0x0  }
0x7c: {  	[sflag:s23] =	ssyncadd.s32 $0xFFFFC180  }
0x7d: {  	[spmem:s1] =	stream.indirect.scatter.add.f32 [tilespmem:s19], [sflag:$0x4], $0x80, s24, s16, $0xb8;
	[tilespmem:$0x1E800] =	vst v63  }
0x7e: {  	_ =	swait.ge [sflag:s25], $0x3E80  }
0x7f: {  	[sflag:s25] =	ssyncset.done $0x0  }
0x80: {  	s2 =	simm.s32 $0x180;
	[sflag:s25] =	ssyncadd.s32 $0xFFFFC180  }
0x81: {  	[tilespmem:s19], [sflag:$0x2] =	stream.indirect.gather [hbm4b:s4+s16], $0x80, s2, s16, $0xb8;
	[tilespmem:$0x1E800] =	vst v63  }
0x82: {  	_ =	swait.ge [sflag:s20], $0x3E80  }
0x83: {  	[sflag:s20] =	ssyncset.done $0x0  }
0x84: {  	s2 =	simm.s32 $0x1500;
	[sflag:s20] =	ssyncadd.s32 $0xFFFFC180  }
0x85: {  	[spmem:s1] =	stream.indirect.scatter.add.f32 [tilespmem:s17], [sflag:$0x3], $0x80, s2, s16, $0xb8;
	[tilespmem:$0x1E800] =	vst v63  }
0x86: {  	_ =	swait.ge [sflag:s21], $0x3E80  }
0x87: {  	[sflag:s21] =	ssyncset.done $0x0  }
0x88: {  	s2 =	simm.s32 $0x200;
	[sflag:s21] =	ssyncadd.s32 $0xFFFFC180  }
0x89: {  	[tilespmem:s17], [sflag:$0x1] =	stream.indirect.gather [hbm4b:s4+s16], $0x80, s2, s16, $0xb8;
	[tilespmem:$0x1E800] =	vst v63  }
0x8a: {  	_ =	swait.ge [sflag:s23], $0x3E80  }
0x8b: {  	[sflag:s23] =	ssyncset.done $0x0  }
0x8c: {  	s31 =	simm.s32 $0xFFFFBC00;
	s0 =	simm.s32 $0x1580;
	[sflag:s23] =	ssyncadd.s32 $0xFFFFC180  }
.LBB2_4:
0x8d: {  	[spmem:s1] =	stream.indirect.scatter.add.f32 [tilespmem:s19], [sflag:$0x4], $0x80, s0, s16, $0xb8;
	[tilespmem:$0x1E800] =	vst v63  }
0x8e: {  	s0 =	smov.u32 s31  }
0x8f: {  	p0 =	sne.s32 s31, $0xFFFFFC00;
	s31 =	sadd.s32 $0x400, s31;
	_ =	swait.ge [sflag:s25], $0x3E80  }
0x90: {  	s0 =	sshra.s32 s0, $0x2;
	[sflag:s25] =	ssyncset.done $0x0  }
0x91: {  	s2 =	sadd.s32 $0x1380, s0;
	[sflag:s25] =	ssyncadd.s32 $0xFFFFC180  }
0x92: {  	[tilespmem:s19], [sflag:$0x2] =	stream.indirect.gather [hbm4b:s4+s16], $0x80, s2, s16, $0xb8;
	[tilespmem:$0x1E800] =	vst v63  }
0x93: {  	_ =	swait.ge [sflag:s20], $0x3E80  }
0x94: {  	[sflag:s20] =	ssyncset.done $0x0  }
0x95: {  	s2 =	sadd.s32 $0x2700, s0;
	[sflag:s20] =	ssyncadd.s32 $0xFFFFC180  }
0x96: {  	[spmem:s1] =	stream.indirect.scatter.add.f32 [tilespmem:s17], [sflag:$0x3], $0x80, s2, s16, $0xb8;
	[tilespmem:$0x1E800] =	vst v63  }
0x97: {  	_ =	swait.ge [sflag:s21], $0x3E80  }
0x98: {  	[sflag:s21] =	ssyncset.done $0x0  }
.Ltmp1:
0x99: {  	s2 =	sadd.s32 $0x1400, s0;
	[sflag:s21] =	ssyncadd.s32 $0xFFFFC180;
	(pc) =	sbr.rel @p0 .LBB2_4-.Ltmp1, $4  }
0x9a: {  	[tilespmem:s17], [sflag:$0x1] =	stream.indirect.gather [hbm4b:s4+s16], $0x80, s2, s16, $0xb8;
	[tilespmem:$0x1E800] =	vst v63  }
0x9b: {  	_ =	swait.ge [sflag:s23], $0x3E80  }
0x9c: {  	[sflag:s23] =	ssyncset.done $0x0  }
0x9d: {  	s0 =	sadd.s32 $0x2780, s0;
	[sflag:s23] =	ssyncadd.s32 $0xFFFFC180  }
0x9e: {  	[spmem:s1] =	stream.indirect.scatter.add.f32 [tilespmem:s19], [sflag:$0x4], $0x80, s0, s16, $0xb8;
	[tilespmem:$0x1E800] =	vst v63  }
0x9f: {  	_ =	swait.ge [sflag:s25], $0x3E80  }
0xa0: {  	[sflag:s25] =	ssyncset.done $0x0  }
0xa1: {  	[sflag:s25] =	ssyncadd.s32 $0xFFFFC180  }
0xa2: {  	[tilespmem:s19], [sflag:$0x2] =	stream.indirect.gather [hbm4b:s4+s16], $0x80, s26, s16, $0xb8;
	[tilespmem:$0x1E800] =	vst v63  }
0xa3: {  	_ =	swait.ge [sflag:s20], $0x3E80  }
0xa4: {  	[sflag:s20] =	ssyncset.done $0x0  }
0xa5: {  	[sflag:s20] =	ssyncadd.s32 $0xFFFFC180  }
0xa6: {  	[spmem:s1] =	stream.indirect.scatter.add.f32 [tilespmem:s17], [sflag:$0x3], $0x80, s28, s16, $0xb8;
	[tilespmem:$0x1E800] =	vst v63  }
0xa7: {  	_ =	swait.ge [sflag:s21], $0x3E80  }
0xa8: {  	[sflag:s21] =	ssyncset.done $0x0  }
0xa9: {  	[sflag:s21] =	ssyncadd.s32 $0xFFFFC180  }
0xaa: {  	[tilespmem:s17], [sflag:$0x1] =	stream.indirect.gather [hbm4b:s4+s16], $0x80, s3, s16, $0xb8;
	[tilespmem:$0x1E800] =	vst v63  }
0xab: {  	_ =	swait.ge [sflag:s23], $0x3E80  }
0xac: {  	[sflag:s23] =	ssyncset.done $0x0  }
0xad: {  	[sflag:s23] =	ssyncadd.s32 $0xFFFFC180  }
0xae: {  	[spmem:s1] =	stream.indirect.scatter.add.f32 [tilespmem:s19], [sflag:$0x4], $0x80, s29, s16, $0xb8;
	[tilespmem:$0x1E800] =	vst v63  }
0xaf: {  	_ =	swait.ge [sflag:s25], $0x3E80  }
0xb0: {  	[sflag:s25] =	ssyncset.done $0x0  }
0xb1: {  	[sflag:s25] =	ssyncadd.s32 $0xFFFFC180  }
0xb2: {  	_ =	swait.ge [sflag:s20], $0x3E80  }
0xb3: {  	s30 =	sadd.s32 $0x1, s30;
	[sflag:s20] =	ssyncset.done $0x0  }
0xb4: {  	p0 =	sne.s32 s30, s12;
	[sflag:s20] =	ssyncadd.s32 $0xFFFFC180  }
.Ltmp2:
0xb5: {  	[bflag:$0x0] =	sbarrier.arrive $0xFFFF;
	(pc) =	sbr.rel @p0 .LBB2_1-.Ltmp2, $4  }
0xb6: {  	[hbm:s11], [sflag:s7] =	dma.local [spmem:s13], $0x2800  }
0xb7: {  	_ =	swait.ge [sflag:s14], $0x2800  }
0xb8: {  	[sflag:s14] =	ssyncset.done $0x0  }
0xb9: {  	[sflag:s14] =	ssyncadd.s32 $0xFFFFD800  }
0xba: {  	_ =	sfence.sel $0x180000  }
0xbb: {  	[bflag:$0x0] =	sbarrier.arrive $0xFFFF  }
0xbc: {  	_ =	strace $0x9000004A  }
0xbd: {  	s0 =	stileid.u32;
	[bflag:$0x2] =	sbarrier.arrive $0xFFFF  }
0xbe: {  	p0 =	sne.s32 s0, $0x0;
	s0 =	rddreg [dreg:$0x3]  }
0xbf: {  	s0 =	sadd.s32 @!p0 $0x100000, s0  }
0xc0: {  	[sflag:s0] =	ssyncadd.tile.s32 @!p0 $0x1;
	_ =	shalt  }
.Lfunc_end2:
_tile_overlayer_lowered:
.L_overlay_start_2:
0xc1: {  	(tag) =	ssettag $0x2  }
0xc2: {  	s0 =	rddreg [dreg:$0x0];
	s2 =	stileid.u32  }
0xc3: {  	s1 =	rddreg [dreg:$0x1];
	p0 =	sne.s32 s2, $0x0  }
0xc4: {  	s3 =	rddreg [dreg:$0x2];
	[bflag:$0x3] =	sbarrier.arrive $0xFFFF;
	s2 =	simm.s32 @!p0 $0x1C05  }
0xc5: {  	[timem:s3], [sflag:s2] =	dma.local @!p0 [hbm:s0], s1  }
0xc6: {  	s0 =	simm.s32 @!p0 $0x5  }
0xc7: {  	_ =	swait.ge @!p0 [sflag:s0], s1  }
0xc8: {  	s1 =	ssub.s32 @!p0 $0x0, s1;
	[sflag:s0] =	ssyncset.done @!p0 $0x0  }
0xc9: {  	[sflag:s0] =	ssyncadd.s32 @!p0 s1  }
0xca: {  	[bflag:$0x3] =	sbarrier.arrive $0xFFFF  }
0xcb: {  	_ =	shalt  }

// kernel: kernel.14.cloned.1.call-start
scs
__scs_entry_jumppad:
0x0: {  	(pc) =	sbr.rel $0x88, $3  }
0x1: {  	(tag) =	ssettag $0x0;
	lr =	simm.s32 $0x1  }
0x2: {  	[smem:$0x3F9B] =	sst lr;
	_ =	strace $0xD0000000  }
0x3: {  	_ = 	snop  }
0x4: {  	_ = 	snop  }
0x5: {  	_ = 	snop  }
0x6: {  	_ = 	snop  }
0x7: {  	_ = 	snop  }
__scs_overlays_trampoline_lowered:
0x8: {  	[smem:$0x3FAA] =	sst s0  }
0x9: {  	[smem:$0x3FAB] =	sst s1  }
0xa: {  	[smem:$0x3FAC] =	sst s2  }
0xb: {  	[smem:$0x3FAD] =	sst s3  }
0xc: {  	[smem:$0x3FAE] =	sst s4  }
0xd: {  	[smem:$0x3FAF] =	sst s5  }
0xe: {  	[smem:$0x3FB0] =	sst s6  }
0xf: {  	[smem:$0x3FB1] =	sst s7  }
0x10: {  	[smem:$0x3FB2] =	sst s8  }
0x11: {  	[smem:$0x3FB3] =	sst s9;
	s0 =	simm.s32 @!p0 $0x0  }
0x12: {  	s1 =	sld [smem:$0x3F99];
	s0 =	simm.s32 @p0 $0x1  }
0x13: {  	[smem:$0x3FB4] =	sst s0;
	s0 =	simm.s32 @!p1 $0x0  }
0x14: {  	s2 =	sld [smem:$0x3F98];
	s0 =	simm.s32 @p1 $0x1  }
0x15: {  	[smem:$0x3FB5] =	sst s0;
	s0 =	simm.s32 @!p2 $0x0  }
0x16: {  	s3 =	sld [smem:$0x3FDB];
	s0 =	simm.s32 @p2 $0x1  }
0x17: {  	s4 =	simm.s32 $0x1BF5;
	[smem:$0x3FB7] =	sst s0  }
0x18: {  	s0 =	sld [smem:$0x3F9A];
	_ =	swait.ge [sflag:s4], $0x0  }
0x19: {  	s7 =	sld [smem:$0x3F9B]  }
0x1a: {  	s8 =	sadd.s32 $0xFFFFE003, lr  }
0x1b: {  	s9 =	sadd.s32 $0xFFFFFEF7, lr;
	s5 =	simm.s32 $0xFFFFFFFF;
	p2 =	slt.u32 s8, $0xFFFFF086  }
0x1c: {  	p1 =	slt.u32 s9, $0xF7A;
	s5 =	simm.s32 @!p2 $0x0  }
0x1d: {  	s5 =	simm.s32 @p1 $0x1;
	p0 =	seq.s32 s7, s2  }
0x1e: {  	s7 =	smul.u32 @!p0 $0xF7A, s2;
	p2 =	seq.s32 @!p0 s5, $0x0  }
0x1f: {  	s9 =	smul.u32 $0xF7A, s1;
	s8 =	simm.s32 @!p0 $0x1BF5;
	p2 =	por !p2, p0  }
0x20: {  	[sflag:s8] =	ssyncset.s32 @!p0 $0xFFFFF086;
	s6 =	sadd.s32 @!p0 s3, s7;
	s7 =	simm.s32 @!p0 $0x108  }
0x21: {  	s3 =	sadd.s32 s3, s9;
	s6 =	sadd.s32 @!p0 $0x88, s6;
	s7 =	simm.s32 @p2 $0x1082  }
0x22: {  	[simem:s7], [sflag:s8] =	dma.local @!p0 [hbm:s6], $0xF7A  }
0x23: {  	s9 =	sor.u32 $0xD0000000, s2;
	s6 =	simm.s32 $0x108;
	_ =	swait.ge @!p0 [sflag:s8], $0x0  }
0x24: {  	s3 =	sadd.s32 $0x88, s3;
	s6 =	simm.s32 @!p1 $0x1082;
	[sflag:s4] =	ssyncset.s32 $0xFFFFF086  }
0x25: {  	[simem:s6], [sflag:s4] =	dma.local [hbm:s3], $0xF7A  }
0x26: {  	[smem:$0x3F9B] =	sst s1;
	(tag) =	ssettag s2;
	_ =	strace s9  }
0x27: {  	s1 =	sld [smem:$0x3FAB]  }
0x28: {  	s2 =	sld [smem:$0x3FAC]  }
0x29: {  	s4 =	sld [smem:$0x3FAE]  }
0x2a: {  	p0 =	seq.s32 s5, $0x0;
	s5 =	sld [smem:$0x3FAF]  }
0x2b: {  	s6 =	sld [smem:$0x3FB0]  }
0x2c: {  	s7 =	sld [smem:$0x3FB1]  }
0x2d: {  	s3 =	simm.s32 $0x108;
	s8 =	sld [smem:$0x3FB2]  }
0x2e: {  	s3 =	simm.s32 @!p0 $0x1082;
	s9 =	sld [smem:$0x3FB3]  }
0x2f: {  	lr =	sadd.s32 s0, s3;
	s0 =	sld [smem:$0x3FAA]  }
0x30: {  	s3 =	sld [smem:$0x3FAD]  }
0x31: {  	[smem:$0x3FB6] =	sst s10  }
0x32: {  	s10 =	sld [smem:$0x3FB4];
	_ =	sdelay $0x3  }
0x33: {  	p0 =	seq.s32 s10, $0x1;
	s10 =	sld [smem:$0x3FB6];
	_ =	sdelay $0x3  }
0x34: {  	[smem:$0x3FB6] =	sst s10  }
0x35: {  	s10 =	sld [smem:$0x3FB5];
	_ =	sdelay $0x3  }
0x36: {  	p1 =	seq.s32 s10, $0x1;
	s10 =	sld [smem:$0x3FB6];
	_ =	sdelay $0x3  }
0x37: {  	[smem:$0x3FB6] =	sst s10  }
0x38: {  	s10 =	sld [smem:$0x3FB7]  }
0x39: {  	_ = 	snop;
	(pc) =	sbr.ind lr, $3  }
0x3a: {  	_ = 	snop  }
0x3b: {  	_ = 	snop  }
0x3c: {  	p2 =	seq.s32 s10, $0x1;
	s10 =	sld [smem:$0x3FB6]  }
0x3d: {  	_ =	shalt  }
0x3e: {  	_ =	shalt  }
0x3f: {  	_ =	shalt  }
0x40: {  	_ =	shalt  }
0x41: {  	_ =	shalt  }
0x42: {  	_ =	shalt  }
0x43: {  	_ =	shalt  }
0x44: {  	_ =	shalt  }
0x45: {  	_ =	shalt  }
0x46: {  	_ =	shalt  }
0x47: {  	_ =	shalt  }
0x48: {  	_ =	shalt  }
0x49: {  	_ =	shalt  }
0x4a: {  	_ =	shalt  }
0x4b: {  	_ =	shalt  }
0x4c: {  	_ =	shalt  }
0x4d: {  	_ =	shalt  }
0x4e: {  	_ =	shalt  }
0x4f: {  	_ =	shalt  }
0x50: {  	_ =	shalt  }
0x51: {  	_ =	shalt  }
0x52: {  	_ =	shalt  }
0x53: {  	_ =	shalt  }
0x54: {  	_ =	shalt  }
0x55: {  	_ =	shalt  }
0x56: {  	_ =	shalt  }
0x57: {  	_ =	shalt  }
0x58: {  	_ =	shalt  }
0x59: {  	_ =	shalt  }
0x5a: {  	_ =	shalt  }
0x5b: {  	_ =	shalt  }
0x5c: {  	_ =	shalt  }
0x5d: {  	_ =	shalt  }
0x5e: {  	_ =	shalt  }
0x5f: {  	_ =	shalt  }
0x60: {  	_ =	shalt  }
0x61: {  	_ =	shalt  }
0x62: {  	_ =	shalt  }
0x63: {  	_ =	shalt  }
0x64: {  	_ =	shalt  }
0x65: {  	_ =	shalt  }
0x66: {  	_ =	shalt  }
0x67: {  	_ =	shalt  }
0x68: {  	_ =	shalt  }
0x69: {  	_ =	shalt  }
0x6a: {  	_ =	shalt  }
0x6b: {  	_ =	shalt  }
0x6c: {  	_ =	shalt  }
0x6d: {  	_ =	shalt  }
0x6e: {  	_ =	shalt  }
0x6f: {  	_ =	shalt  }
0x70: {  	_ =	shalt  }
0x71: {  	_ =	shalt  }
0x72: {  	_ =	shalt  }
0x73: {  	_ =	shalt  }
0x74: {  	_ =	shalt  }
0x75: {  	_ =	shalt  }
0x76: {  	_ =	shalt  }
0x77: {  	_ =	shalt  }
0x78: {  	_ =	shalt  }
0x79: {  	_ =	shalt  }
0x7a: {  	_ =	shalt  }
0x7b: {  	_ =	shalt  }
0x7c: {  	_ =	shalt  }
0x7d: {  	_ =	shalt  }
0x7e: {  	_ =	shalt  }
0x7f: {  	_ =	shalt  }
0x80: {  	_ =	shalt  }
0x81: {  	_ =	shalt  }
0x82: {  	_ =	shalt  }
0x83: {  	_ =	shalt  }
0x84: {  	_ =	shalt  }
0x85: {  	_ =	shalt  }
0x86: {  	_ =	shalt  }
0x87: {  	_ =	shalt  }
.Lfunc_end0:
.L_simem_size_0:
called_computation.2_lowered:
.L_overlay_start_0:
0x88: {  	s2 =	sld [smem:$0x3FD9]  }
0x89: {  	s3 =	sld [smem:$0x3FFE];
	_ =	sdelay $0x1  }
0x8a: {  	s1 =	srdreg.scid  }
0x8b: {  	s0 =	sand.u32 $0x1, s1  }
0x8c: {  	s17 =	sshll.u32 s0, $0xA;
	s2 =	sadd.s32 s3, s2  }
0x8d: {  	s2 =	sadd.s32 s2, s17  }
0x8e: {  	[smem:$0x3FC2] =	sst s2  }
0x8f: {  	_ = 	snop  }
0x90: {  	s2 =	sld [smem:$0x3FD0];
	(tm) =	ssettm $0x1  }
0x91: {  	s18 =	sld [smem:$0x3FFB];
	_ =	sdelay $0x3  }
0x92: {  	_ =	strace s18  }
0x93: {  	s3 =	sld [smem:$0x3FFC];
	_ =	sdelay $0x3  }
0x94: {  	_ =	strace s3  }
0x95: {  	s3 =	sld [smem:$0x3FFD];
	_ =	sdelay $0x3  }
0x96: {  	_ =	strace s3  }
0x97: {  	_ =	strace $0x8FFFFFFF  }
0x98: {  	s19 =	sld [smem:$0x3FDB];
	_ =	sdelay $0x1  }
0x99: {  	s4 =	simm.s32 $_scs_section_size  }
0x9a: {  	s5 =	simm.s32 $_size__tile_overlayer_lowered;
	s6 =	simm.s32 $_tile_overlayer_lowered  }
0x9b: {  	s22 =	simm.s32 $0x1BFF;
	s21 =	sshll.u32 s6, $0x1;
	s3 =	sadd.s32 s4, s19  }
0x9c: {  	s7 =	simm.s32 $0x0;
	s20 =	sshll.u32 s5, $0x1;
	s5 =	sadd.s32 s21, s3  }
0x9d: {  	[timem:s7], [sflag:s22] =	dma.local [hbm:s5], s20  }
0x9e: {  	_ =	swait.ge [sflag:s22], s20  }
0x9f: {  	s4 =	ssub.s32 $0x0, s20;
	[sflag:s22] =	ssyncset.done $0x0  }
0xa0: {  	[sflag:s22] =	ssyncadd.s32 s4;
	_ =	sdelay $0x1  }
0xa1: {  	s23 =	simm.s32 $0x1B8B  }
0xa2: {  	_ =	swait.ge [sflag:s23], $0x1  }
0xa3: {  	[sflag:s23] =	ssyncset.done $0x0  }
0xa4: {  	s25 =	simm.s32 $0x1B8E;
	s24 =	sld [smem:$0x3FFE];
	[sflag:s23] =	ssyncadd.s32 $0xFFFFFFFF  }
0xa5: {  	s26 =	simm.s32 $execute0_lowered;
	[smem:$0x3FD2] =	sst s25  }
0xa6: {  	s5 =	sshll.u32 s26, $0x1;
	_ =	strace $0x8000004C;
	[dreg:$0x1] =	wrdreg $0xFFFFFFFF  }
0xa7: {  	s28 =	simm.s32 $_size_execute0_lowered;
	s3 =	sadd.s32 s3, s5;
	[dreg:$0x0] =	wrdreg $0x0  }
0xa8: {  	s5 =	sshll.u32 s28, $0x1;
	[dreg:$0x2] =	wrdreg s3  }
0xa9: {  	[dreg:$0x3] =	wrdreg s5  }
0xaa: {  	[dreg:$0x4] =	wrdreg $0xC0  }
0xab: {  	_ =	task [dreg:s7], $0x5FFFF  }
0xac: {  	[dreg:$0x1] =	wrdreg $0xFFFFFFFF  }
0xad: {  	[dreg:$0x0] =	wrdreg $0x60  }
0xae: {  	[dreg:$0x2] =	wrdreg s24  }
0xaf: {  	[dreg:$0x3] =	wrdreg s2  }
0xb0: {  	[dreg:$0x4] =	wrdreg $0xA8000  }
0xb1: {  	[dreg:$0x5] =	wrdreg $0x9  }
0xb2: {  	_ =	task.clear_ibuf [dreg:s7], $0x6FFFF;
	_ =	strace $0x9000004C  }
0xb3: {  	s29 =	simm.s32 $0x9;
	_ =	strace $0x8000004E  }
0xb4: {  	_ =	swait.ge [sflag:s29], $0x1  }
0xb5: {  	[sflag:s29] =	ssyncadd.s32 $0xFFFFFFFF  }
0xb6: {  	_ =	strace $0x9000004E  }
0xb7: {  	_ =	sfence  }
0xb8: {  	s30 =	sld [smem:$0x0];
	_ =	sdelay $0x2  }
0xb9: {  	s31 =	sshll.u32 s1, $0xD;
	s1 =	sshrl.u32 s1, $0x2  }
0xba: {  	s3 =	sand.u32 $0x4000, s31;
	s1 =	sadd.s32 s1, s30  }
0xbb: {  	s0 =	sor.u32 s3, s0;
	s1 =	sshll.u32 s1, $0x11  }
0xbc: {  	s0 =	sor.u32 s1, s0  }
0xbd: {  	s0 =	sadd.s32 $0x8F2B, s0  }
0xbe: {  	[sflag:s0] =	ssyncadd.remote.s32 $0x1  }
0xbf: {  	_ =	sfence.sel $0xFFFF  }
0xc0: {  	[dreg:$0x0] =	wrdreg $0xFFFFFFFF;
	(pc) =	sbr.abs _section_cstart, $3  }
0xc1: {  	[dreg:$0x1] =	wrdreg $0xFFFFFFFF  }
0xc2: {  	_ =	task.clear_ibuf [dreg:s7], $0x2FFFF;
	_ =	strace $0x9FFFFFFF  }
0xc3: {  	(tm) =	ssettm $0x7FFFFFFF  }
tec
execute0_lowered:
.L_overlay_start_1:
0x0: {  	(tag) =	ssettag $0x1  }
0x1: {  	s0 =	rddreg [dreg:$0x0]  }
0x2: {  	s6 =	rddreg [dreg:$0x1]  }
0x3: {  	s1 =	rddreg [dreg:$0x2]  }
0x4: {  	s3 =	simm.s32 $0x0;
	s2 =	srdreg.scid;
	s22 =	stileid.u32  }
0x5: {  	s14 =	simm.s32 $0x5;
	s15 =	simm.s32 $0x1400;
	s16 =	simm.s32 $0x7D  }
0x6: {  	s17 =	simm.s32 $0x2800;
	s18 =	simm.s32 $0x80;
	s19 =	simm.s32 $0x6800  }
0x7: {  	s20 =	simm.s32 $0x1;
	s21 =	simm.s32 $0x3;
	s28 =	simm.s32 $0x2700  }
0x8: {  	s29 =	simm.s32 $0x2780;
	s30 =	simm.s32 $0x0;
	[smem:$0x7FF] =	sst s3  }
0x9: {  	s7 =	sand.u32 $0x1, s2;
	s9 =	smul.u32 $0x14000, s22;
	s4 =	sadd.s32 $0x5600, s0  }
0xa: {  	s5 =	sadd.s32 $0x2E00, s0;
	s11 =	smul.u32 $0x50000, s22;
	s31 =	sshll.u32 s22, $0x6  }
0xb: {  	s8 =	smul.u32 $0x140000, s7;
	s10 =	sshll.u32 s7, $0x4;
	s7 =	ssub.s32 $0x2, s7  }
0xc: {  	_ =	strace $0x8000004D;
	s10 =	sor.u32 s22, s10;
	s24 =	sshrl.u32 s7, $0x1  }
0xd: {  	s26 =	sshrl.u32 s11, $0x2;
	s22 =	simm.s32 $0x100;
	s8 =	sadd.s32 s9, s8  }
0xe: {  	s23 =	smul.u32 $0x2800, s10;
	s12 =	ssub.s32 s7, s24;
	s13 =	sadd.s32 s26, s1  }
0xf: {  	s7 =	sor.u32 $0x1C05, s31;
	s24 =	simm.s32 $0x1480;
	s26 =	simm.s32 $0x1380  }
0x10: {  	s8 =	sshrl.u32 s8, $0x3;
	s12 =	smax.u32 s12, $0x1;
	s13 =	sshrl.u32 s13, $0x3  }
0x11: {  	s0 =	sadd.s32 s8, s0;
	s25 =	sshrl.u32 s23, $0x3;
	s23 =	simm.s32 $0x2  }
0x12: {  	s6 =	sadd.s32 s6, s25;
	s11 =	sadd.s32 $0x2D600, s0;
	s25 =	simm.s32 $0x4  }
0x13: {  	s8 =	sadd.s32 $0xA000, s6;
	s9 =	sadd.s32 $0x280, s6;
	s10 =	sadd.s32 $0xA280, s6  }
.LBB2_1:
0x14: {  	[spmem:s13], [sflag:s7] =	dma.local [hbm:s5], $0x2800  }
0x15: {  	_ =	swait.ge [sflag:s14], $0x2800  }
0x16: {  	[sflag:s14] =	ssyncset.done $0x0  }
0x17: {  	[sflag:s14] =	ssyncadd.s32 $0xFFFFD800  }
0x18: {  	[bflag:$0x0] =	sbarrier.arrive $0xFFFF  }
0x19: {  	[tilespmem:s3], [sflag:$0x5] =	stream.linear.gather [hbm4b:s6+s3], $0x1400, $0x38;
	[tilespmem:$0x1E800] =	vst v63  }
0x1a: {  	_ =	swait.ge [sflag:s14], $0x1400  }
0x1b: {  	[sflag:s14] =	ssyncset.done $0x0  }
0x1c: {  	[sflag:s14] =	ssyncadd.s32 $0xFFFFEC00  }
0x1d: {  	[tilespmem:s15], [sflag:$0x5] =	stream.linear.gather [hbm4b:s8+s3], $0x1400, $0x38;
	[tilespmem:$0x1E800] =	vst v63  }
0x1e: {  	_ =	swait.ge [sflag:s14], $0x1400  }
0x1f: {  	[sflag:s14] =	ssyncset.done $0x0  }
0x20: {  	[sflag:s14] =	ssyncadd.s32 $0xFFFFEC00  }
0x21: {  	[tilespmem:s17], [sflag:$0x1] =	stream.indirect.gather [hbm4b:s4+s16], $0x80, s3, s16, $0xb8;
	[tilespmem:$0x1E800] =	vst v63  }
0x22: {  	_ = 	snop  }
0x23: {  	[tilespmem:s19], [sflag:$0x2] =	stream.indirect.gather [hbm4b:s4+s16], $0x80, s18, s16, $0xb8;
	[tilespmem:$0x1E800] =	vst v63  }
0x24: {  	_ =	swait.ge [sflag:s20], $0x3E80  }
0x25: {  	[sflag:s20] =	ssyncset.done $0x0  }
0x26: {  	[sflag:s20] =	ssyncadd.s32 $0xFFFFC180  }
0x27: {  	[spmem:s1] =	stream.indirect.scatter.add.f32 [tilespmem:s17], [sflag:$0x3], $0x80, s15, s16, $0xb8;
	[tilespmem:$0x1E800] =	vst v63  }
0x28: {  	_ =	swait.ge [sflag:s21], $0x3E80  }
0x29: {  	[sflag:s21] =	ssyncset.done $0x0  }
0x2a: {  	[sflag:s21] =	ssyncadd.s32 $0xFFFFC180  }
0x2b: {  	[tilespmem:s17], [sflag:$0x1] =	stream.indirect.gather [hbm4b:s4+s16], $0x80, s22, s16, $0xb8;
	[tilespmem:$0x1E800] =	vst v63  }
0x2c: {  	_ =	swait.ge [sflag:s23], $0x3E80  }
0x2d: {  	[sflag:s23] =	ssyncset.done $0x0  }
0x2e: {  	[sflag:s23] =	ssyncadd.s32 $0xFFFFC180  }
0x2f: {  	[spmem:s1] =	stream.indirect.scatter.add.f32 [tilespmem:s19], [sflag:$0x4], $0x80, s24, s16, $0xb8;
	[tilespmem:$0x1E800] =	vst v63  }
0x30: {  	_ =	swait.ge [sflag:s25], $0x3E80  }
0x31: {  	[sflag:s25] =	ssyncset.done $0x0  }
0x32: {  	s0 =	simm.s32 $0x180;
	[sflag:s25] =	ssyncadd.s32 $0xFFFFC180  }
0x33: {  	[tilespmem:s19], [sflag:$0x2] =	stream.indirect.gather [hbm4b:s4+s16], $0x80, s0, s16, $0xb8;
	[tilespmem:$0x1E800] =	vst v63  }
0x34: {  	_ =	swait.ge [sflag:s20], $0x3E80  }
0x35: {  	[sflag:s20] =	ssyncset.done $0x0  }
0x36: {  	s2 =	simm.s32 $0x1500;
	[sflag:s20] =	ssyncadd.s32 $0xFFFFC180  }
0x37: {  	[spmem:s1] =	stream.indirect.scatter.add.f32 [tilespmem:s17], [sflag:$0x3], $0x80, s2, s16, $0xb8;
	[tilespmem:$0x1E800] =	vst v63  }
0x38: {  	_ =	swait.ge [sflag:s21], $0x3E80  }
0x39: {  	[sflag:s21] =	ssyncset.done $0x0  }
0x3a: {  	s2 =	simm.s32 $0x200;
	[sflag:s21] =	ssyncadd.s32 $0xFFFFC180  }
0x3b: {  	[tilespmem:s17], [sflag:$0x1] =	stream.indirect.gather [hbm4b:s4+s16], $0x80, s2, s16, $0xb8;
	[tilespmem:$0x1E800] =	vst v63  }
0x3c: {  	_ =	swait.ge [sflag:s23], $0x3E80  }
0x3d: {  	[sflag:s23] =	ssyncset.done $0x0  }
0x3e: {  	s31 =	simm.s32 $0xFFFFBC00;
	s0 =	simm.s32 $0x1580;
	[sflag:s23] =	ssyncadd.s32 $0xFFFFC180  }
.LBB2_2:
0x3f: {  	[spmem:s1] =	stream.indirect.scatter.add.f32 [tilespmem:s19], [sflag:$0x4], $0x80, s0, s16, $0xb8;
	[tilespmem:$0x1E800] =	vst v63  }
0x40: {  	s0 =	smov.u32 s31  }
0x41: {  	p0 =	sne.s32 s31, $0xFFFFFC00;
	s31 =	sadd.s32 $0x400, s31;
	_ =	swait.ge [sflag:s25], $0x3E80  }
0x42: {  	s0 =	sshra.s32 s0, $0x2;
	[sflag:s25] =	ssyncset.done $0x0  }
0x43: {  	s2 =	sadd.s32 $0x1380, s0;
	[sflag:s25] =	ssyncadd.s32 $0xFFFFC180  }
0x44: {  	[tilespmem:s19], [sflag:$0x2] =	stream.indirect.gather [hbm4b:s4+s16], $0x80, s2, s16, $0xb8;
	[tilespmem:$0x1E800] =	vst v63  }
0x45: {  	_ =	swait.ge [sflag:s20], $0x3E80  }
0x46: {  	[sflag:s20] =	ssyncset.done $0x0  }
0x47: {  	s2 =	sadd.s32 $0x2700, s0;
	[sflag:s20] =	ssyncadd.s32 $0xFFFFC180  }
0x48: {  	[spmem:s1] =	stream.indirect.scatter.add.f32 [tilespmem:s17], [sflag:$0x3], $0x80, s2, s16, $0xb8;
	[tilespmem:$0x1E800] =	vst v63  }
0x49: {  	_ =	swait.ge [sflag:s21], $0x3E80  }
0x4a: {  	[sflag:s21] =	ssyncset.done $0x0  }
.Ltmp0:
0x4b: {  	s2 =	sadd.s32 $0x1400, s0;
	[sflag:s21] =	ssyncadd.s32 $0xFFFFC180;
	(pc) =	sbr.rel @p0 .LBB2_2-.Ltmp0, $4  }
0x4c: {  	[tilespmem:s17], [sflag:$0x1] =	stream.indirect.gather [hbm4b:s4+s16], $0x80, s2, s16, $0xb8;
	[tilespmem:$0x1E800] =	vst v63  }
0x4d: {  	_ =	swait.ge [sflag:s23], $0x3E80  }
0x4e: {  	[sflag:s23] =	ssyncset.done $0x0  }
0x4f: {  	s0 =	sadd.s32 $0x2780, s0;
	[sflag:s23] =	ssyncadd.s32 $0xFFFFC180  }
0x50: {  	[spmem:s1] =	stream.indirect.scatter.add.f32 [tilespmem:s19], [sflag:$0x4], $0x80, s0, s16, $0xb8;
	[tilespmem:$0x1E800] =	vst v63  }
0x51: {  	_ =	swait.ge [sflag:s25], $0x3E80  }
0x52: {  	[sflag:s25] =	ssyncset.done $0x0  }
0x53: {  	[sflag:s25] =	ssyncadd.s32 $0xFFFFC180  }
0x54: {  	[tilespmem:s19], [sflag:$0x2] =	stream.indirect.gather [hbm4b:s4+s16], $0x80, s26, s16, $0xb8;
	[tilespmem:$0x1E800] =	vst v63  }
0x55: {  	_ =	swait.ge [sflag:s20], $0x3E80  }
0x56: {  	[sflag:s20] =	ssyncset.done $0x0  }
0x57: {  	[sflag:s20] =	ssyncadd.s32 $0xFFFFC180  }
0x58: {  	[spmem:s1] =	stream.indirect.scatter.add.f32 [tilespmem:s17], [sflag:$0x3], $0x80, s28, s16, $0xb8;
	[tilespmem:$0x1E800] =	vst v63  }
0x59: {  	_ =	swait.ge [sflag:s21], $0x3E80  }
0x5a: {  	[sflag:s21] =	ssyncset.done $0x0  }
0x5b: {  	[sflag:s21] =	ssyncadd.s32 $0xFFFFC180  }
0x5c: {  	[tilespmem:s17], [sflag:$0x1] =	stream.indirect.gather [hbm4b:s4+s16], $0x80, s3, s16, $0xb8;
	[tilespmem:$0x1E800] =	vst v63  }
0x5d: {  	_ =	swait.ge [sflag:s23], $0x3E80  }
0x5e: {  	[sflag:s23] =	ssyncset.done $0x0  }
0x5f: {  	[sflag:s23] =	ssyncadd.s32 $0xFFFFC180  }
0x60: {  	[spmem:s1] =	stream.indirect.scatter.add.f32 [tilespmem:s19], [sflag:$0x4], $0x80, s29, s16, $0xb8;
	[tilespmem:$0x1E800] =	vst v63  }
0x61: {  	_ =	swait.ge [sflag:s25], $0x3E80  }
0x62: {  	[sflag:s25] =	ssyncset.done $0x0  }
0x63: {  	[sflag:s25] =	ssyncadd.s32 $0xFFFFC180  }
0x64: {  	_ =	swait.ge [sflag:s20], $0x3E80  }
0x65: {  	[sflag:s20] =	ssyncset.done $0x0  }
0x66: {  	[sflag:s20] =	ssyncadd.s32 $0xFFFFC180  }
0x67: {  	[tilespmem:s3], [sflag:$0x5] =	stream.linear.gather [hbm4b:s9+s3], $0x1400, $0x38;
	[tilespmem:$0x1E800] =	vst v63  }
0x68: {  	_ =	swait.ge [sflag:s14], $0x1400  }
0x69: {  	[sflag:s14] =	ssyncset.done $0x0  }
0x6a: {  	[sflag:s14] =	ssyncadd.s32 $0xFFFFEC00  }
0x6b: {  	[tilespmem:s15], [sflag:$0x5] =	stream.linear.gather [hbm4b:s10+s3], $0x1400, $0x38;
	[tilespmem:$0x1E800] =	vst v63  }
0x6c: {  	_ =	swait.ge [sflag:s14], $0x1400  }
0x6d: {  	[sflag:s14] =	ssyncset.done $0x0  }
0x6e: {  	[sflag:s14] =	ssyncadd.s32 $0xFFFFEC00  }
0x6f: {  	[tilespmem:s17], [sflag:$0x1] =	stream.indirect.gather [hbm4b:s4+s16], $0x80, s3, s16, $0xb8;
	[tilespmem:$0x1E800] =	vst v63  }
0x70: {  	_ = 	snop  }
0x71: {  	[tilespmem:s19], [sflag:$0x2] =	stream.indirect.gather [hbm4b:s4+s16], $0x80, s18, s16, $0xb8;
	[tilespmem:$0x1E800] =	vst v63  }
0x72: {  	_ =	swait.ge [sflag:s20], $0x3E80  }
0x73: {  	[sflag:s20] =	ssyncset.done $0x0  }
0x74: {  	[sflag:s20] =	ssyncadd.s32 $0xFFFFC180  }
0x75: {  	[spmem:s1] =	stream.indirect.scatter.add.f32 [tilespmem:s17], [sflag:$0x3], $0x80, s15, s16, $0xb8;
	[tilespmem:$0x1E800] =	vst v63  }
0x76: {  	_ =	swait.ge [sflag:s21], $0x3E80  }
0x77: {  	[sflag:s21] =	ssyncset.done $0x0  }
0x78: {  	[sflag:s21] =	ssyncadd.s32 $0xFFFFC180  }
0x79: {  	[tilespmem:s17], [sflag:$0x1] =	stream.indirect.gather [hbm4b:s4+s16], $0x80, s22, s16, $0xb8;
	[tilespmem:$0x1E800] =	vst v63  }
0x7a: {  	_ =	swait.ge [sflag:s23], $0x3E80  }
0x7b: {  	[sflag:s23] =	ssyncset.done $0x0  }
0x7c: {  	[sflag:s23] =	ssyncadd.s32 $0xFFFFC180  }
0x7d: {  	[spmem:s1] =	stream.indirect.scatter.add.f32 [tilespmem:s19], [sflag:$0x4], $0x80, s24, s16, $0xb8;
	[tilespmem:$0x1E800] =	vst v63  }
0x7e: {  	_ =	swait.ge [sflag:s25], $0x3E80  }
0x7f: {  	[sflag:s25] =	ssyncset.done $0x0  }
0x80: {  	s2 =	simm.s32 $0x180;
	[sflag:s25] =	ssyncadd.s32 $0xFFFFC180  }
0x81: {  	[tilespmem:s19], [sflag:$0x2] =	stream.indirect.gather [hbm4b:s4+s16], $0x80, s2, s16, $0xb8;
	[tilespmem:$0x1E800] =	vst v63  }
0x82: {  	_ =	swait.ge [sflag:s20], $0x3E80  }
0x83: {  	[sflag:s20] =	ssyncset.done $0x0  }
0x84: {  	s2 =	simm.s32 $0x1500;
	[sflag:s20] =	ssyncadd.s32 $0xFFFFC180  }
0x85: {  	[spmem:s1] =	stream.indirect.scatter.add.f32 [tilespmem:s17], [sflag:$0x3], $0x80, s2, s16, $0xb8;
	[tilespmem:$0x1E800] =	vst v63  }
0x86: {  	_ =	swait.ge [sflag:s21], $0x3E80  }
0x87: {  	[sflag:s21] =	ssyncset.done $0x0  }
0x88: {  	s2 =	simm.s32 $0x200;
	[sflag:s21] =	ssyncadd.s32 $0xFFFFC180  }
0x89: {  	[tilespmem:s17], [sflag:$0x1] =	stream.indirect.gather [hbm4b:s4+s16], $0x80, s2, s16, $0xb8;
	[tilespmem:$0x1E800] =	vst v63  }
0x8a: {  	_ =	swait.ge [sflag:s23], $0x3E80  }
0x8b: {  	[sflag:s23] =	ssyncset.done $0x0  }
0x8c: {  	s31 =	simm.s32 $0xFFFFBC00;
	s0 =	simm.s32 $0x1580;
	[sflag:s23] =	ssyncadd.s32 $0xFFFFC180  }
.LBB2_4:
0x8d: {  	[spmem:s1] =	stream.indirect.scatter.add.f32 [tilespmem:s19], [sflag:$0x4], $0x80, s0, s16, $0xb8;
	[tilespmem:$0x1E800] =	vst v63  }
0x8e: {  	s0 =	smov.u32 s31  }
0x8f: {  	p0 =	sne.s32 s31, $0xFFFFFC00;
	s31 =	sadd.s32 $0x400, s31;
	_ =	swait.ge [sflag:s25], $0x3E80  }
0x90: {  	s0 =	sshra.s32 s0, $0x2;
	[sflag:s25] =	ssyncset.done $0x0  }
0x91: {  	s2 =	sadd.s32 $0x1380, s0;
	[sflag:s25] =	ssyncadd.s32 $0xFFFFC180  }
0x92: {  	[tilespmem:s19], [sflag:$0x2] =	stream.indirect.gather [hbm4b:s4+s16], $0x80, s2, s16, $0xb8;
	[tilespmem:$0x1E800] =	vst v63  }
0x93: {  	_ =	swait.ge [sflag:s20], $0x3E80  }
0x94: {  	[sflag:s20] =	ssyncset.done $0x0  }
0x95: {  	s2 =	sadd.s32 $0x2700, s0;
	[sflag:s20] =	ssyncadd.s32 $0xFFFFC180  }
0x96: {  	[spmem:s1] =	stream.indirect.scatter.add.f32 [tilespmem:s17], [sflag:$0x3], $0x80, s2, s16, $0xb8;
	[tilespmem:$0x1E800] =	vst v63  }
0x97: {  	_ =	swait.ge [sflag:s21], $0x3E80  }
0x98: {  	[sflag:s21] =	ssyncset.done $0x0  }
.Ltmp1:
0x99: {  	s2 =	sadd.s32 $0x1400, s0;
	[sflag:s21] =	ssyncadd.s32 $0xFFFFC180;
	(pc) =	sbr.rel @p0 .LBB2_4-.Ltmp1, $4  }
0x9a: {  	[tilespmem:s17], [sflag:$0x1] =	stream.indirect.gather [hbm4b:s4+s16], $0x80, s2, s16, $0xb8;
	[tilespmem:$0x1E800] =	vst v63  }
0x9b: {  	_ =	swait.ge [sflag:s23], $0x3E80  }
0x9c: {  	[sflag:s23] =	ssyncset.done $0x0  }
0x9d: {  	s0 =	sadd.s32 $0x2780, s0;
	[sflag:s23] =	ssyncadd.s32 $0xFFFFC180  }
0x9e: {  	[spmem:s1] =	stream.indirect.scatter.add.f32 [tilespmem:s19], [sflag:$0x4], $0x80, s0, s16, $0xb8;
	[tilespmem:$0x1E800] =	vst v63  }
0x9f: {  	_ =	swait.ge [sflag:s25], $0x3E80  }
0xa0: {  	[sflag:s25] =	ssyncset.done $0x0  }
0xa1: {  	[sflag:s25] =	ssyncadd.s32 $0xFFFFC180  }
0xa2: {  	[tilespmem:s19], [sflag:$0x2] =	stream.indirect.gather [hbm4b:s4+s16], $0x80, s26, s16, $0xb8;
	[tilespmem:$0x1E800] =	vst v63  }
0xa3: {  	_ =	swait.ge [sflag:s20], $0x3E80  }
0xa4: {  	[sflag:s20] =	ssyncset.done $0x0  }
0xa5: {  	[sflag:s20] =	ssyncadd.s32 $0xFFFFC180  }
0xa6: {  	[spmem:s1] =	stream.indirect.scatter.add.f32 [tilespmem:s17], [sflag:$0x3], $0x80, s28, s16, $0xb8;
	[tilespmem:$0x1E800] =	vst v63  }
0xa7: {  	_ =	swait.ge [sflag:s21], $0x3E80  }
0xa8: {  	[sflag:s21] =	ssyncset.done $0x0  }
0xa9: {  	[sflag:s21] =	ssyncadd.s32 $0xFFFFC180  }
0xaa: {  	[tilespmem:s17], [sflag:$0x1] =	stream.indirect.gather [hbm4b:s4+s16], $0x80, s3, s16, $0xb8;
	[tilespmem:$0x1E800] =	vst v63  }
0xab: {  	_ =	swait.ge [sflag:s23], $0x3E80  }
0xac: {  	[sflag:s23] =	ssyncset.done $0x0  }
0xad: {  	[sflag:s23] =	ssyncadd.s32 $0xFFFFC180  }
0xae: {  	[spmem:s1] =	stream.indirect.scatter.add.f32 [tilespmem:s19], [sflag:$0x4], $0x80, s29, s16, $0xb8;
	[tilespmem:$0x1E800] =	vst v63  }
0xaf: {  	_ =	swait.ge [sflag:s25], $0x3E80  }
0xb0: {  	[sflag:s25] =	ssyncset.done $0x0  }
0xb1: {  	[sflag:s25] =	ssyncadd.s32 $0xFFFFC180  }
0xb2: {  	_ =	swait.ge [sflag:s20], $0x3E80  }
0xb3: {  	s30 =	sadd.s32 $0x1, s30;
	[sflag:s20] =	ssyncset.done $0x0  }
0xb4: {  	p0 =	sne.s32 s30, s12;
	[sflag:s20] =	ssyncadd.s32 $0xFFFFC180  }
.Ltmp2:
0xb5: {  	[bflag:$0x0] =	sbarrier.arrive $0xFFFF;
	(pc) =	sbr.rel @p0 .LBB2_1-.Ltmp2, $4  }
0xb6: {  	[hbm:s11], [sflag:s7] =	dma.local [spmem:s13], $0x2800  }
0xb7: {  	_ =	swait.ge [sflag:s14], $0x2800  }
0xb8: {  	[sflag:s14] =	ssyncset.done $0x0  }
0xb9: {  	[sflag:s14] =	ssyncadd.s32 $0xFFFFD800  }
0xba: {  	_ =	sfence.sel $0x180000  }
0xbb: {  	[bflag:$0x0] =	sbarrier.arrive $0xFFFF  }
0xbc: {  	_ =	strace $0x9000004D  }
0xbd: {  	s0 =	stileid.u32;
	[bflag:$0x2] =	sbarrier.arrive $0xFFFF  }
0xbe: {  	p0 =	sne.s32 s0, $0x0;
	s0 =	rddreg [dreg:$0x3]  }
0xbf: {  	s0 =	sadd.s32 @!p0 $0x100000, s0  }
0xc0: {  	[sflag:s0] =	ssyncadd.tile.s32 @!p0 $0x1;
	_ =	shalt  }
.Lfunc_end2:
_tile_overlayer_lowered:
.L_overlay_start_2:
0xc1: {  	(tag) =	ssettag $0x2  }
0xc2: {  	s0 =	rddreg [dreg:$0x0];
	s2 =	stileid.u32  }
0xc3: {  	s1 =	rddreg [dreg:$0x1];
	p0 =	sne.s32 s2, $0x0  }
0xc4: {  	s3 =	rddreg [dreg:$0x2];
	[bflag:$0x3] =	sbarrier.arrive $0xFFFF;
	s2 =	simm.s32 @!p0 $0x1C05  }
0xc5: {  	[timem:s3], [sflag:s2] =	dma.local @!p0 [hbm:s0], s1  }
0xc6: {  	s0 =	simm.s32 @!p0 $0x5  }
0xc7: {  	_ =	swait.ge @!p0 [sflag:s0], s1  }
0xc8: {  	s1 =	ssub.s32 @!p0 $0x0, s1;
	[sflag:s0] =	ssyncset.done @!p0 $0x0  }
0xc9: {  	[sflag:s0] =	ssyncadd.s32 @!p0 s1  }
0xca: {  	[bflag:$0x3] =	sbarrier.arrive $0xFFFF  }
0xcb: {  	_ =	shalt  }

// kernel: kernel.8.cloned.1.call-start
scs
__scs_entry_jumppad:
0x0: {  	(pc) =	sbr.rel $0x88, $3  }
0x1: {  	(tag) =	ssettag $0x0;
	lr =	simm.s32 $0x1  }
0x2: {  	[smem:$0x3F9B] =	sst lr;
	_ =	strace $0xD0000000  }
0x3: {  	_ = 	snop  }
0x4: {  	_ = 	snop  }
0x5: {  	_ = 	snop  }
0x6: {  	_ = 	snop  }
0x7: {  	_ = 	snop  }
__scs_overlays_trampoline_lowered:
0x8: {  	[smem:$0x3FAA] =	sst s0  }
0x9: {  	[smem:$0x3FAB] =	sst s1  }
0xa: {  	[smem:$0x3FAC] =	sst s2  }
0xb: {  	[smem:$0x3FAD] =	sst s3  }
0xc: {  	[smem:$0x3FAE] =	sst s4  }
0xd: {  	[smem:$0x3FAF] =	sst s5  }
0xe: {  	[smem:$0x3FB0] =	sst s6  }
0xf: {  	[smem:$0x3FB1] =	sst s7  }
0x10: {  	[smem:$0x3FB2] =	sst s8  }
0x11: {  	[smem:$0x3FB3] =	sst s9;
	s0 =	simm.s32 @!p0 $0x0  }
0x12: {  	s1 =	sld [smem:$0x3F99];
	s0 =	simm.s32 @p0 $0x1  }
0x13: {  	[smem:$0x3FB4] =	sst s0;
	s0 =	simm.s32 @!p1 $0x0  }
0x14: {  	s2 =	sld [smem:$0x3F98];
	s0 =	simm.s32 @p1 $0x1  }
0x15: {  	[smem:$0x3FB5] =	sst s0;
	s0 =	simm.s32 @!p2 $0x0  }
0x16: {  	s3 =	sld [smem:$0x3FDB];
	s0 =	simm.s32 @p2 $0x1  }
0x17: {  	s4 =	simm.s32 $0x1BF5;
	[smem:$0x3FB7] =	sst s0  }
0x18: {  	s0 =	sld [smem:$0x3F9A];
	_ =	swait.ge [sflag:s4], $0x0  }
0x19: {  	s7 =	sld [smem:$0x3F9B]  }
0x1a: {  	s8 =	sadd.s32 $0xFFFFE003, lr  }
0x1b: {  	s9 =	sadd.s32 $0xFFFFFEF7, lr;
	s5 =	simm.s32 $0xFFFFFFFF;
	p2 =	slt.u32 s8, $0xFFFFF086  }
0x1c: {  	p1 =	slt.u32 s9, $0xF7A;
	s5 =	simm.s32 @!p2 $0x0  }
0x1d: {  	s5 =	simm.s32 @p1 $0x1;
	p0 =	seq.s32 s7, s2  }
0x1e: {  	s7 =	smul.u32 @!p0 $0xF7A, s2;
	p2 =	seq.s32 @!p0 s5, $0x0  }
0x1f: {  	s9 =	smul.u32 $0xF7A, s1;
	s8 =	simm.s32 @!p0 $0x1BF5;
	p2 =	por !p2, p0  }
0x20: {  	[sflag:s8] =	ssyncset.s32 @!p0 $0xFFFFF086;
	s6 =	sadd.s32 @!p0 s3, s7;
	s7 =	simm.s32 @!p0 $0x108  }
0x21: {  	s3 =	sadd.s32 s3, s9;
	s6 =	sadd.s32 @!p0 $0x88, s6;
	s7 =	simm.s32 @p2 $0x1082  }
0x22: {  	[simem:s7], [sflag:s8] =	dma.local @!p0 [hbm:s6], $0xF7A  }
0x23: {  	s9 =	sor.u32 $0xD0000000, s2;
	s6 =	simm.s32 $0x108;
	_ =	swait.ge @!p0 [sflag:s8], $0x0  }
0x24: {  	s3 =	sadd.s32 $0x88, s3;
	s6 =	simm.s32 @!p1 $0x1082;
	[sflag:s4] =	ssyncset.s32 $0xFFFFF086  }
0x25: {  	[simem:s6], [sflag:s4] =	dma.local [hbm:s3], $0xF7A  }
0x26: {  	[smem:$0x3F9B] =	sst s1;
	(tag) =	ssettag s2;
	_ =	strace s9  }
0x27: {  	s1 =	sld [smem:$0x3FAB]  }
0x28: {  	s2 =	sld [smem:$0x3FAC]  }
0x29: {  	s4 =	sld [smem:$0x3FAE]  }
0x2a: {  	p0 =	seq.s32 s5, $0x0;
	s5 =	sld [smem:$0x3FAF]  }
0x2b: {  	s6 =	sld [smem:$0x3FB0]  }
0x2c: {  	s7 =	sld [smem:$0x3FB1]  }
0x2d: {  	s3 =	simm.s32 $0x108;
	s8 =	sld [smem:$0x3FB2]  }
0x2e: {  	s3 =	simm.s32 @!p0 $0x1082;
	s9 =	sld [smem:$0x3FB3]  }
0x2f: {  	lr =	sadd.s32 s0, s3;
	s0 =	sld [smem:$0x3FAA]  }
0x30: {  	s3 =	sld [smem:$0x3FAD]  }
0x31: {  	[smem:$0x3FB6] =	sst s10  }
0x32: {  	s10 =	sld [smem:$0x3FB4];
	_ =	sdelay $0x3  }
0x33: {  	p0 =	seq.s32 s10, $0x1;
	s10 =	sld [smem:$0x3FB6];
	_ =	sdelay $0x3  }
0x34: {  	[smem:$0x3FB6] =	sst s10  }
0x35: {  	s10 =	sld [smem:$0x3FB5];
	_ =	sdelay $0x3  }
0x36: {  	p1 =	seq.s32 s10, $0x1;
	s10 =	sld [smem:$0x3FB6];
	_ =	sdelay $0x3  }
0x37: {  	[smem:$0x3FB6] =	sst s10  }
0x38: {  	s10 =	sld [smem:$0x3FB7]  }
0x39: {  	_ = 	snop;
	(pc) =	sbr.ind lr, $3  }
0x3a: {  	_ = 	snop  }
0x3b: {  	_ = 	snop  }
0x3c: {  	p2 =	seq.s32 s10, $0x1;
	s10 =	sld [smem:$0x3FB6]  }
0x3d: {  	_ =	shalt  }
0x3e: {  	_ =	shalt  }
0x3f: {  	_ =	shalt  }
0x40: {  	_ =	shalt  }
0x41: {  	_ =	shalt  }
0x42: {  	_ =	shalt  }
0x43: {  	_ =	shalt  }
0x44: {  	_ =	shalt  }
0x45: {  	_ =	shalt  }
0x46: {  	_ =	shalt  }
0x47: {  	_ =	shalt  }
0x48: {  	_ =	shalt  }
0x49: {  	_ =	shalt  }
0x4a: {  	_ =	shalt  }
0x4b: {  	_ =	shalt  }
0x4c: {  	_ =	shalt  }
0x4d: {  	_ =	shalt  }
0x4e: {  	_ =	shalt  }
0x4f: {  	_ =	shalt  }
0x50: {  	_ =	shalt  }
0x51: {  	_ =	shalt  }
0x52: {  	_ =	shalt  }
0x53: {  	_ =	shalt  }
0x54: {  	_ =	shalt  }
0x55: {  	_ =	shalt  }
0x56: {  	_ =	shalt  }
0x57: {  	_ =	shalt  }
0x58: {  	_ =	shalt  }
0x59: {  	_ =	shalt  }
0x5a: {  	_ =	shalt  }
0x5b: {  	_ =	shalt  }
0x5c: {  	_ =	shalt  }
0x5d: {  	_ =	shalt  }
0x5e: {  	_ =	shalt  }
0x5f: {  	_ =	shalt  }
0x60: {  	_ =	shalt  }
0x61: {  	_ =	shalt  }
0x62: {  	_ =	shalt  }
0x63: {  	_ =	shalt  }
0x64: {  	_ =	shalt  }
0x65: {  	_ =	shalt  }
0x66: {  	_ =	shalt  }
0x67: {  	_ =	shalt  }
0x68: {  	_ =	shalt  }
0x69: {  	_ =	shalt  }
0x6a: {  	_ =	shalt  }
0x6b: {  	_ =	shalt  }
0x6c: {  	_ =	shalt  }
0x6d: {  	_ =	shalt  }
0x6e: {  	_ =	shalt  }
0x6f: {  	_ =	shalt  }
0x70: {  	_ =	shalt  }
0x71: {  	_ =	shalt  }
0x72: {  	_ =	shalt  }
0x73: {  	_ =	shalt  }
0x74: {  	_ =	shalt  }
0x75: {  	_ =	shalt  }
0x76: {  	_ =	shalt  }
0x77: {  	_ =	shalt  }
0x78: {  	_ =	shalt  }
0x79: {  	_ =	shalt  }
0x7a: {  	_ =	shalt  }
0x7b: {  	_ =	shalt  }
0x7c: {  	_ =	shalt  }
0x7d: {  	_ =	shalt  }
0x7e: {  	_ =	shalt  }
0x7f: {  	_ =	shalt  }
0x80: {  	_ =	shalt  }
0x81: {  	_ =	shalt  }
0x82: {  	_ =	shalt  }
0x83: {  	_ =	shalt  }
0x84: {  	_ =	shalt  }
0x85: {  	_ =	shalt  }
0x86: {  	_ =	shalt  }
0x87: {  	_ =	shalt  }
.Lfunc_end0:
.L_simem_size_0:
called_computation_lowered:
.L_overlay_start_0:
0x88: {  	s2 =	sld [smem:$0x3FD9]  }
0x89: {  	s3 =	sld [smem:$0x3FFE];
	_ =	sdelay $0x1  }
0x8a: {  	s1 =	srdreg.scid  }
0x8b: {  	s0 =	sand.u32 $0x1, s1  }
0x8c: {  	s17 =	sshll.u32 s0, $0xA;
	s2 =	sadd.s32 s3, s2  }
0x8d: {  	s2 =	sadd.s32 s2, s17  }
0x8e: {  	[smem:$0x3FC2] =	sst s2  }
0x8f: {  	_ = 	snop  }
0x90: {  	s2 =	sld [smem:$0x3FD0];
	(tm) =	ssettm $0x1  }
0x91: {  	s18 =	sld [smem:$0x3FFB];
	_ =	sdelay $0x3  }
0x92: {  	_ =	strace s18  }
0x93: {  	s3 =	sld [smem:$0x3FFC];
	_ =	sdelay $0x3  }
0x94: {  	_ =	strace s3  }
0x95: {  	s3 =	sld [smem:$0x3FFD];
	_ =	sdelay $0x3  }
0x96: {  	_ =	strace s3  }
0x97: {  	_ =	strace $0x8FFFFFFF  }
0x98: {  	s19 =	sld [smem:$0x3FDB];
	_ =	sdelay $0x1  }
0x99: {  	s4 =	simm.s32 $_scs_section_size  }
0x9a: {  	s5 =	simm.s32 $_size__tile_overlayer_lowered;
	s6 =	simm.s32 $_tile_overlayer_lowered  }
0x9b: {  	s22 =	simm.s32 $0x1BFF;
	s21 =	sshll.u32 s6, $0x1;
	s3 =	sadd.s32 s4, s19  }
0x9c: {  	s7 =	simm.s32 $0x0;
	s20 =	sshll.u32 s5, $0x1;
	s5 =	sadd.s32 s21, s3  }
0x9d: {  	[timem:s7], [sflag:s22] =	dma.local [hbm:s5], s20  }
0x9e: {  	_ =	swait.ge [sflag:s22], s20  }
0x9f: {  	s4 =	ssub.s32 $0x0, s20;
	[sflag:s22] =	ssyncset.done $0x0  }
0xa0: {  	[sflag:s22] =	ssyncadd.s32 s4;
	_ =	sdelay $0x1  }
0xa1: {  	s23 =	simm.s32 $0x1B8B  }
0xa2: {  	_ =	swait.ge [sflag:s23], $0x1  }
0xa3: {  	[sflag:s23] =	ssyncset.done $0x0  }
0xa4: {  	s25 =	simm.s32 $0x1B8E;
	s24 =	sld [smem:$0x3FFE];
	[sflag:s23] =	ssyncadd.s32 $0xFFFFFFFF  }
0xa5: {  	s26 =	simm.s32 $execute0_lowered;
	[smem:$0x3FD2] =	sst s25  }
0xa6: {  	s5 =	sshll.u32 s26, $0x1;
	_ =	strace $0x80000046;
	[dreg:$0x1] =	wrdreg $0xFFFFFFFF  }
0xa7: {  	s28 =	simm.s32 $_size_execute0_lowered;
	s3 =	sadd.s32 s3, s5;
	[dreg:$0x0] =	wrdreg $0x0  }
0xa8: {  	s5 =	sshll.u32 s28, $0x1;
	[dreg:$0x2] =	wrdreg s3  }
0xa9: {  	[dreg:$0x3] =	wrdreg s5  }
0xaa: {  	[dreg:$0x4] =	wrdreg $0xC0  }
0xab: {  	_ =	task [dreg:s7], $0x5FFFF  }
0xac: {  	[dreg:$0x1] =	wrdreg $0xFFFFFFFF  }
0xad: {  	[dreg:$0x0] =	wrdreg $0x60  }
0xae: {  	[dreg:$0x2] =	wrdreg s2  }
0xaf: {  	[dreg:$0x3] =	wrdreg s24  }
0xb0: {  	[dreg:$0x4] =	wrdreg $0x68000  }
0xb1: {  	[dreg:$0x5] =	wrdreg $0x9  }
0xb2: {  	_ =	task.clear_ibuf [dreg:s7], $0x6FFFF;
	_ =	strace $0x90000046  }
0xb3: {  	s29 =	simm.s32 $0x9;
	_ =	strace $0x80000048  }
0xb4: {  	_ =	swait.ge [sflag:s29], $0x1  }
0xb5: {  	[sflag:s29] =	ssyncadd.s32 $0xFFFFFFFF  }
0xb6: {  	_ =	strace $0x90000048  }
0xb7: {  	_ =	sfence  }
0xb8: {  	s30 =	sld [smem:$0x0];
	_ =	sdelay $0x2  }
0xb9: {  	s31 =	sshll.u32 s1, $0xD;
	s1 =	sshrl.u32 s1, $0x2  }
0xba: {  	s3 =	sand.u32 $0x4000, s31;
	s1 =	sadd.s32 s1, s30  }
0xbb: {  	s0 =	sor.u32 s3, s0;
	s1 =	sshll.u32 s1, $0x11  }
0xbc: {  	s0 =	sor.u32 s1, s0  }
0xbd: {  	s0 =	sadd.s32 $0x8F2B, s0  }
0xbe: {  	[sflag:s0] =	ssyncadd.remote.s32 $0x1  }
0xbf: {  	_ =	sfence.sel $0xFFFF  }
0xc0: {  	[dreg:$0x0] =	wrdreg $0xFFFFFFFF;
	(pc) =	sbr.abs _section_cstart, $3  }
0xc1: {  	[dreg:$0x1] =	wrdreg $0xFFFFFFFF  }
0xc2: {  	_ =	task.clear_ibuf [dreg:s7], $0x2FFFF;
	_ =	strace $0x9FFFFFFF  }
0xc3: {  	(tm) =	ssettm $0x7FFFFFFF  }
tec
execute0_lowered:
.L_overlay_start_1:
0x0: {  	(tag) =	ssettag $0x1  }
0x1: {  	s7 =	rddreg [dreg:$0x0]  }
0x2: {  	s6 =	rddreg [dreg:$0x1]  }
0x3: {  	s1 =	rddreg [dreg:$0x2]  }
0x4: {  	s2 =	srdreg.scid;
	s0 =	rddreg [dreg:$0x3];
	s3 =	simm.s32 $0x0  }
0x5: {  	s13 =	simm.s32 $0x7D;
	s14 =	simm.s32 $0x80;
	s15 =	simm.s32 $0x100  }
0x6: {  	s16 =	simm.s32 $0x180;
	s17 =	simm.s32 $0x1;
	s18 =	simm.s32 $0x2  }
0x7: {  	s19 =	simm.s32 $0x3;
	s20 =	simm.s32 $0x4;
	s5 =	sand.u32 $0x1, s2  }
0x8: {  	s21 =	simm.s32 $0x0;
	s2 =	stileid.u32;
	s8 =	smul.u32 $0x140000, s5  }
0x9: {  	[smem:$0x7FF] =	sst s3;
	s4 =	sadd.s32 $0x2600, s6;
	s9 =	smul.u32 $0x14000, s2  }
0xa: {  	_ =	strace $0x80000047;
	s24 =	sshll.u32 s5, $0x4;
	s10 =	ssub.s32 $0x2, s5  }
0xb: {  	s11 =	smul.u32 $0x50000, s2;
	s5 =	sadd.s32 $0x2E00, s6;
	s29 =	sshll.u32 s2, $0x6  }
0xc: {  	s25 =	sor.u32 s2, s24;
	s26 =	sshrl.u32 s10, $0x1;
	s8 =	sadd.s32 s9, s8  }
0xd: {  	s12 =	smul.u32 $0x2800, s25;
	s9 =	ssub.s32 s10, s26;
	s28 =	sshrl.u32 s11, $0x2  }
0xe: {  	s11 =	simm.s32 $0x5;
	s8 =	sshrl.u32 s8, $0x3;
	s31 =	sadd.s32 s28, s1  }
0xf: {  	s9 =	smax.u32 s9, $0x1;
	s8 =	sadd.s32 s8, s6;
	s30 =	sshrl.u32 s12, $0x3  }
0x10: {  	s6 =	sor.u32 $0x1C05, s29;
	s10 =	sshrl.u32 s31, $0x3;
	s7 =	sadd.s32 s7, s30  }
0x11: {  	s12 =	simm.s32 $0x2800;
	s8 =	sadd.s32 $0x5600, s8;
	s7 =	sadd.s32 $0xA000, s7  }
.LBB2_1:
0x12: {  	[spmem:s10], [sflag:s6] =	dma.local [hbm:s5], $0x2800  }
0x13: {  	_ =	swait.ge [sflag:s11], $0x2800  }
0x14: {  	[sflag:s11] =	ssyncset.done $0x0  }
0x15: {  	[sflag:s11] =	ssyncadd.s32 $0xFFFFD800  }
0x16: {  	[tilespmem:s12], [sflag:$0x5] =	stream.linear.gather [hbm4b:s4+s3], $0x3E80, $0x38;
	[tilespmem:$0x1A800] =	vst v63  }
0x17: {  	_ =	swait.ge [sflag:s11], $0x3E80  }
0x18: {  	[sflag:s11] =	ssyncset.done $0x0  }
0x19: {  	[sflag:s11] =	ssyncadd.s32 $0xFFFFC180  }
0x1a: {  	[tilespmem:s3], [sflag:$0x5] =	stream.linear.gather [hbm4b:s7+s3], $0x2800, $0x38;
	[tilespmem:$0x1A800] =	vst v63  }
0x1b: {  	_ =	swait.ge [sflag:s11], $0x2800  }
0x1c: {  	[sflag:s11] =	ssyncset.done $0x0  }
0x1d: {  	[sflag:s11] =	ssyncadd.s32 $0xFFFFD800  }
0x1e: {  	[bflag:$0x0] =	sbarrier.arrive $0xFFFF  }
0x1f: {  	[spmem:s1] =	stream.indirect.scatter.add.f32 [tilespmem:s12], [sflag:$0x1], $0x80, s3, s13, $0xb8;
	[tilespmem:$0x1A800] =	vst v63  }
0x20: {  	_ = 	snop  }
0x21: {  	[spmem:s1] =	stream.indirect.scatter.add.f32 [tilespmem:s12], [sflag:$0x2], $0x80, s14, s13, $0xb8;
	[tilespmem:$0x1A800] =	vst v63  }
0x22: {  	_ = 	snop  }
0x23: {  	[spmem:s1] =	stream.indirect.scatter.add.f32 [tilespmem:s12], [sflag:$0x3], $0x80, s15, s13, $0xb8;
	[tilespmem:$0x1A800] =	vst v63  }
0x24: {  	_ = 	snop  }
0x25: {  	[spmem:s1] =	stream.indirect.scatter.add.f32 [tilespmem:s12], [sflag:$0x4], $0x80, s16, s13, $0xb8;
	[tilespmem:$0x1A800] =	vst v63  }
0x26: {  	_ =	swait.ge [sflag:s17], $0x3E80  }
0x27: {  	[sflag:s17] =	ssyncset.done $0x0  }
0x28: {  	s22 =	simm.s32 $0x200;
	[sflag:s17] =	ssyncadd.s32 $0xFFFFC180  }
0x29: {  	[spmem:s1] =	stream.indirect.scatter.add.f32 [tilespmem:s12], [sflag:$0x1], $0x80, s22, s13, $0xb8;
	[tilespmem:$0x1A800] =	vst v63  }
0x2a: {  	_ =	swait.ge [sflag:s18], $0x3E80  }
0x2b: {  	[sflag:s18] =	ssyncset.done $0x0  }
0x2c: {  	s30 =	simm.s32 $0x280;
	[sflag:s18] =	ssyncadd.s32 $0xFFFFC180  }
0x2d: {  	[spmem:s1] =	stream.indirect.scatter.add.f32 [tilespmem:s12], [sflag:$0x2], $0x80, s30, s13, $0xb8;
	[tilespmem:$0x1A800] =	vst v63  }
0x2e: {  	_ =	swait.ge [sflag:s19], $0x3E80  }
0x2f: {  	[sflag:s19] =	ssyncset.done $0x0  }
0x30: {  	s31 =	simm.s32 $0x300;
	[sflag:s19] =	ssyncadd.s32 $0xFFFFC180  }
0x31: {  	[spmem:s1] =	stream.indirect.scatter.add.f32 [tilespmem:s12], [sflag:$0x3], $0x80, s31, s13, $0xb8;
	[tilespmem:$0x1A800] =	vst v63  }
0x32: {  	_ =	swait.ge [sflag:s20], $0x3E80  }
0x33: {  	[sflag:s20] =	ssyncset.done $0x0  }
0x34: {  	s23 =	simm.s32 $0x380;
	s22 =	simm.s32 $0xFFFF7000;
	[sflag:s20] =	ssyncadd.s32 $0xFFFFC180  }
.LBB2_2:
0x35: {  	[spmem:s1] =	stream.indirect.scatter.add.f32 [tilespmem:s12], [sflag:$0x4], $0x80, s23, s13, $0xb8;
	[tilespmem:$0x1A800] =	vst v63  }
0x36: {  	s23 =	smov.u32 s22  }
0x37: {  	p0 =	sne.s32 s22, $0xFFFFF800;
	s22 =	sadd.s32 $0x800, s22;
	_ =	swait.ge [sflag:s17], $0x3E80  }
0x38: {  	s23 =	sshra.s32 s23, $0x2;
	[sflag:s17] =	ssyncset.done $0x0  }
0x39: {  	s24 =	sadd.s32 $0x2800, s23;
	[sflag:s17] =	ssyncadd.s32 $0xFFFFC180  }
0x3a: {  	[spmem:s1] =	stream.indirect.scatter.add.f32 [tilespmem:s12], [sflag:$0x1], $0x80, s24, s13, $0xb8;
	[tilespmem:$0x1A800] =	vst v63  }
0x3b: {  	_ =	swait.ge [sflag:s18], $0x3E80  }
0x3c: {  	[sflag:s18] =	ssyncset.done $0x0  }
0x3d: {  	s24 =	sadd.s32 $0x2880, s23;
	[sflag:s18] =	ssyncadd.s32 $0xFFFFC180  }
0x3e: {  	[spmem:s1] =	stream.indirect.scatter.add.f32 [tilespmem:s12], [sflag:$0x2], $0x80, s24, s13, $0xb8;
	[tilespmem:$0x1A800] =	vst v63  }
0x3f: {  	_ =	swait.ge [sflag:s19], $0x3E80  }
0x40: {  	[sflag:s19] =	ssyncset.done $0x0  }
.Ltmp0:
0x41: {  	s24 =	sadd.s32 $0x2900, s23;
	[sflag:s19] =	ssyncadd.s32 $0xFFFFC180;
	(pc) =	sbr.rel @p0 .LBB2_2-.Ltmp0, $4  }
0x42: {  	[spmem:s1] =	stream.indirect.scatter.add.f32 [tilespmem:s12], [sflag:$0x3], $0x80, s24, s13, $0xb8;
	[tilespmem:$0x1A800] =	vst v63  }
0x43: {  	_ =	swait.ge [sflag:s20], $0x3E80  }
0x44: {  	[sflag:s20] =	ssyncset.done $0x0  }
0x45: {  	s23 =	sadd.s32 $0x2980, s23;
	[sflag:s20] =	ssyncadd.s32 $0xFFFFC180  }
0x46: {  	[spmem:s1] =	stream.indirect.scatter.add.f32 [tilespmem:s12], [sflag:$0x4], $0x80, s23, s13, $0xb8;
	[tilespmem:$0x1A800] =	vst v63  }
0x47: {  	_ =	swait.ge [sflag:s17], $0x3E80  }
0x48: {  	[sflag:s17] =	ssyncset.done $0x0  }
0x49: {  	[sflag:s17] =	ssyncadd.s32 $0xFFFFC180  }
0x4a: {  	_ =	swait.ge [sflag:s18], $0x3E80  }
0x4b: {  	[sflag:s18] =	ssyncset.done $0x0  }
0x4c: {  	[sflag:s18] =	ssyncadd.s32 $0xFFFFC180  }
0x4d: {  	_ =	swait.ge [sflag:s19], $0x3E80  }
0x4e: {  	[sflag:s19] =	ssyncset.done $0x0  }
0x4f: {  	[sflag:s19] =	ssyncadd.s32 $0xFFFFC180  }
0x50: {  	_ =	swait.ge [sflag:s20], $0x3E80  }
0x51: {  	s21 =	sadd.s32 $0x1, s21;
	[sflag:s20] =	ssyncset.done $0x0  }
0x52: {  	p0 =	sne.s32 s21, s9;
	[sflag:s20] =	ssyncadd.s32 $0xFFFFC180  }
.Ltmp1:
0x53: {  	[bflag:$0x0] =	sbarrier.arrive $0xFFFF;
	(pc) =	sbr.rel @p0 .LBB2_1-.Ltmp1, $4  }
0x54: {  	[hbm:s8], [sflag:s6] =	dma.local [spmem:s10], $0x2800  }
0x55: {  	_ =	swait.ge [sflag:s11], $0x2800  }
0x56: {  	[sflag:s11] =	ssyncset.done $0x0  }
0x57: {  	[sflag:s11] =	ssyncadd.s32 $0xFFFFD800  }
0x58: {  	_ =	sfence.sel $0x180000  }
0x59: {  	[bflag:$0x0] =	sbarrier.arrive $0xFFFF  }
0x5a: {  	p0 =	sne.s32 s2, $0x0;
	_ =	strace $0x90000047  }
0x5b: {  	s0 =	sadd.s32 @!p0 $0x100000, s0;
	[bflag:$0x2] =	sbarrier.arrive $0xFFFF  }
0x5c: {  	[sflag:s0] =	ssyncadd.tile.s32 @!p0 $0x1;
	_ =	shalt  }
.Lfunc_end2:
_tile_overlayer_lowered:
.L_overlay_start_2:
0x5d: {  	(tag) =	ssettag $0x2  }
0x5e: {  	s0 =	rddreg [dreg:$0x0];
	s2 =	stileid.u32  }
0x5f: {  	s1 =	rddreg [dreg:$0x1];
	p0 =	sne.s32 s2, $0x0  }
0x60: {  	s3 =	rddreg [dreg:$0x2];
	[bflag:$0x3] =	sbarrier.arrive $0xFFFF;
	s2 =	simm.s32 @!p0 $0x1C05  }
0x61: {  	[timem:s3], [sflag:s2] =	dma.local @!p0 [hbm:s0], s1  }
0x62: {  	s0 =	simm.s32 @!p0 $0x5  }
0x63: {  	_ =	swait.ge @!p0 [sflag:s0], s1  }
0x64: {  	s1 =	ssub.s32 @!p0 $0x0, s1;
	[sflag:s0] =	ssyncset.done @!p0 $0x0  }
0x65: {  	[sflag:s0] =	ssyncadd.s32 @!p0 s1  }
0x66: {  	[bflag:$0x3] =	sbarrier.arrive $0xFFFF  }
0x67: {  	_ =	shalt  }

</sc_bundles>
